<compile_context>
chip_gen: v7x
topology: tpu7x:2x2x1
jax: 0.10.2.dev20260603
libtpu: 0.0.44.dev20260713+nightly
codegen_flags: <defaults>
</compile_context>

<pallas_src>
import functools

import jax
import jax.numpy as jnp
from jax import lax
from jax.experimental import pallas as pl
from jax.experimental.pallas import tpu as pltpu
from jax.experimental.pallas import tpu_sc as plsc

_N = 10000
_E = 320000
_D = 128
_DG = 64
_DE = 16
_EPS = 1e-5

_NC = 2
_NS = 16
_EPW = _E // (_NC * _NS)
_C = 128
_CT = _EPW - (_EPW // _C) * _C
_NCHUNK = _EPW // _C
_RPT = 624
_RPT_LAST = _N - _RPT * (_NS - 1)


def _ln(v, g, b):
    mu = jnp.mean(v, axis=-1, keepdims=True)
    d = v - mu
    var = jnp.mean(d * d, axis=-1, keepdims=True)
    return d * lax.rsqrt(var + _EPS) * g + b


def _gelu(v):
    return 0.5 * v * (1.0 + lax.erf(v * 0.7071067811865476))



def _seg_body(with_count, *refs):
    if with_count:
        (h_hbm, src_hbm, dst_hbm, agg_out, cnt_out,
         sidx, didx, rows, zbuf, ones_v, cbuf, acc_sh, cnt_sh,
         gsem0, gsem1) = refs
    else:
        (h_hbm, src_hbm, dst_hbm, agg_out,
         sidx, didx, rows, zbuf, acc_sh, gsem0, gsem1) = refs
    c = lax.axis_index("c")
    s = lax.axis_index("s")

    def _z0(i, _):
        for j in range(_DG // 16):
            zbuf[i, pl.ds(j * 16, 16)] = jnp.zeros((16,), jnp.float32)
        return 0
    lax.fori_loop(0, _RPT_LAST, _z0, 0)
    if with_count:
        for j in range(_RPT_LAST // 16):
            cbuf[pl.ds(j * 16, 16)] = jnp.zeros((16,), jnp.float32)
        for j in range(_C // 16):
            ones_v[pl.ds(j * 16, 16)] = jnp.ones((16,), jnp.float32)

    @pl.when(s < _NS - 1)
    def _():
        pltpu.sync_copy(zbuf.at[pl.ds(0, _RPT)], acc_sh.at[pl.ds(s * _RPT, _RPT)])
        if with_count:
            pltpu.sync_copy(cbuf.at[pl.ds(0, _RPT)],
                            cnt_sh.at[pl.ds(s * _RPT, _RPT)])

    @pl.when(s == _NS - 1)
    def _():
        pltpu.sync_copy(zbuf, acc_sh.at[pl.ds((_NS - 1) * _RPT, _RPT_LAST)])
        if with_count:
            pltpu.sync_copy(cbuf, cnt_sh.at[pl.ds((_NS - 1) * _RPT, _RPT_LAST)])

    ebase = (c * _NS + s) * _EPW
    pltpu.sync_copy(src_hbm.at[pl.ds(ebase, _EPW)], sidx)
    pltpu.sync_copy(dst_hbm.at[pl.ds(ebase, _EPW)], didx)

    def _dbl(i, _):
        v = sidx[pl.ds(i * 16, 16)]
        sidx[pl.ds(i * 16, 16)] = v + v
        return 0
    lax.fori_loop(0, _EPW // 16, _dbl, 0)

    plsc.subcore_barrier()

    def _sl(ref, k):
        return ref.at[pl.ds(k * _C, _C)]

    def _scat(k, b):
        pltpu.sync_copy(rows.at[b], acc_sh.at[_sl(didx, k)], add=True)
        if with_count:
            pltpu.sync_copy(ones_v, cnt_sh.at[_sl(didx, k)], add=True)

    pltpu.async_copy(h_hbm.at[_sl(sidx, 0)], rows.at[0], gsem0)

    def _wait(k, b, sem):
        pltpu.make_async_copy(h_hbm.at[_sl(sidx, k)], rows.at[b], sem).wait()

    def _pair(g, _):
        k0 = 2 * g
        pltpu.async_copy(h_hbm.at[_sl(sidx, k0 + 1)], rows.at[1], gsem1)
        _wait(k0, 0, gsem0)
        _scat(k0, 0)
        pltpu.async_copy(h_hbm.at[_sl(sidx, k0 + 2)], rows.at[0], gsem0)
        _wait(k0 + 1, 1, gsem1)
        _scat(k0 + 1, 1)
        return 0

    if _NCHUNK % 2 == 1:
        lax.fori_loop(0, (_NCHUNK - 1) // 2, _pair, 0)
        _wait(_NCHUNK - 1, 0, gsem0)
        _scat(_NCHUNK - 1, 0)
    else:
        lax.fori_loop(0, _NCHUNK // 2 - 1, _pair, 0)
        pltpu.async_copy(h_hbm.at[_sl(sidx, _NCHUNK - 1)], rows.at[1], gsem1)
        _wait(_NCHUNK - 2, 0, gsem0)
        _scat(_NCHUNK - 2, 0)
        _wait(_NCHUNK - 1, 1, gsem1)
        _scat(_NCHUNK - 1, 1)

    if _CT:
        tb = _NCHUNK * _C
        pltpu.async_copy(h_hbm.at[sidx.at[pl.ds(tb, _CT)]],
                         rows.at[0, pl.ds(0, _CT)], gsem0).wait()
        pltpu.sync_copy(rows.at[0, pl.ds(0, _CT)],
                        acc_sh.at[didx.at[pl.ds(tb, _CT)]], add=True)
        if with_count:
            pltpu.sync_copy(ones_v.at[pl.ds(0, _CT)],
                            cnt_sh.at[didx.at[pl.ds(tb, _CT)]], add=True)

    plsc.subcore_barrier()

    @pl.when(s < _NS - 1)
    def _():
        pltpu.sync_copy(acc_sh.at[pl.ds(s * _RPT, _RPT)], zbuf.at[pl.ds(0, _RPT)])
        pltpu.sync_copy(zbuf.at[pl.ds(0, _RPT)], agg_out.at[c, pl.ds(s * _RPT, _RPT)])
        if with_count:
            pltpu.sync_copy(cnt_sh.at[pl.ds(s * _RPT, _RPT)],
                            cbuf.at[pl.ds(0, _RPT)])
            pltpu.sync_copy(cbuf.at[pl.ds(0, _RPT)],
                            cnt_out.at[c, pl.ds(s * _RPT, _RPT)])

    @pl.when(s == _NS - 1)
    def _():
        pltpu.sync_copy(acc_sh.at[pl.ds((_NS - 1) * _RPT, _RPT_LAST)], zbuf)
        pltpu.sync_copy(zbuf, agg_out.at[c, pl.ds((_NS - 1) * _RPT, _RPT_LAST)])
        if with_count:
            pltpu.sync_copy(cnt_sh.at[pl.ds((_NS - 1) * _RPT, _RPT_LAST)], cbuf)
            pltpu.sync_copy(cbuf, cnt_out.at[c, pl.ds((_NS - 1) * _RPT, _RPT_LAST)])


def _make_seg(with_count):
    mesh = plsc.VectorSubcoreMesh(
        core_axis_name="c", subcore_axis_name="s",
        num_cores=_NC, num_subcores=_NS)
    out_type = [jax.ShapeDtypeStruct((_NC, _N, _DG), jnp.float32)]
    scratch = [
        pltpu.VMEM((_EPW,), jnp.int32),
        pltpu.VMEM((_EPW,), jnp.int32),
        pltpu.VMEM((2, _C, _DG), jnp.float32),
        pltpu.VMEM((_RPT_LAST, _DG), jnp.float32),
    ]
    if with_count:
        out_type.append(jax.ShapeDtypeStruct((_NC, _N), jnp.float32))
        scratch.append(pltpu.VMEM((_C,), jnp.float32))
        scratch.append(pltpu.VMEM((_RPT_LAST,), jnp.float32))
    scratch.append(pltpu.VMEM_SHARED((_N, _DG), jnp.float32))
    if with_count:
        scratch.append(pltpu.VMEM_SHARED((_N,), jnp.float32))
    scratch.append(pltpu.SemaphoreType.DMA)
    scratch.append(pltpu.SemaphoreType.DMA)
    return pl.kernel(
        functools.partial(_seg_body, with_count),
        out_type=tuple(out_type) if with_count else out_type[0],
        mesh=mesh,
        compiler_params=pltpu.CompilerParams(use_tc_tiling_on_sc=False),
        scratch_types=scratch,
    )



_RB = 1000
_NRB = _N // _RB


def _pre_body(x_ref, pg, pb, ng, nb, wr, bl,
              x2_ref, h2w_ref, y1b_ref):
    h = _gelu(_ln(x_ref[...], pg[...], pb[...]))
    x1 = h[:, :_DG]
    x2 = h[:, _DG:]
    h2 = jax.nn.relu(_ln(x2, ng[...], nb[...]))
    x2_ref[...] = x2
    h2w_ref[...] = jnp.concatenate(
        [h2, jnp.zeros((_RB, _D - _DG), jnp.float32)], axis=1)
    y1b_ref[...] = x1 + jnp.dot(h2, wr[...].T,
                                preferred_element_type=jnp.float32) + bl[...]


def _mid_body(aggp, cntp, y1b, x2_ref, wl, ng, nb, wr, bl,
              y1_ref, g1w_ref, y2b_ref, inv_ref):
    cnt = cntp[0] + cntp[1]
    inv = 1.0 / jnp.maximum(cnt, 1.0)
    agg = (aggp[0] + aggp[1]) * inv
    y1 = y1b[...] + jnp.dot(agg, wl[...].T,
                            preferred_element_type=jnp.float32)
    g1 = jax.nn.relu(_ln(y1, ng[...], nb[...]))
    y1_ref[...] = y1
    g1w_ref[...] = jnp.concatenate(
        [g1, jnp.zeros((_RB, _D - _DG), jnp.float32)], axis=1)
    y2b_ref[...] = x2_ref[...] + jnp.dot(
        g1, wr[...].T, preferred_element_type=jnp.float32) + bl[...]
    inv_ref[...] = inv


def _post_body(aggp, inv_ref, y1_ref, y2b, xres, wl, lg, lb, out_ref):
    agg = (aggp[0] + aggp[1]) * inv_ref[...]
    y2 = y2b[...] + jnp.dot(agg, wl[...].T,
                            preferred_element_type=jnp.float32)
    h = jnp.concatenate([y1_ref[...], y2], axis=1) + xres[...]
    out_ref[...] = _ln(h, lg[...], lb[...])


_EB = 2000
_NEB = (_E // 8) // _EB


def _edge_body(ea, m_ref, wb_ref, g1, b1, bt, g2, b2, out_ref):
    a = ea[...]
    m = m_ref[...]
    mu = jnp.dot(a, m, preferred_element_type=jnp.float32)
    d = a - mu
    var = jnp.dot(d * d, m, preferred_element_type=jnp.float32)
    h = _gelu(d * lax.rsqrt(var + _EPS) * g1[...] + b1[...])
    e = jnp.dot(h, wb_ref[...], preferred_element_type=jnp.float32) + bt[...] + a
    mu2 = jnp.dot(e, m, preferred_element_type=jnp.float32)
    d2 = e - mu2
    var2 = jnp.dot(d2 * d2, m, preferred_element_type=jnp.float32)
    out_ref[...] = d2 * lax.rsqrt(var2 + _EPS) * g2[...] + b2[...]


def _vec_spec(n):
    return pl.BlockSpec((n,), lambda i: (0,))


def _mat_spec(r, c):
    return pl.BlockSpec((r, c), lambda i: (0, 0))



def kernel(x, edge_index, edge_weights, edge_attr, pre_g, pre_b, ln_g, ln_b,
           b0_ng, b0_nb, b0_Wl, b0_bl, b0_Wr, b1_ng, b1_nb, b1_Wl, b1_bl,
           b1_Wr, et_ng, et_nb, et_W, et_b, en_g, en_b):
    src = edge_index[0]
    dst = edge_index[1]

    x2, h2w, y1b = pl.pallas_call(
        _pre_body,
        grid=(_NRB,),
        in_specs=[
            pl.BlockSpec((_RB, _D), lambda i: (i, 0)),
            _vec_spec(_D), _vec_spec(_D),
            _vec_spec(_DG), _vec_spec(_DG),
            _mat_spec(_DG, _DG), _vec_spec(_DG),
        ],
        out_specs=[
            pl.BlockSpec((_RB, _DG), lambda i: (i, 0)),
            pl.BlockSpec((_RB, _D), lambda i: (i, 0)),
            pl.BlockSpec((_RB, _DG), lambda i: (i, 0)),
        ],
        out_shape=[
            jax.ShapeDtypeStruct((_N, _DG), jnp.float32),
            jax.ShapeDtypeStruct((_N, _D), jnp.float32),
            jax.ShapeDtypeStruct((_N, _DG), jnp.float32),
        ],
    )(x, pre_g, pre_b, b0_ng, b0_nb, b0_Wr, b0_bl)

    agg0_p, cnt_p = _make_seg(True)(h2w.reshape(2 * _N, _DG), src, dst)
    cnt3 = cnt_p.reshape(_NC, _N, 1)

    y1, g1w, y2b, inv = pl.pallas_call(
        _mid_body,
        grid=(_NRB,),
        in_specs=[
            pl.BlockSpec((_NC, _RB, _DG), lambda i: (0, i, 0)),
            pl.BlockSpec((_NC, _RB, 1), lambda i: (0, i, 0)),
            pl.BlockSpec((_RB, _DG), lambda i: (i, 0)),
            pl.BlockSpec((_RB, _DG), lambda i: (i, 0)),
            _mat_spec(_DG, _DG),
            _vec_spec(_DG), _vec_spec(_DG),
            _mat_spec(_DG, _DG), _vec_spec(_DG),
        ],
        out_specs=[
            pl.BlockSpec((_RB, _DG), lambda i: (i, 0)),
            pl.BlockSpec((_RB, _D), lambda i: (i, 0)),
            pl.BlockSpec((_RB, _DG), lambda i: (i, 0)),
            pl.BlockSpec((_RB, 1), lambda i: (i, 0)),
        ],
        out_shape=[
            jax.ShapeDtypeStruct((_N, _DG), jnp.float32),
            jax.ShapeDtypeStruct((_N, _D), jnp.float32),
            jax.ShapeDtypeStruct((_N, _DG), jnp.float32),
            jax.ShapeDtypeStruct((_N, 1), jnp.float32),
        ],
    )(agg0_p, cnt3, y1b, x2, b0_Wl, b1_ng, b1_nb, b1_Wr, b1_bl)

    agg1_p = _make_seg(False)(g1w.reshape(2 * _N, _DG), src, dst)

    x_out = pl.pallas_call(
        _post_body,
        grid=(_NRB,),
        in_specs=[
            pl.BlockSpec((_NC, _RB, _DG), lambda i: (0, i, 0)),
            pl.BlockSpec((_RB, 1), lambda i: (i, 0)),
            pl.BlockSpec((_RB, _DG), lambda i: (i, 0)),
            pl.BlockSpec((_RB, _DG), lambda i: (i, 0)),
            pl.BlockSpec((_RB, _D), lambda i: (i, 0)),
            _mat_spec(_DG, _DG),
            _vec_spec(_D), _vec_spec(_D),
        ],
        out_specs=pl.BlockSpec((_RB, _D), lambda i: (i, 0)),
        out_shape=jax.ShapeDtypeStruct((_N, _D), jnp.float32),
    )(agg1_p, inv, y1, y2b, x, b1_Wl, ln_g, ln_b)

    eye8 = jnp.eye(8, dtype=jnp.float32)
    mmat = jnp.kron(eye8, jnp.full((_DE, _DE), 1.0 / _DE, jnp.float32))
    wbig = jnp.kron(eye8, et_W.T)
    ea2 = edge_attr.reshape(_E // 8, _D)
    e2 = pl.pallas_call(
        _edge_body,
        grid=(_NEB,),
        in_specs=[
            pl.BlockSpec((_EB, _D), lambda i: (i, 0)),
            _mat_spec(_D, _D), _mat_spec(_D, _D),
            _vec_spec(_D), _vec_spec(_D), _vec_spec(_D),
            _vec_spec(_D), _vec_spec(_D),
        ],
        out_specs=pl.BlockSpec((_EB, _D), lambda i: (i, 0)),
        out_shape=jax.ShapeDtypeStruct((_E // 8, _D), jnp.float32),
    )(ea2, mmat, wbig, jnp.tile(et_ng, 8), jnp.tile(et_nb, 8),
      jnp.tile(et_b, 8), jnp.tile(en_g, 8), jnp.tile(en_b, 8))
    e_out = e2.reshape(_E, _DE)

    return (x_out, edge_index, edge_weights, e_out)

# --- scband reference (transcript-rebuilt; emitter-appended) ---
"""Pipeline reference for scband-gspade-layer-21277267984969 (READ-ONLY COPY).

The authoritative reference and input builder live on the scoring server;
editing this copy changes nothing except your own understanding.
"""

import jax, jax.numpy as jnp
import numpy as np

N = 10000
E = 320000
D = 128
DE = 16
DG = D // 2

def _ln(x, g, b, eps=1e-5):
    mu = jnp.mean(x, axis=-1, keepdims=True)
    var = jnp.mean((x - mu) ** 2, axis=-1, keepdims=True)
    return (x - mu) / jnp.sqrt(var + eps) * g + b

def _sage(x, src, dst, Wl, bl, Wr, n):
    agg = jax.ops.segment_sum(x[src], dst, num_segments=n)
    cnt = jax.ops.segment_sum(jnp.ones((src.shape[0],), x.dtype), dst, num_segments=n)
    agg = agg / jnp.clip(cnt, 1.0, None)[:, None]
    return agg @ Wl.T + bl + x @ Wr.T

def _rev_block(x, src, dst, ng, nb, Wl, bl, Wr, n):
    h = jax.nn.relu(_ln(x, ng, nb))
    return _sage(h, src, dst, Wl, bl, Wr, n)

def setup_inputs(seed: int = 0):
    key = jax.random.key(seed)
    k = [jax.random.fold_in(key, i) for i in range(16)]
    s = 1.0 / np.sqrt(DG)
    inp = {
        "x": jax.random.normal(k[0], (N, D), jnp.float32),
        "edge_index": jax.random.randint(k[1], (2, E), 0, N, jnp.int32),
        "edge_weights": jax.random.uniform(k[2], (E,), jnp.float32),
        "edge_attr": jax.random.normal(k[3], (E, DE), jnp.float32),
        "pre_g": jnp.ones((D,), jnp.float32),
        "pre_b": jnp.zeros((D,), jnp.float32),
        "ln_g": jnp.ones((D,), jnp.float32),
        "ln_b": jnp.zeros((D,), jnp.float32),
        "b0_ng": jnp.ones((DG,), jnp.float32),
        "b0_nb": jnp.zeros((DG,), jnp.float32),
        "b0_Wl": jax.random.normal(k[4], (DG, DG), jnp.float32) * s,
        "b0_bl": jnp.zeros((DG,), jnp.float32),
        "b0_Wr": jax.random.normal(k[5], (DG, DG), jnp.float32) * s,
        "b1_ng": jnp.ones((DG,), jnp.float32),
        "b1_nb": jnp.zeros((DG,), jnp.float32),
        "b1_Wl": jax.random.normal(k[6], (DG, DG), jnp.float32) * s,
        "b1_bl": jnp.zeros((DG,), jnp.float32),
        "b1_Wr": jax.random.normal(k[7], (DG, DG), jnp.float32) * s,
        "et_ng": jnp.ones((DE,), jnp.float32),
        "et_nb": jnp.zeros((DE,), jnp.float32),
        "et_W": jax.random.normal(k[8], (DE, DE), jnp.float32) * (1.0 / np.sqrt(DE)),
        "et_b": jnp.zeros((DE,), jnp.float32),
        "en_g": jnp.ones((DE,), jnp.float32),
        "en_b": jnp.zeros((DE,), jnp.float32),
    }
    return inp

def reference(x, edge_index, edge_weights, edge_attr, pre_g, pre_b, ln_g, ln_b, b0_ng, b0_nb, b0_Wl, b0_bl, b0_Wr, b1_ng, b1_nb, b1_Wl, b1_bl, b1_Wr, et_ng, et_nb, et_W, et_b, en_g, en_b):
    n = x.shape[0]
    src, dst = edge_index[0], edge_index[1]
    x_res = x
    h = jax.nn.gelu(_ln(x, pre_g, pre_b), approximate=False)
    x1, x2 = h[:, :DG], h[:, DG:]
    # GroupAddRev with num_groups=2: y_in = sum(xs[1:]) = x2
    y1 = x1 + _rev_block(x2, src, dst, b0_ng, b0_nb, b0_Wl, b0_bl, b0_Wr, n)
    y2 = x2 + _rev_block(y1, src, dst, b1_ng, b1_nb, b1_Wl, b1_bl, b1_Wr, n)
    h = jnp.concatenate([y1, y2], axis=-1)
    x_out = _ln(h + x_res, ln_g, ln_b)
    e = jax.nn.gelu(_ln(edge_attr, et_ng, et_nb), approximate=False)
    e = e @ et_W.T + et_b + edge_attr
    e_out = _ln(e, en_g, en_b)
    return (x_out, edge_index, edge_weights, e_out)

if __name__ == "__main__":
    import jax
    _d = setup_inputs()
    print(jax.jit(kernel)(*tuple(_d.values())))

</pallas_src>

<mosaic_0001>
#map = affine_map<(d0, d1) -> (0, 0)>
#map1 = affine_map<(d0, d1) -> (0)>
#map2 = affine_map<(d0, d1) -> (0, 0, 0)>
module attributes {stable_mosaic.version = 14 : i64} {
  func.func @_seg_body(%arg0: i32, %arg1: i32, %arg2: memref<20000x64xf32, #tpu.memory_space<hbm>>, %arg3: memref<320000xi32, #tpu.memory_space<hbm>>, %arg4: memref<320000xi32, #tpu.memory_space<hbm>>, %arg5: memref<2x10000x64xf32, #tpu.memory_space<hbm>>, %arg6: memref<10000xi32, #tpu.memory_space<vmem>>, %arg7: memref<10000xi32, #tpu.memory_space<vmem>>, %arg8: memref<2x128x64xf32, #tpu.memory_space<vmem>>, %arg9: memref<640x64xf32, #tpu.memory_space<vmem>>, %arg10: memref<10000x64xf32, #tpu.memory_space<vmem_shared>>, %arg11: memref<!tpu.dma_semaphore, #tpu.memory_space<semaphore_mem>>, %arg12: memref<!tpu.dma_semaphore, #tpu.memory_space<semaphore_mem>>) attributes {dimension_semantics = [#tpu.dimension_semantics<core_parallel>, #tpu.dimension_semantics<subcore_parallel>], iteration_bounds = array<i64: 2, 16>, scalar_prefetch = 0 : i64, scratch_operands = 7 : i64, tpu.core_type = #tpu.core_type<sc_vector_subcore>, window_params = [{transform_indices = #map}, {transform_indices = #map1}, {transform_indices = #map1}, {transform_indices = #map2}]} {
    %scan3A = arith.constant 0 : i32
    %scan3A_0 = arith.constant 0 : i32
    %scan3A_1 = arith.constant 640 : i32
    %scan3A_2 = arith.addi %scan3A_0, %scan3A_1 : i32
    %scan3A_3 = arith.constant 1 : i32
    %scan3A_4 = scf.for %scan3A_100 = %scan3A_0 to %scan3A_2 step %scan3A_3 iter_args(%scan3A_101 = %scan3A) -> (i32)  : i32 {
      %broadcast_in_dim3A = arith.constant 0.000000e+00 : f32
      %broadcast_in_dim3A_102 = vector.broadcast %broadcast_in_dim3A : f32 to vector<16xf32>
      %swap3A = arith.index_cast %scan3A_100 : i32 to index
      %swap3A_103 = arith.constant 0 : index
      %swap3A_104 = tpu.vector_load %arg9[%swap3A, %swap3A_103] {strides = array<i32>} : memref<640x64xf32, #tpu.memory_space<vmem>>, vector<1x16xf32>,
      %swap3A_105 = vector.shape_cast %swap3A_104 : vector<1x16xf32> to vector<16xf32>
      %swap3A_106 = vector.shape_cast %broadcast_in_dim3A_102 : vector<16xf32> to vector<1x16xf32>
      tpu.vector_store %arg9[%swap3A, %swap3A_103], %swap3A_106 {strides = array<i32>} : memref<640x64xf32, #tpu.memory_space<vmem>>, vector<1x16xf32>,
      %broadcast_in_dim3A_107 = arith.constant 0.000000e+00 : f32
      %broadcast_in_dim3A_108 = vector.broadcast %broadcast_in_dim3A_107 : f32 to vector<16xf32>
      %swap3A_109 = arith.index_cast %scan3A_100 : i32 to index
      %swap3A_110 = arith.constant 16 : index
      %swap3A_111 = tpu.vector_load %arg9[%swap3A_109, %swap3A_110] {strides = array<i32>} : memref<640x64xf32, #tpu.memory_space<vmem>>, vector<1x16xf32>,
      %swap3A_112 = vector.shape_cast %swap3A_111 : vector<1x16xf32> to vector<16xf32>
      %swap3A_113 = vector.shape_cast %broadcast_in_dim3A_108 : vector<16xf32> to vector<1x16xf32>
      tpu.vector_store %arg9[%swap3A_109, %swap3A_110], %swap3A_113 {strides = array<i32>} : memref<640x64xf32, #tpu.memory_space<vmem>>, vector<1x16xf32>,
      %broadcast_in_dim3A_114 = arith.constant 0.000000e+00 : f32
      %broadcast_in_dim3A_115 = vector.broadcast %broadcast_in_dim3A_114 : f32 to vector<16xf32>
      %swap3A_116 = arith.index_cast %scan3A_100 : i32 to index
      %swap3A_117 = arith.constant 32 : index
      %swap3A_118 = tpu.vector_load %arg9[%swap3A_116, %swap3A_117] {strides = array<i32>} : memref<640x64xf32, #tpu.memory_space<vmem>>, vector<1x16xf32>,
      %swap3A_119 = vector.shape_cast %swap3A_118 : vector<1x16xf32> to vector<16xf32>
      %swap3A_120 = vector.shape_cast %broadcast_in_dim3A_115 : vector<16xf32> to vector<1x16xf32>
      tpu.vector_store %arg9[%swap3A_116, %swap3A_117], %swap3A_120 {strides = array<i32>} : memref<640x64xf32, #tpu.memory_space<vmem>>, vector<1x16xf32>,
      %broadcast_in_dim3A_121 = arith.constant 0.000000e+00 : f32
      %broadcast_in_dim3A_122 = vector.broadcast %broadcast_in_dim3A_121 : f32 to vector<16xf32>
      %swap3A_123 = arith.index_cast %scan3A_100 : i32 to index
      %swap3A_124 = arith.constant 48 : index
      %swap3A_125 = tpu.vector_load %arg9[%swap3A_123, %swap3A_124] {strides = array<i32>} : memref<640x64xf32, #tpu.memory_space<vmem>>, vector<1x16xf32>,
      %swap3A_126 = vector.shape_cast %swap3A_125 : vector<1x16xf32> to vector<16xf32>
      %swap3A_127 = vector.shape_cast %broadcast_in_dim3A_122 : vector<16xf32> to vector<1x16xf32>
      tpu.vector_store %arg9[%swap3A_123, %swap3A_124], %swap3A_127 {strides = array<i32>} : memref<640x64xf32, #tpu.memory_space<vmem>>, vector<1x16xf32>,
      %scan3A_128 = arith.constant 0 : i32
      scf.yield %scan3A_128 : i32
    }
    %scan3A_5 = arith.constant 640 : i32
    %lt3A = arith.constant 15 : i32
    %lt3A_6 = arith.cmpi slt, %arg1, %lt3A : i32
    %convert_element_type3A = arith.extui %lt3A_6 : i1 to i32
    %cond3A = arith.constant 0 : i32
    %cond3A_7 = arith.cmpi ne, %convert_element_type3A, %cond3A : i32
    scf.if %cond3A_7 {
      %mul3A_100 = arith.constant 624 : i32
      %mul3A_101 = arith.muli %arg1, %mul3A_100 : i32
      "tpu.region"() ({
        %run_scoped3A_102 = tpu.sem_alloc : memref<!tpu.dma_semaphore, #tpu.memory_space<semaphore_mem>>
        %dma_start3A_103 = arith.constant 0 : i32
        %dma_start3A_104 = arith.constant 0 : i32
        %dma_start3A_105 = tpu.memref_slice %arg9[%dma_start3A_103, %dma_start3A_104] : memref<640x64xf32, #tpu.memory_space<vmem>> -> memref<624x64xf32, #tpu.memory_space<vmem>>
        %dma_start3A_106 = arith.constant 0 : i32
        %dma_start3A_107 = tpu.memref_slice %arg10[%mul3A_101, %dma_start3A_106] : memref<10000x64xf32, #tpu.memory_space<vmem_shared>> -> memref<624x64xf32, #tpu.memory_space<vmem_shared>>
        %dma_start3A_108 = arith.constant 0 : i32
        %dma_start3A_109 = tpu.memref_slice %arg10[%mul3A_101, %dma_start3A_108] : memref<10000x64xf32, #tpu.memory_space<vmem_shared>> -> memref<624x64xf32, #tpu.memory_space<vmem_shared>>
        %dma_start3A_110 = arith.constant 0 : i32
        %dma_start3A_111 = arith.constant 0 : i32
        %dma_start3A_112 = tpu.memref_slice %arg9[%dma_start3A_110, %dma_start3A_111] : memref<640x64xf32, #tpu.memory_space<vmem>> -> memref<624x64xf32, #tpu.memory_space<vmem>>
        tpu.enqueue_dma source(%dma_start3A_112 : memref<624x64xf32, #tpu.memory_space<vmem>>) target(%dma_start3A_109 : memref<624x64xf32, #tpu.memory_space<vmem_shared>>) target_semaphore(%run_scoped3A_102 : memref<!tpu.dma_semaphore, #tpu.memory_space<semaphore_mem>>)
        %dma_wait3A_113 = arith.constant 0 : i32
        %dma_wait3A_114 = arith.constant 0 : i32
        %dma_wait3A_115 = tpu.memref_slice %arg9[%dma_wait3A_113, %dma_wait3A_114] : memref<640x64xf32, #tpu.memory_space<vmem>> -> memref<624x64xf32, #tpu.memory_space<vmem>>
        %dma_wait3A_116 = arith.constant 0 : i32
        %dma_wait3A_117 = tpu.memref_slice %arg10[%mul3A_101, %dma_wait3A_116] : memref<10000x64xf32, #tpu.memory_space<vmem_shared>> -> memref<624x64xf32, #tpu.memory_space<vmem_shared>>
        %dma_wait3A_118 = arith.constant 0 : i32
        %dma_wait3A_119 = tpu.memref_slice %arg10[%mul3A_101, %dma_wait3A_118] : memref<10000x64xf32, #tpu.memory_space<vmem_shared>> -> memref<624x64xf32, #tpu.memory_space<vmem_shared>>
        %dma_wait3A_120 = arith.constant 0 : i32
        %dma_wait3A_121 = arith.constant 0 : i32
        %dma_wait3A_122 = tpu.memref_slice %arg9[%dma_wait3A_120, %dma_wait3A_121] : memref<640x64xf32, #tpu.memory_space<vmem>> -> memref<624x64xf32, #tpu.memory_space<vmem>>
        tpu.wait_dma2 semaphore(%run_scoped3A_102 : memref<!tpu.dma_semaphore, #tpu.memory_space<semaphore_mem>>) src(%dma_wait3A_122 : memref<624x64xf32, #tpu.memory_space<vmem>>) dst(%dma_wait3A_119 : memref<624x64xf32, #tpu.memory_space<vmem_shared>>)
        tpu.yield
      }) : () -> ()
    } else {
    }
    %eq3A = arith.constant 15 : i32
    %eq3A_8 = arith.cmpi eq, %arg1, %eq3A : i32
    %convert_element_type3A_9 = arith.extui %eq3A_8 : i1 to i32
    %cond3A_10 = arith.constant 0 : i32
    %cond3A_11 = arith.cmpi ne, %convert_element_type3A_9, %cond3A_10 : i32
    scf.if %cond3A_11 {
      "tpu.region"() ({
        %run_scoped3A_100 = tpu.sem_alloc : memref<!tpu.dma_semaphore, #tpu.memory_space<semaphore_mem>>
        %dma_start3A_101 = arith.constant 9360 : i32
        %dma_start3A_102 = arith.constant 0 : i32
        %dma_start3A_103 = tpu.memref_slice %arg10[%dma_start3A_101, %dma_start3A_102] : memref<10000x64xf32, #tpu.memory_space<vmem_shared>> -> memref<640x64xf32, #tpu.memory_space<vmem_shared>>
        %dma_start3A_104 = arith.constant 9360 : i32
        %dma_start3A_105 = arith.constant 0 : i32
        %dma_start3A_106 = tpu.memref_slice %arg10[%dma_start3A_104, %dma_start3A_105] : memref<10000x64xf32, #tpu.memory_space<vmem_shared>> -> memref<640x64xf32, #tpu.memory_space<vmem_shared>>
        tpu.enqueue_dma source(%arg9 : memref<640x64xf32, #tpu.memory_space<vmem>>) target(%dma_start3A_106 : memref<640x64xf32, #tpu.memory_space<vmem_shared>>) target_semaphore(%run_scoped3A_100 : memref<!tpu.dma_semaphore, #tpu.memory_space<semaphore_mem>>)
        %dma_wait3A_107 = arith.constant 9360 : i32
        %dma_wait3A_108 = arith.constant 0 : i32
        %dma_wait3A_109 = tpu.memref_slice %arg10[%dma_wait3A_107, %dma_wait3A_108] : memref<10000x64xf32, #tpu.memory_space<vmem_shared>> -> memref<640x64xf32, #tpu.memory_space<vmem_shared>>
        %dma_wait3A_110 = arith.constant 9360 : i32
        %dma_wait3A_111 = arith.constant 0 : i32
        %dma_wait3A_112 = tpu.memref_slice %arg10[%dma_wait3A_110, %dma_wait3A_111] : memref<10000x64xf32, #tpu.memory_space<vmem_shared>> -> memref<640x64xf32, #tpu.memory_space<vmem_shared>>
        tpu.wait_dma2 semaphore(%run_scoped3A_100 : memref<!tpu.dma_semaphore, #tpu.memory_space<semaphore_mem>>) src(%arg9 : memref<640x64xf32, #tpu.memory_space<vmem>>) dst(%dma_wait3A_112 : memref<640x64xf32, #tpu.memory_space<vmem_shared>>)
        tpu.yield
      }) : () -> ()
    } else {
    }
    %mul3A = arith.constant 16 : i32
    %mul3A_12 = arith.muli %arg0, %mul3A : i32
    %add3A = arith.addi %mul3A_12, %arg1 : i32
    %mul3A_13 = arith.constant 10000 : i32
    %mul3A_14 = arith.muli %add3A, %mul3A_13 : i32
    "tpu.region"() ({
      %run_scoped3A_100 = tpu.sem_alloc : memref<!tpu.dma_semaphore, #tpu.memory_space<semaphore_mem>>
      %dma_start3A_101 = tpu.memref_slice %arg3[%mul3A_14] : memref<320000xi32, #tpu.memory_space<hbm>> -> memref<10000xi32, #tpu.memory_space<hbm>>
      %dma_start3A_102 = tpu.memref_slice %arg3[%mul3A_14] : memref<320000xi32, #tpu.memory_space<hbm>> -> memref<10000xi32, #tpu.memory_space<hbm>>
      tpu.enqueue_dma source(%dma_start3A_102 : memref<10000xi32, #tpu.memory_space<hbm>>) target(%arg6 : memref<10000xi32, #tpu.memory_space<vmem>>) target_semaphore(%run_scoped3A_100 : memref<!tpu.dma_semaphore, #tpu.memory_space<semaphore_mem>>)
      %dma_wait3A_103 = tpu.memref_slice %arg3[%mul3A_14] : memref<320000xi32, #tpu.memory_space<hbm>> -> memref<10000xi32, #tpu.memory_space<hbm>>
      %dma_wait3A_104 = tpu.memref_slice %arg3[%mul3A_14] : memref<320000xi32, #tpu.memory_space<hbm>> -> memref<10000xi32, #tpu.memory_space<hbm>>
      tpu.wait_dma2 semaphore(%run_scoped3A_100 : memref<!tpu.dma_semaphore, #tpu.memory_space<semaphore_mem>>) src(%dma_wait3A_104 : memref<10000xi32, #tpu.memory_space<hbm>>) dst(%arg6 : memref<10000xi32, #tpu.memory_space<vmem>>)
      tpu.yield
    }) : () -> ()
    "tpu.region"() ({
      %run_scoped3A_100 = tpu.sem_alloc : memref<!tpu.dma_semaphore, #tpu.memory_space<semaphore_mem>>
      %dma_start3A_101 = tpu.memref_slice %arg4[%mul3A_14] : memref<320000xi32, #tpu.memory_space<hbm>> -> memref<10000xi32, #tpu.memory_space<hbm>>
      %dma_start3A_102 = tpu.memref_slice %arg4[%mul3A_14] : memref<320000xi32, #tpu.memory_space<hbm>> -> memref<10000xi32, #tpu.memory_space<hbm>>
      tpu.enqueue_dma source(%dma_start3A_102 : memref<10000xi32, #tpu.memory_space<hbm>>) target(%arg7 : memref<10000xi32, #tpu.memory_space<vmem>>) target_semaphore(%run_scoped3A_100 : memref<!tpu.dma_semaphore, #tpu.memory_space<semaphore_mem>>)
      %dma_wait3A_103 = tpu.memref_slice %arg4[%mul3A_14] : memref<320000xi32, #tpu.memory_space<hbm>> -> memref<10000xi32, #tpu.memory_space<hbm>>
      %dma_wait3A_104 = tpu.memref_slice %arg4[%mul3A_14] : memref<320000xi32, #tpu.memory_space<hbm>> -> memref<10000xi32, #tpu.memory_space<hbm>>
      tpu.wait_dma2 semaphore(%run_scoped3A_100 : memref<!tpu.dma_semaphore, #tpu.memory_space<semaphore_mem>>) src(%dma_wait3A_104 : memref<10000xi32, #tpu.memory_space<hbm>>) dst(%arg7 : memref<10000xi32, #tpu.memory_space<vmem>>)
      tpu.yield
    }) : () -> ()
    %scan3A_15 = arith.constant 0 : i32
    %scan3A_16 = arith.constant 0 : i32
    %scan3A_17 = arith.constant 625 : i32
    %scan3A_18 = arith.addi %scan3A_16, %scan3A_17 : i32
    %scan3A_19 = arith.constant 1 : i32
    %scan3A_20 = scf.for %scan3A_100 = %scan3A_16 to %scan3A_18 step %scan3A_19 iter_args(%scan3A_101 = %scan3A_15) -> (i32)  : i32 {
      %mul3A_102 = arith.constant 16 : i32
      %mul3A_103 = arith.muli %scan3A_100, %mul3A_102 : i32
      %get3A = arith.index_cast %mul3A_103 : i32 to index
      %get3A_104 = tpu.vector_load %arg6[%get3A] {strides = array<i32>} : memref<10000xi32, #tpu.memory_space<vmem>>, vector<16xi32>,
      %get3A_105 = vector.shape_cast %get3A_104 : vector<16xi32> to vector<16xi32>
      %add3A_106 = arith.addi %get3A_105, %get3A_105 : vector<16xi32>
      %mul3A_107 = arith.constant 16 : i32
      %mul3A_108 = arith.muli %scan3A_100, %mul3A_107 : i32
      %swap3A = arith.index_cast %mul3A_108 : i32 to index
      %swap3A_109 = tpu.vector_load %arg6[%swap3A] {strides = array<i32>} : memref<10000xi32, #tpu.memory_space<vmem>>, vector<16xi32>,
      %swap3A_110 = vector.shape_cast %swap3A_109 : vector<16xi32> to vector<16xi32>
      %swap3A_111 = vector.shape_cast %add3A_106 : vector<16xi32> to vector<16xi32>
      tpu.vector_store %arg6[%swap3A], %swap3A_111 {strides = array<i32>} : memref<10000xi32, #tpu.memory_space<vmem>>, vector<16xi32>,
      %scan3A_112 = arith.constant 0 : i32
      scf.yield %scan3A_112 : i32
    }
    %scan3A_21 = arith.constant 625 : i32
    %barrier3A = arith.constant 0 : index
    tpu.barrier barrier_id(%barrier3A)
    %dma_start3A = arith.constant 0 : i32
    %dma_start3A_22 = arith.constant 0 : i32
    %dma_start3A_23 = arith.constant 0 : i32
    %dma_start3A_24 = tpu.memref_slice %arg8[%dma_start3A, %dma_start3A_22, %dma_start3A_23] : memref<2x128x64xf32, #tpu.memory_space<vmem>> -> memref<1x128x64xf32, #tpu.memory_space<vmem>>
    %dma_start3A_25 = tpu.memref_squeeze %dma_start3A_24 : memref<1x128x64xf32, #tpu.memory_space<vmem>> -> memref<128x64xf32, #tpu.memory_space<vmem>>
    %dma_start3A_26 = arith.constant 0 : i32
    %dma_start3A_27 = tpu.memref_slice %arg6[%dma_start3A_26] : memref<10000xi32, #tpu.memory_space<vmem>> -> memref<128xi32, #tpu.memory_space<vmem>>
    %dma_start3A_28 = arith.constant 0 : i32
    %dma_start3A_29 = arith.constant 0 : i32
    %dma_start3A_30 = tpu.memref_slice %arg2[%dma_start3A_28, %dma_start3A_29] : memref<20000x64xf32, #tpu.memory_space<hbm>> -> memref<20000x64xf32, #tpu.memory_space<hbm>>
    tpu.enqueue_indirect_dma source(%dma_start3A_30 : memref<20000x64xf32, #tpu.memory_space<hbm>>) target(%dma_start3A_25 : memref<128x64xf32, #tpu.memory_space<vmem>>) offsets(%dma_start3A_27 : memref<128xi32, #tpu.memory_space<vmem>>) semaphore(%arg11 : memref<!tpu.dma_semaphore, #tpu.memory_space<semaphore_mem>>)
    %scan3A_31 = arith.constant 0 : i32
    %scan3A_32 = arith.constant 0 : i32
    %scan3A_33 = arith.constant 38 : i32
    %scan3A_34 = arith.addi %scan3A_32, %scan3A_33 : i32
    %scan3A_35 = arith.constant 1 : i32
    %scan3A_36 = scf.for %scan3A_100 = %scan3A_32 to %scan3A_34 step %scan3A_35 iter_args(%scan3A_101 = %scan3A_31) -> (i32)  : i32 {
      %mul3A_102 = arith.constant 2 : i32
      %mul3A_103 = arith.muli %mul3A_102, %scan3A_100 : i32
      %add3A_104 = arith.constant 1 : i32
      %add3A_105 = arith.addi %mul3A_103, %add3A_104 : i32
      %mul3A_106 = arith.constant 128 : i32
      %mul3A_107 = arith.muli %add3A_105, %mul3A_106 : i32
      %dma_start3A_108 = arith.constant 1 : i32
      %dma_start3A_109 = arith.constant 0 : i32
      %dma_start3A_110 = arith.constant 0 : i32
      %dma_start3A_111 = tpu.memref_slice %arg8[%dma_start3A_108, %dma_start3A_109, %dma_start3A_110] : memref<2x128x64xf32, #tpu.memory_space<vmem>> -> memref<1x128x64xf32, #tpu.memory_space<vmem>>
      %dma_start3A_112 = tpu.memref_squeeze %dma_start3A_111 : memref<1x128x64xf32, #tpu.memory_space<vmem>> -> memref<128x64xf32, #tpu.memory_space<vmem>>
      %dma_start3A_113 = tpu.memref_slice %arg6[%mul3A_107] : memref<10000xi32, #tpu.memory_space<vmem>> -> memref<128xi32, #tpu.memory_space<vmem>>
      %dma_start3A_114 = arith.constant 0 : i32
      %dma_start3A_115 = arith.constant 0 : i32
      %dma_start3A_116 = tpu.memref_slice %arg2[%dma_start3A_114, %dma_start3A_115] : memref<20000x64xf32, #tpu.memory_space<hbm>> -> memref<20000x64xf32, #tpu.memory_space<hbm>>
      tpu.enqueue_indirect_dma source(%dma_start3A_116 : memref<20000x64xf32, #tpu.memory_space<hbm>>) target(%dma_start3A_112 : memref<128x64xf32, #tpu.memory_space<vmem>>) offsets(%dma_start3A_113 : memref<128xi32, #tpu.memory_space<vmem>>) semaphore(%arg12 : memref<!tpu.dma_semaphore, #tpu.memory_space<semaphore_mem>>)
      %mul3A_117 = arith.constant 128 : i32
      %mul3A_118 = arith.muli %mul3A_103, %mul3A_117 : i32
      %dma_wait3A_119 = arith.constant 0 : i32
      %dma_wait3A_120 = arith.constant 0 : i32
      %dma_wait3A_121 = arith.constant 0 : i32
      %dma_wait3A_122 = tpu.memref_slice %arg8[%dma_wait3A_119, %dma_wait3A_120, %dma_wait3A_121] : memref<2x128x64xf32, #tpu.memory_space<vmem>> -> memref<1x128x64xf32, #tpu.memory_space<vmem>>
      %dma_wait3A_123 = tpu.memref_squeeze %dma_wait3A_122 : memref<1x128x64xf32, #tpu.memory_space<vmem>> -> memref<128x64xf32, #tpu.memory_space<vmem>>
      %dma_wait3A_124 = tpu.memref_slice %arg6[%mul3A_118] : memref<10000xi32, #tpu.memory_space<vmem>> -> memref<128xi32, #tpu.memory_space<vmem>>
      %dma_wait3A_125 = arith.constant 0 : i32
      %dma_wait3A_126 = arith.constant 0 : i32
      %dma_wait3A_127 = tpu.memref_slice %arg2[%dma_wait3A_125, %dma_wait3A_126] : memref<20000x64xf32, #tpu.memory_space<hbm>> -> memref<20000x64xf32, #tpu.memory_space<hbm>>
      tpu.wait_indirect_dma semaphore(%arg11 : memref<!tpu.dma_semaphore, #tpu.memory_space<semaphore_mem>>) src(%dma_wait3A_127 : memref<20000x64xf32, #tpu.memory_space<hbm>>) dst(%dma_wait3A_123 : memref<128x64xf32, #tpu.memory_space<vmem>>)
      %mul3A_128 = arith.constant 128 : i32
      %mul3A_129 = arith.muli %mul3A_103, %mul3A_128 : i32
      %run_scoped3A_130 = arith.constant 0 : i32
      "tpu.region"() ({
        %run_scoped3A_163 = tpu.sem_alloc : memref<!tpu.dma_semaphore, #tpu.memory_space<semaphore_mem>>
        %dma_start3A_164 = arith.constant 0 : i32
        %dma_start3A_165 = arith.constant 0 : i32
        %dma_start3A_166 = tpu.memref_slice %arg8[%run_scoped3A_130, %dma_start3A_164, %dma_start3A_165] : memref<2x128x64xf32, #tpu.memory_space<vmem>> -> memref<1x128x64xf32, #tpu.memory_space<vmem>>
        %dma_start3A_167 = tpu.memref_squeeze %dma_start3A_166 : memref<1x128x64xf32, #tpu.memory_space<vmem>> -> memref<128x64xf32, #tpu.memory_space<vmem>>
        %dma_start3A_168 = tpu.memref_slice %arg7[%mul3A_129] : memref<10000xi32, #tpu.memory_space<vmem>> -> memref<128xi32, #tpu.memory_space<vmem>>
        %dma_start3A_169 = arith.constant 0 : i32
        %dma_start3A_170 = arith.constant 0 : i32
        %dma_start3A_171 = tpu.memref_slice %arg10[%dma_start3A_169, %dma_start3A_170] : memref<10000x64xf32, #tpu.memory_space<vmem_shared>> -> memref<10000x64xf32, #tpu.memory_space<vmem_shared>>
        tpu.enqueue_indirect_dma source(%dma_start3A_167 : memref<128x64xf32, #tpu.memory_space<vmem>>) target(%dma_start3A_171 : memref<10000x64xf32, #tpu.memory_space<vmem_shared>>) offsets(%dma_start3A_168 : memref<128xi32, #tpu.memory_space<vmem>>) semaphore(%run_scoped3A_163 : memref<!tpu.dma_semaphore, #tpu.memory_space<semaphore_mem>>) {add = true}
        %dma_wait3A_172 = arith.constant 0 : i32
        %dma_wait3A_173 = arith.constant 0 : i32
        %dma_wait3A_174 = tpu.memref_slice %arg8[%run_scoped3A_130, %dma_wait3A_172, %dma_wait3A_173] : memref<2x128x64xf32, #tpu.memory_space<vmem>> -> memref<1x128x64xf32, #tpu.memory_space<vmem>>
        %dma_wait3A_175 = tpu.memref_squeeze %dma_wait3A_174 : memref<1x128x64xf32, #tpu.memory_space<vmem>> -> memref<128x64xf32, #tpu.memory_space<vmem>>
        %dma_wait3A_176 = tpu.memref_slice %arg7[%mul3A_129] : memref<10000xi32, #tpu.memory_space<vmem>> -> memref<128xi32, #tpu.memory_space<vmem>>
        %dma_wait3A_177 = arith.constant 0 : i32
        %dma_wait3A_178 = arith.constant 0 : i32
        %dma_wait3A_179 = tpu.memref_slice %arg10[%dma_wait3A_177, %dma_wait3A_178] : memref<10000x64xf32, #tpu.memory_space<vmem_shared>> -> memref<10000x64xf32, #tpu.memory_space<vmem_shared>>
        tpu.wait_indirect_dma semaphore(%run_scoped3A_163 : memref<!tpu.dma_semaphore, #tpu.memory_space<semaphore_mem>>) src(%dma_wait3A_175 : memref<128x64xf32, #tpu.memory_space<vmem>>) dst(%dma_wait3A_179 : memref<10000x64xf32, #tpu.memory_space<vmem_shared>>)
        tpu.yield
      }) : () -> ()
      %add3A_131 = arith.constant 2 : i32
      %add3A_132 = arith.addi %mul3A_103, %add3A_131 : i32
      %mul3A_133 = arith.constant 128 : i32
      %mul3A_134 = arith.muli %add3A_132, %mul3A_133 : i32
      %dma_start3A_135 = arith.constant 0 : i32
      %dma_start3A_136 = arith.constant 0 : i32
      %dma_start3A_137 = arith.constant 0 : i32
      %dma_start3A_138 = tpu.memref_slice %arg8[%dma_start3A_135, %dma_start3A_136, %dma_start3A_137] : memref<2x128x64xf32, #tpu.memory_space<vmem>> -> memref<1x128x64xf32, #tpu.memory_space<vmem>>
      %dma_start3A_139 = tpu.memref_squeeze %dma_start3A_138 : memref<1x128x64xf32, #tpu.memory_space<vmem>> -> memref<128x64xf32, #tpu.memory_space<vmem>>
      %dma_start3A_140 = tpu.memref_slice %arg6[%mul3A_134] : memref<10000xi32, #tpu.memory_space<vmem>> -> memref<128xi32, #tpu.memory_space<vmem>>
      %dma_start3A_141 = arith.constant 0 : i32
      %dma_start3A_142 = arith.constant 0 : i32
      %dma_start3A_143 = tpu.memref_slice %arg2[%dma_start3A_141, %dma_start3A_142] : memref<20000x64xf32, #tpu.memory_space<hbm>> -> memref<20000x64xf32, #tpu.memory_space<hbm>>
      tpu.enqueue_indirect_dma source(%dma_start3A_143 : memref<20000x64xf32, #tpu.memory_space<hbm>>) target(%dma_start3A_139 : memref<128x64xf32, #tpu.memory_space<vmem>>) offsets(%dma_start3A_140 : memref<128xi32, #tpu.memory_space<vmem>>) semaphore(%arg11 : memref<!tpu.dma_semaphore, #tpu.memory_space<semaphore_mem>>)
      %add3A_144 = arith.constant 1 : i32
      %add3A_145 = arith.addi %mul3A_103, %add3A_144 : i32
      %mul3A_146 = arith.constant 128 : i32
      %mul3A_147 = arith.muli %add3A_145, %mul3A_146 : i32
      %dma_wait3A_148 = arith.constant 1 : i32
      %dma_wait3A_149 = arith.constant 0 : i32
      %dma_wait3A_150 = arith.constant 0 : i32
      %dma_wait3A_151 = tpu.memref_slice %arg8[%dma_wait3A_148, %dma_wait3A_149, %dma_wait3A_150] : memref<2x128x64xf32, #tpu.memory_space<vmem>> -> memref<1x128x64xf32, #tpu.memory_space<vmem>>
      %dma_wait3A_152 = tpu.memref_squeeze %dma_wait3A_151 : memref<1x128x64xf32, #tpu.memory_space<vmem>> -> memref<128x64xf32, #tpu.memory_space<vmem>>
      %dma_wait3A_153 = tpu.memref_slice %arg6[%mul3A_147] : memref<10000xi32, #tpu.memory_space<vmem>> -> memref<128xi32, #tpu.memory_space<vmem>>
      %dma_wait3A_154 = arith.constant 0 : i32
      %dma_wait3A_155 = arith.constant 0 : i32
      %dma_wait3A_156 = tpu.memref_slice %arg2[%dma_wait3A_154, %dma_wait3A_155] : memref<20000x64xf32, #tpu.memory_space<hbm>> -> memref<20000x64xf32, #tpu.memory_space<hbm>>
      tpu.wait_indirect_dma semaphore(%arg12 : memref<!tpu.dma_semaphore, #tpu.memory_space<semaphore_mem>>) src(%dma_wait3A_156 : memref<20000x64xf32, #tpu.memory_space<hbm>>) dst(%dma_wait3A_152 : memref<128x64xf32, #tpu.memory_space<vmem>>)
      %add3A_157 = arith.constant 1 : i32
      %add3A_158 = arith.addi %mul3A_103, %add3A_157 : i32
      %mul3A_159 = arith.constant 128 : i32
      %mul3A_160 = arith.muli %add3A_158, %mul3A_159 : i32
      %run_scoped3A_161 = arith.constant 1 : i32
      "tpu.region"() ({
        %run_scoped3A_163 = tpu.sem_alloc : memref<!tpu.dma_semaphore, #tpu.memory_space<semaphore_mem>>
        %dma_start3A_164 = arith.constant 0 : i32
        %dma_start3A_165 = arith.constant 0 : i32
        %dma_start3A_166 = tpu.memref_slice %arg8[%run_scoped3A_161, %dma_start3A_164, %dma_start3A_165] : memref<2x128x64xf32, #tpu.memory_space<vmem>> -> memref<1x128x64xf32, #tpu.memory_space<vmem>>
        %dma_start3A_167 = tpu.memref_squeeze %dma_start3A_166 : memref<1x128x64xf32, #tpu.memory_space<vmem>> -> memref<128x64xf32, #tpu.memory_space<vmem>>
        %dma_start3A_168 = tpu.memref_slice %arg7[%mul3A_160] : memref<10000xi32, #tpu.memory_space<vmem>> -> memref<128xi32, #tpu.memory_space<vmem>>
        %dma_start3A_169 = arith.constant 0 : i32
        %dma_start3A_170 = arith.constant 0 : i32
        %dma_start3A_171 = tpu.memref_slice %arg10[%dma_start3A_169, %dma_start3A_170] : memref<10000x64xf32, #tpu.memory_space<vmem_shared>> -> memref<10000x64xf32, #tpu.memory_space<vmem_shared>>
        tpu.enqueue_indirect_dma source(%dma_start3A_167 : memref<128x64xf32, #tpu.memory_space<vmem>>) target(%dma_start3A_171 : memref<10000x64xf32, #tpu.memory_space<vmem_shared>>) offsets(%dma_start3A_168 : memref<128xi32, #tpu.memory_space<vmem>>) semaphore(%run_scoped3A_163 : memref<!tpu.dma_semaphore, #tpu.memory_space<semaphore_mem>>) {add = true}
        %dma_wait3A_172 = arith.constant 0 : i32
        %dma_wait3A_173 = arith.constant 0 : i32
        %dma_wait3A_174 = tpu.memref_slice %arg8[%run_scoped3A_161, %dma_wait3A_172, %dma_wait3A_173] : memref<2x128x64xf32, #tpu.memory_space<vmem>> -> memref<1x128x64xf32, #tpu.memory_space<vmem>>
        %dma_wait3A_175 = tpu.memref_squeeze %dma_wait3A_174 : memref<1x128x64xf32, #tpu.memory_space<vmem>> -> memref<128x64xf32, #tpu.memory_space<vmem>>
        %dma_wait3A_176 = tpu.memref_slice %arg7[%mul3A_160] : memref<10000xi32, #tpu.memory_space<vmem>> -> memref<128xi32, #tpu.memory_space<vmem>>
        %dma_wait3A_177 = arith.constant 0 : i32
        %dma_wait3A_178 = arith.constant 0 : i32
        %dma_wait3A_179 = tpu.memref_slice %arg10[%dma_wait3A_177, %dma_wait3A_178] : memref<10000x64xf32, #tpu.memory_space<vmem_shared>> -> memref<10000x64xf32, #tpu.memory_space<vmem_shared>>
        tpu.wait_indirect_dma semaphore(%run_scoped3A_163 : memref<!tpu.dma_semaphore, #tpu.memory_space<semaphore_mem>>) src(%dma_wait3A_175 : memref<128x64xf32, #tpu.memory_space<vmem>>) dst(%dma_wait3A_179 : memref<10000x64xf32, #tpu.memory_space<vmem_shared>>)
        tpu.yield
      }) : () -> ()
      %scan3A_162 = arith.constant 0 : i32
      scf.yield %scan3A_162 : i32
    }
    %scan3A_37 = arith.constant 38 : i32
    %dma_start3A_38 = arith.constant 1 : i32
    %dma_start3A_39 = arith.constant 0 : i32
    %dma_start3A_40 = arith.constant 0 : i32
    %dma_start3A_41 = tpu.memref_slice %arg8[%dma_start3A_38, %dma_start3A_39, %dma_start3A_40] : memref<2x128x64xf32, #tpu.memory_space<vmem>> -> memref<1x128x64xf32, #tpu.memory_space<vmem>>
    %dma_start3A_42 = tpu.memref_squeeze %dma_start3A_41 : memref<1x128x64xf32, #tpu.memory_space<vmem>> -> memref<128x64xf32, #tpu.memory_space<vmem>>
    %dma_start3A_43 = arith.constant 9856 : i32
    %dma_start3A_44 = tpu.memref_slice %arg6[%dma_start3A_43] : memref<10000xi32, #tpu.memory_space<vmem>> -> memref<128xi32, #tpu.memory_space<vmem>>
    %dma_start3A_45 = arith.constant 0 : i32
    %dma_start3A_46 = arith.constant 0 : i32
    %dma_start3A_47 = tpu.memref_slice %arg2[%dma_start3A_45, %dma_start3A_46] : memref<20000x64xf32, #tpu.memory_space<hbm>> -> memref<20000x64xf32, #tpu.memory_space<hbm>>
    tpu.enqueue_indirect_dma source(%dma_start3A_47 : memref<20000x64xf32, #tpu.memory_space<hbm>>) target(%dma_start3A_42 : memref<128x64xf32, #tpu.memory_space<vmem>>) offsets(%dma_start3A_44 : memref<128xi32, #tpu.memory_space<vmem>>) semaphore(%arg12 : memref<!tpu.dma_semaphore, #tpu.memory_space<semaphore_mem>>)
    %dma_wait3A = arith.constant 0 : i32
    %dma_wait3A_48 = arith.constant 0 : i32
    %dma_wait3A_49 = arith.constant 0 : i32
    %dma_wait3A_50 = tpu.memref_slice %arg8[%dma_wait3A, %dma_wait3A_48, %dma_wait3A_49] : memref<2x128x64xf32, #tpu.memory_space<vmem>> -> memref<1x128x64xf32, #tpu.memory_space<vmem>>
    %dma_wait3A_51 = tpu.memref_squeeze %dma_wait3A_50 : memref<1x128x64xf32, #tpu.memory_space<vmem>> -> memref<128x64xf32, #tpu.memory_space<vmem>>
    %dma_wait3A_52 = arith.constant 9728 : i32
    %dma_wait3A_53 = tpu.memref_slice %arg6[%dma_wait3A_52] : memref<10000xi32, #tpu.memory_space<vmem>> -> memref<128xi32, #tpu.memory_space<vmem>>
    %dma_wait3A_54 = arith.constant 0 : i32
    %dma_wait3A_55 = arith.constant 0 : i32
    %dma_wait3A_56 = tpu.memref_slice %arg2[%dma_wait3A_54, %dma_wait3A_55] : memref<20000x64xf32, #tpu.memory_space<hbm>> -> memref<20000x64xf32, #tpu.memory_space<hbm>>
    tpu.wait_indirect_dma semaphore(%arg11 : memref<!tpu.dma_semaphore, #tpu.memory_space<semaphore_mem>>) src(%dma_wait3A_56 : memref<20000x64xf32, #tpu.memory_space<hbm>>) dst(%dma_wait3A_51 : memref<128x64xf32, #tpu.memory_space<vmem>>)
    %run_scoped3A = arith.constant 0 : i32
    "tpu.region"() ({
      %run_scoped3A_100 = tpu.sem_alloc : memref<!tpu.dma_semaphore, #tpu.memory_space<semaphore_mem>>
      %dma_start3A_101 = arith.constant 0 : i32
      %dma_start3A_102 = arith.constant 0 : i32
      %dma_start3A_103 = tpu.memref_slice %arg8[%run_scoped3A, %dma_start3A_101, %dma_start3A_102] : memref<2x128x64xf32, #tpu.memory_space<vmem>> -> memref<1x128x64xf32, #tpu.memory_space<vmem>>
      %dma_start3A_104 = tpu.memref_squeeze %dma_start3A_103 : memref<1x128x64xf32, #tpu.memory_space<vmem>> -> memref<128x64xf32, #tpu.memory_space<vmem>>
      %dma_start3A_105 = arith.constant 9728 : i32
      %dma_start3A_106 = tpu.memref_slice %arg7[%dma_start3A_105] : memref<10000xi32, #tpu.memory_space<vmem>> -> memref<128xi32, #tpu.memory_space<vmem>>
      %dma_start3A_107 = arith.constant 0 : i32
      %dma_start3A_108 = arith.constant 0 : i32
      %dma_start3A_109 = tpu.memref_slice %arg10[%dma_start3A_107, %dma_start3A_108] : memref<10000x64xf32, #tpu.memory_space<vmem_shared>> -> memref<10000x64xf32, #tpu.memory_space<vmem_shared>>
      tpu.enqueue_indirect_dma source(%dma_start3A_104 : memref<128x64xf32, #tpu.memory_space<vmem>>) target(%dma_start3A_109 : memref<10000x64xf32, #tpu.memory_space<vmem_shared>>) offsets(%dma_start3A_106 : memref<128xi32, #tpu.memory_space<vmem>>) semaphore(%run_scoped3A_100 : memref<!tpu.dma_semaphore, #tpu.memory_space<semaphore_mem>>) {add = true}
      %dma_wait3A_110 = arith.constant 0 : i32
      %dma_wait3A_111 = arith.constant 0 : i32
      %dma_wait3A_112 = tpu.memref_slice %arg8[%run_scoped3A, %dma_wait3A_110, %dma_wait3A_111] : memref<2x128x64xf32, #tpu.memory_space<vmem>> -> memref<1x128x64xf32, #tpu.memory_space<vmem>>
      %dma_wait3A_113 = tpu.memref_squeeze %dma_wait3A_112 : memref<1x128x64xf32, #tpu.memory_space<vmem>> -> memref<128x64xf32, #tpu.memory_space<vmem>>
      %dma_wait3A_114 = arith.constant 9728 : i32
      %dma_wait3A_115 = tpu.memref_slice %arg7[%dma_wait3A_114] : memref<10000xi32, #tpu.memory_space<vmem>> -> memref<128xi32, #tpu.memory_space<vmem>>
      %dma_wait3A_116 = arith.constant 0 : i32
      %dma_wait3A_117 = arith.constant 0 : i32
      %dma_wait3A_118 = tpu.memref_slice %arg10[%dma_wait3A_116, %dma_wait3A_117] : memref<10000x64xf32, #tpu.memory_space<vmem_shared>> -> memref<10000x64xf32, #tpu.memory_space<vmem_shared>>
      tpu.wait_indirect_dma semaphore(%run_scoped3A_100 : memref<!tpu.dma_semaphore, #tpu.memory_space<semaphore_mem>>) src(%dma_wait3A_113 : memref<128x64xf32, #tpu.memory_space<vmem>>) dst(%dma_wait3A_118 : memref<10000x64xf32, #tpu.memory_space<vmem_shared>>)
      tpu.yield
    }) : () -> ()
    %dma_wait3A_57 = arith.constant 1 : i32
    %dma_wait3A_58 = arith.constant 0 : i32
    %dma_wait3A_59 = arith.constant 0 : i32
    %dma_wait3A_60 = tpu.memref_slice %arg8[%dma_wait3A_57, %dma_wait3A_58, %dma_wait3A_59] : memref<2x128x64xf32, #tpu.memory_space<vmem>> -> memref<1x128x64xf32, #tpu.memory_space<vmem>>
    %dma_wait3A_61 = tpu.memref_squeeze %dma_wait3A_60 : memref<1x128x64xf32, #tpu.memory_space<vmem>> -> memref<128x64xf32, #tpu.memory_space<vmem>>
    %dma_wait3A_62 = arith.constant 9856 : i32
    %dma_wait3A_63 = tpu.memref_slice %arg6[%dma_wait3A_62] : memref<10000xi32, #tpu.memory_space<vmem>> -> memref<128xi32, #tpu.memory_space<vmem>>
    %dma_wait3A_64 = arith.constant 0 : i32
    %dma_wait3A_65 = arith.constant 0 : i32
    %dma_wait3A_66 = tpu.memref_slice %arg2[%dma_wait3A_64, %dma_wait3A_65] : memref<20000x64xf32, #tpu.memory_space<hbm>> -> memref<20000x64xf32, #tpu.memory_space<hbm>>
    tpu.wait_indirect_dma semaphore(%arg12 : memref<!tpu.dma_semaphore, #tpu.memory_space<semaphore_mem>>) src(%dma_wait3A_66 : memref<20000x64xf32, #tpu.memory_space<hbm>>) dst(%dma_wait3A_61 : memref<128x64xf32, #tpu.memory_space<vmem>>)
    %run_scoped3A_67 = arith.constant 1 : i32
    "tpu.region"() ({
      %run_scoped3A_100 = tpu.sem_alloc : memref<!tpu.dma_semaphore, #tpu.memory_space<semaphore_mem>>
      %dma_start3A_101 = arith.constant 0 : i32
      %dma_start3A_102 = arith.constant 0 : i32
      %dma_start3A_103 = tpu.memref_slice %arg8[%run_scoped3A_67, %dma_start3A_101, %dma_start3A_102] : memref<2x128x64xf32, #tpu.memory_space<vmem>> -> memref<1x128x64xf32, #tpu.memory_space<vmem>>
      %dma_start3A_104 = tpu.memref_squeeze %dma_start3A_103 : memref<1x128x64xf32, #tpu.memory_space<vmem>> -> memref<128x64xf32, #tpu.memory_space<vmem>>
      %dma_start3A_105 = arith.constant 9856 : i32
      %dma_start3A_106 = tpu.memref_slice %arg7[%dma_start3A_105] : memref<10000xi32, #tpu.memory_space<vmem>> -> memref<128xi32, #tpu.memory_space<vmem>>
      %dma_start3A_107 = arith.constant 0 : i32
      %dma_start3A_108 = arith.constant 0 : i32
      %dma_start3A_109 = tpu.memref_slice %arg10[%dma_start3A_107, %dma_start3A_108] : memref<10000x64xf32, #tpu.memory_space<vmem_shared>> -> memref<10000x64xf32, #tpu.memory_space<vmem_shared>>
      tpu.enqueue_indirect_dma source(%dma_start3A_104 : memref<128x64xf32, #tpu.memory_space<vmem>>) target(%dma_start3A_109 : memref<10000x64xf32, #tpu.memory_space<vmem_shared>>) offsets(%dma_start3A_106 : memref<128xi32, #tpu.memory_space<vmem>>) semaphore(%run_scoped3A_100 : memref<!tpu.dma_semaphore, #tpu.memory_space<semaphore_mem>>) {add = true}
      %dma_wait3A_110 = arith.constant 0 : i32
      %dma_wait3A_111 = arith.constant 0 : i32
      %dma_wait3A_112 = tpu.memref_slice %arg8[%run_scoped3A_67, %dma_wait3A_110, %dma_wait3A_111] : memref<2x128x64xf32, #tpu.memory_space<vmem>> -> memref<1x128x64xf32, #tpu.memory_space<vmem>>
      %dma_wait3A_113 = tpu.memref_squeeze %dma_wait3A_112 : memref<1x128x64xf32, #tpu.memory_space<vmem>> -> memref<128x64xf32, #tpu.memory_space<vmem>>
      %dma_wait3A_114 = arith.constant 9856 : i32
      %dma_wait3A_115 = tpu.memref_slice %arg7[%dma_wait3A_114] : memref<10000xi32, #tpu.memory_space<vmem>> -> memref<128xi32, #tpu.memory_space<vmem>>
      %dma_wait3A_116 = arith.constant 0 : i32
      %dma_wait3A_117 = arith.constant 0 : i32
      %dma_wait3A_118 = tpu.memref_slice %arg10[%dma_wait3A_116, %dma_wait3A_117] : memref<10000x64xf32, #tpu.memory_space<vmem_shared>> -> memref<10000x64xf32, #tpu.memory_space<vmem_shared>>
      tpu.wait_indirect_dma semaphore(%run_scoped3A_100 : memref<!tpu.dma_semaphore, #tpu.memory_space<semaphore_mem>>) src(%dma_wait3A_113 : memref<128x64xf32, #tpu.memory_space<vmem>>) dst(%dma_wait3A_118 : memref<10000x64xf32, #tpu.memory_space<vmem_shared>>)
      tpu.yield
    }) : () -> ()
    %dma_start3A_68 = arith.constant 0 : i32
    %dma_start3A_69 = arith.constant 0 : i32
    %dma_start3A_70 = arith.constant 0 : i32
    %dma_start3A_71 = tpu.memref_slice %arg8[%dma_start3A_68, %dma_start3A_69, %dma_start3A_70] : memref<2x128x64xf32, #tpu.memory_space<vmem>> -> memref<1x16x64xf32, #tpu.memory_space<vmem>>
    %dma_start3A_72 = tpu.memref_squeeze %dma_start3A_71 : memref<1x16x64xf32, #tpu.memory_space<vmem>> -> memref<16x64xf32, #tpu.memory_space<vmem>>
    %dma_start3A_73 = arith.constant 9984 : i32
    %dma_start3A_74 = tpu.memref_slice %arg6[%dma_start3A_73] : memref<10000xi32, #tpu.memory_space<vmem>> -> memref<16xi32, #tpu.memory_space<vmem>>
    %dma_start3A_75 = arith.constant 0 : i32
    %dma_start3A_76 = arith.constant 0 : i32
    %dma_start3A_77 = tpu.memref_slice %arg2[%dma_start3A_75, %dma_start3A_76] : memref<20000x64xf32, #tpu.memory_space<hbm>> -> memref<20000x64xf32, #tpu.memory_space<hbm>>
    tpu.enqueue_indirect_dma source(%dma_start3A_77 : memref<20000x64xf32, #tpu.memory_space<hbm>>) target(%dma_start3A_72 : memref<16x64xf32, #tpu.memory_space<vmem>>) offsets(%dma_start3A_74 : memref<16xi32, #tpu.memory_space<vmem>>) semaphore(%arg11 : memref<!tpu.dma_semaphore, #tpu.memory_space<semaphore_mem>>)
    %dma_wait3A_78 = arith.constant 0 : i32
    %dma_wait3A_79 = arith.constant 0 : i32
    %dma_wait3A_80 = arith.constant 0 : i32
    %dma_wait3A_81 = tpu.memref_slice %arg8[%dma_wait3A_78, %dma_wait3A_79, %dma_wait3A_80] : memref<2x128x64xf32, #tpu.memory_space<vmem>> -> memref<1x16x64xf32, #tpu.memory_space<vmem>>
    %dma_wait3A_82 = tpu.memref_squeeze %dma_wait3A_81 : memref<1x16x64xf32, #tpu.memory_space<vmem>> -> memref<16x64xf32, #tpu.memory_space<vmem>>
    %dma_wait3A_83 = arith.constant 9984 : i32
    %dma_wait3A_84 = tpu.memref_slice %arg6[%dma_wait3A_83] : memref<10000xi32, #tpu.memory_space<vmem>> -> memref<16xi32, #tpu.memory_space<vmem>>
    %dma_wait3A_85 = arith.constant 0 : i32
    %dma_wait3A_86 = arith.constant 0 : i32
    %dma_wait3A_87 = tpu.memref_slice %arg2[%dma_wait3A_85, %dma_wait3A_86] : memref<20000x64xf32, #tpu.memory_space<hbm>> -> memref<20000x64xf32, #tpu.memory_space<hbm>>
    tpu.wait_indirect_dma semaphore(%arg11 : memref<!tpu.dma_semaphore, #tpu.memory_space<semaphore_mem>>) src(%dma_wait3A_87 : memref<20000x64xf32, #tpu.memory_space<hbm>>) dst(%dma_wait3A_82 : memref<16x64xf32, #tpu.memory_space<vmem>>)
    %run_scoped3A_88 = arith.constant 0 : i32
    "tpu.region"() ({
      %run_scoped3A_100 = tpu.sem_alloc : memref<!tpu.dma_semaphore, #tpu.memory_space<semaphore_mem>>
      %dma_start3A_101 = arith.constant 0 : i32
      %dma_start3A_102 = arith.constant 0 : i32
      %dma_start3A_103 = tpu.memref_slice %arg8[%run_scoped3A_88, %dma_start3A_101, %dma_start3A_102] : memref<2x128x64xf32, #tpu.memory_space<vmem>> -> memref<1x16x64xf32, #tpu.memory_space<vmem>>
      %dma_start3A_104 = tpu.memref_squeeze %dma_start3A_103 : memref<1x16x64xf32, #tpu.memory_space<vmem>> -> memref<16x64xf32, #tpu.memory_space<vmem>>
      %dma_start3A_105 = arith.constant 9984 : i32
      %dma_start3A_106 = tpu.memref_slice %arg7[%dma_start3A_105] : memref<10000xi32, #tpu.memory_space<vmem>> -> memref<16xi32, #tpu.memory_space<vmem>>
      %dma_start3A_107 = arith.constant 0 : i32
      %dma_start3A_108 = arith.constant 0 : i32
      %dma_start3A_109 = tpu.memref_slice %arg10[%dma_start3A_107, %dma_start3A_108] : memref<10000x64xf32, #tpu.memory_space<vmem_shared>> -> memref<10000x64xf32, #tpu.memory_space<vmem_shared>>
      tpu.enqueue_indirect_dma source(%dma_start3A_104 : memref<16x64xf32, #tpu.memory_space<vmem>>) target(%dma_start3A_109 : memref<10000x64xf32, #tpu.memory_space<vmem_shared>>) offsets(%dma_start3A_106 : memref<16xi32, #tpu.memory_space<vmem>>) semaphore(%run_scoped3A_100 : memref<!tpu.dma_semaphore, #tpu.memory_space<semaphore_mem>>) {add = true}
      %dma_wait3A_110 = arith.constant 0 : i32
      %dma_wait3A_111 = arith.constant 0 : i32
      %dma_wait3A_112 = tpu.memref_slice %arg8[%run_scoped3A_88, %dma_wait3A_110, %dma_wait3A_111] : memref<2x128x64xf32, #tpu.memory_space<vmem>> -> memref<1x16x64xf32, #tpu.memory_space<vmem>>
      %dma_wait3A_113 = tpu.memref_squeeze %dma_wait3A_112 : memref<1x16x64xf32, #tpu.memory_space<vmem>> -> memref<16x64xf32, #tpu.memory_space<vmem>>
      %dma_wait3A_114 = arith.constant 9984 : i32
      %dma_wait3A_115 = tpu.memref_slice %arg7[%dma_wait3A_114] : memref<10000xi32, #tpu.memory_space<vmem>> -> memref<16xi32, #tpu.memory_space<vmem>>
      %dma_wait3A_116 = arith.constant 0 : i32
      %dma_wait3A_117 = arith.constant 0 : i32
      %dma_wait3A_118 = tpu.memref_slice %arg10[%dma_wait3A_116, %dma_wait3A_117] : memref<10000x64xf32, #tpu.memory_space<vmem_shared>> -> memref<10000x64xf32, #tpu.memory_space<vmem_shared>>
      tpu.wait_indirect_dma semaphore(%run_scoped3A_100 : memref<!tpu.dma_semaphore, #tpu.memory_space<semaphore_mem>>) src(%dma_wait3A_113 : memref<16x64xf32, #tpu.memory_space<vmem>>) dst(%dma_wait3A_118 : memref<10000x64xf32, #tpu.memory_space<vmem_shared>>)
      tpu.yield
    }) : () -> ()
    %barrier3A_89 = arith.constant 0 : index
    tpu.barrier barrier_id(%barrier3A_89)
    %lt3A_90 = arith.constant 15 : i32
    %lt3A_91 = arith.cmpi slt, %arg1, %lt3A_90 : i32
    %convert_element_type3A_92 = arith.extui %lt3A_91 : i1 to i32
    %cond3A_93 = arith.constant 0 : i32
    %cond3A_94 = arith.cmpi ne, %convert_element_type3A_92, %cond3A_93 : i32
    scf.if %cond3A_94 {
      %mul3A_100 = arith.constant 624 : i32
      %mul3A_101 = arith.muli %arg1, %mul3A_100 : i32
      "tpu.region"() ({
        %run_scoped3A_104 = tpu.sem_alloc : memref<!tpu.dma_semaphore, #tpu.memory_space<semaphore_mem>>
        %dma_start3A_105 = arith.constant 0 : i32
        %dma_start3A_106 = arith.constant 0 : i32
        %dma_start3A_107 = tpu.memref_slice %arg9[%dma_start3A_105, %dma_start3A_106] : memref<640x64xf32, #tpu.memory_space<vmem>> -> memref<624x64xf32, #tpu.memory_space<vmem>>
        %dma_start3A_108 = arith.constant 0 : i32
        %dma_start3A_109 = tpu.memref_slice %arg10[%mul3A_101, %dma_start3A_108] : memref<10000x64xf32, #tpu.memory_space<vmem_shared>> -> memref<624x64xf32, #tpu.memory_space<vmem_shared>>
        %dma_start3A_110 = arith.constant 0 : i32
        %dma_start3A_111 = arith.constant 0 : i32
        %dma_start3A_112 = tpu.memref_slice %arg9[%dma_start3A_110, %dma_start3A_111] : memref<640x64xf32, #tpu.memory_space<vmem>> -> memref<624x64xf32, #tpu.memory_space<vmem>>
        %dma_start3A_113 = arith.constant 0 : i32
        %dma_start3A_114 = tpu.memref_slice %arg10[%mul3A_101, %dma_start3A_113] : memref<10000x64xf32, #tpu.memory_space<vmem_shared>> -> memref<624x64xf32, #tpu.memory_space<vmem_shared>>
        tpu.enqueue_dma source(%dma_start3A_114 : memref<624x64xf32, #tpu.memory_space<vmem_shared>>) target(%dma_start3A_112 : memref<624x64xf32, #tpu.memory_space<vmem>>) target_semaphore(%run_scoped3A_104 : memref<!tpu.dma_semaphore, #tpu.memory_space<semaphore_mem>>)
        %dma_wait3A_115 = arith.constant 0 : i32
        %dma_wait3A_116 = arith.constant 0 : i32
        %dma_wait3A_117 = tpu.memref_slice %arg9[%dma_wait3A_115, %dma_wait3A_116] : memref<640x64xf32, #tpu.memory_space<vmem>> -> memref<624x64xf32, #tpu.memory_space<vmem>>
        %dma_wait3A_118 = arith.constant 0 : i32
        %dma_wait3A_119 = tpu.memref_slice %arg10[%mul3A_101, %dma_wait3A_118] : memref<10000x64xf32, #tpu.memory_space<vmem_shared>> -> memref<624x64xf32, #tpu.memory_space<vmem_shared>>
        %dma_wait3A_120 = arith.constant 0 : i32
        %dma_wait3A_121 = arith.constant 0 : i32
        %dma_wait3A_122 = tpu.memref_slice %arg9[%dma_wait3A_120, %dma_wait3A_121] : memref<640x64xf32, #tpu.memory_space<vmem>> -> memref<624x64xf32, #tpu.memory_space<vmem>>
        %dma_wait3A_123 = arith.constant 0 : i32
        %dma_wait3A_124 = tpu.memref_slice %arg10[%mul3A_101, %dma_wait3A_123] : memref<10000x64xf32, #tpu.memory_space<vmem_shared>> -> memref<624x64xf32, #tpu.memory_space<vmem_shared>>
        tpu.wait_dma2 semaphore(%run_scoped3A_104 : memref<!tpu.dma_semaphore, #tpu.memory_space<semaphore_mem>>) src(%dma_wait3A_124 : memref<624x64xf32, #tpu.memory_space<vmem_shared>>) dst(%dma_wait3A_122 : memref<624x64xf32, #tpu.memory_space<vmem>>)
        tpu.yield
      }) : () -> ()
      %mul3A_102 = arith.constant 624 : i32
      %mul3A_103 = arith.muli %arg1, %mul3A_102 : i32
      "tpu.region"() ({
        %run_scoped3A_104 = tpu.sem_alloc : memref<!tpu.dma_semaphore, #tpu.memory_space<semaphore_mem>>
        %dma_start3A_105 = arith.constant 0 : i32
        %dma_start3A_106 = arith.constant 0 : i32
        %dma_start3A_107 = tpu.memref_slice %arg9[%dma_start3A_105, %dma_start3A_106] : memref<640x64xf32, #tpu.memory_space<vmem>> -> memref<624x64xf32, #tpu.memory_space<vmem>>
        %dma_start3A_108 = arith.constant 0 : i32
        %dma_start3A_109 = tpu.memref_slice %arg5[%arg0, %mul3A_103, %dma_start3A_108] : memref<2x10000x64xf32, #tpu.memory_space<hbm>> -> memref<1x624x64xf32, #tpu.memory_space<hbm>>
        %dma_start3A_110 = tpu.memref_squeeze %dma_start3A_109 : memref<1x624x64xf32, #tpu.memory_space<hbm>> -> memref<624x64xf32, #tpu.memory_space<hbm>>
        %dma_start3A_111 = arith.constant 0 : i32
        %dma_start3A_112 = tpu.memref_slice %arg5[%arg0, %mul3A_103, %dma_start3A_111] : memref<2x10000x64xf32, #tpu.memory_space<hbm>> -> memref<1x624x64xf32, #tpu.memory_space<hbm>>
        %dma_start3A_113 = tpu.memref_squeeze %dma_start3A_112 : memref<1x624x64xf32, #tpu.memory_space<hbm>> -> memref<624x64xf32, #tpu.memory_space<hbm>>
        %dma_start3A_114 = arith.constant 0 : i32
        %dma_start3A_115 = arith.constant 0 : i32
        %dma_start3A_116 = tpu.memref_slice %arg9[%dma_start3A_114, %dma_start3A_115] : memref<640x64xf32, #tpu.memory_space<vmem>> -> memref<624x64xf32, #tpu.memory_space<vmem>>
        tpu.enqueue_dma source(%dma_start3A_116 : memref<624x64xf32, #tpu.memory_space<vmem>>) target(%dma_start3A_113 : memref<624x64xf32, #tpu.memory_space<hbm>>) target_semaphore(%run_scoped3A_104 : memref<!tpu.dma_semaphore, #tpu.memory_space<semaphore_mem>>)
        %dma_wait3A_117 = arith.constant 0 : i32
        %dma_wait3A_118 = arith.constant 0 : i32
        %dma_wait3A_119 = tpu.memref_slice %arg9[%dma_wait3A_117, %dma_wait3A_118] : memref<640x64xf32, #tpu.memory_space<vmem>> -> memref<624x64xf32, #tpu.memory_space<vmem>>
        %dma_wait3A_120 = arith.constant 0 : i32
        %dma_wait3A_121 = tpu.memref_slice %arg5[%arg0, %mul3A_103, %dma_wait3A_120] : memref<2x10000x64xf32, #tpu.memory_space<hbm>> -> memref<1x624x64xf32, #tpu.memory_space<hbm>>
        %dma_wait3A_122 = tpu.memref_squeeze %dma_wait3A_121 : memref<1x624x64xf32, #tpu.memory_space<hbm>> -> memref<624x64xf32, #tpu.memory_space<hbm>>
        %dma_wait3A_123 = arith.constant 0 : i32
        %dma_wait3A_124 = tpu.memref_slice %arg5[%arg0, %mul3A_103, %dma_wait3A_123] : memref<2x10000x64xf32, #tpu.memory_space<hbm>> -> memref<1x624x64xf32, #tpu.memory_space<hbm>>
        %dma_wait3A_125 = tpu.memref_squeeze %dma_wait3A_124 : memref<1x624x64xf32, #tpu.memory_space<hbm>> -> memref<624x64xf32, #tpu.memory_space<hbm>>
        %dma_wait3A_126 = arith.constant 0 : i32
        %dma_wait3A_127 = arith.constant 0 : i32
        %dma_wait3A_128 = tpu.memref_slice %arg9[%dma_wait3A_126, %dma_wait3A_127] : memref<640x64xf32, #tpu.memory_space<vmem>> -> memref<624x64xf32, #tpu.memory_space<vmem>>
        tpu.wait_dma2 semaphore(%run_scoped3A_104 : memref<!tpu.dma_semaphore, #tpu.memory_space<semaphore_mem>>) src(%dma_wait3A_128 : memref<624x64xf32, #tpu.memory_space<vmem>>) dst(%dma_wait3A_125 : memref<624x64xf32, #tpu.memory_space<hbm>>)
        tpu.yield
      }) : () -> ()
    } else {
    }
    %eq3A_95 = arith.constant 15 : i32
    %eq3A_96 = arith.cmpi eq, %arg1, %eq3A_95 : i32
    %convert_element_type3A_97 = arith.extui %eq3A_96 : i1 to i32
    %cond3A_98 = arith.constant 0 : i32
    %cond3A_99 = arith.cmpi ne, %convert_element_type3A_97, %cond3A_98 : i32
    scf.if %cond3A_99 {
      "tpu.region"() ({
        %run_scoped3A_100 = tpu.sem_alloc : memref<!tpu.dma_semaphore, #tpu.memory_space<semaphore_mem>>
        %dma_start3A_101 = arith.constant 9360 : i32
        %dma_start3A_102 = arith.constant 0 : i32
        %dma_start3A_103 = tpu.memref_slice %arg10[%dma_start3A_101, %dma_start3A_102] : memref<10000x64xf32, #tpu.memory_space<vmem_shared>> -> memref<640x64xf32, #tpu.memory_space<vmem_shared>>
        %dma_start3A_104 = arith.constant 9360 : i32
        %dma_start3A_105 = arith.constant 0 : i32
        %dma_start3A_106 = tpu.memref_slice %arg10[%dma_start3A_104, %dma_start3A_105] : memref<10000x64xf32, #tpu.memory_space<vmem_shared>> -> memref<640x64xf32, #tpu.memory_space<vmem_shared>>
        tpu.enqueue_dma source(%dma_start3A_106 : memref<640x64xf32, #tpu.memory_space<vmem_shared>>) target(%arg9 : memref<640x64xf32, #tpu.memory_space<vmem>>) target_semaphore(%run_scoped3A_100 : memref<!tpu.dma_semaphore, #tpu.memory_space<semaphore_mem>>)
        %dma_wait3A_107 = arith.constant 9360 : i32
        %dma_wait3A_108 = arith.constant 0 : i32
        %dma_wait3A_109 = tpu.memref_slice %arg10[%dma_wait3A_107, %dma_wait3A_108] : memref<10000x64xf32, #tpu.memory_space<vmem_shared>> -> memref<640x64xf32, #tpu.memory_space<vmem_shared>>
        %dma_wait3A_110 = arith.constant 9360 : i32
        %dma_wait3A_111 = arith.constant 0 : i32
        %dma_wait3A_112 = tpu.memref_slice %arg10[%dma_wait3A_110, %dma_wait3A_111] : memref<10000x64xf32, #tpu.memory_space<vmem_shared>> -> memref<640x64xf32, #tpu.memory_space<vmem_shared>>
        tpu.wait_dma2 semaphore(%run_scoped3A_100 : memref<!tpu.dma_semaphore, #tpu.memory_space<semaphore_mem>>) src(%dma_wait3A_112 : memref<640x64xf32, #tpu.memory_space<vmem_shared>>) dst(%arg9 : memref<640x64xf32, #tpu.memory_space<vmem>>)
        tpu.yield
      }) : () -> ()
      "tpu.region"() ({
        %run_scoped3A_100 = tpu.sem_alloc : memref<!tpu.dma_semaphore, #tpu.memory_space<semaphore_mem>>
        %dma_start3A_101 = arith.constant 9360 : i32
        %dma_start3A_102 = arith.constant 0 : i32
        %dma_start3A_103 = tpu.memref_slice %arg5[%arg0, %dma_start3A_101, %dma_start3A_102] : memref<2x10000x64xf32, #tpu.memory_space<hbm>> -> memref<1x640x64xf32, #tpu.memory_space<hbm>>
        %dma_start3A_104 = tpu.memref_squeeze %dma_start3A_103 : memref<1x640x64xf32, #tpu.memory_space<hbm>> -> memref<640x64xf32, #tpu.memory_space<hbm>>
        %dma_start3A_105 = arith.constant 9360 : i32
        %dma_start3A_106 = arith.constant 0 : i32
        %dma_start3A_107 = tpu.memref_slice %arg5[%arg0, %dma_start3A_105, %dma_start3A_106] : memref<2x10000x64xf32, #tpu.memory_space<hbm>> -> memref<1x640x64xf32, #tpu.memory_space<hbm>>
        %dma_start3A_108 = tpu.memref_squeeze %dma_start3A_107 : memref<1x640x64xf32, #tpu.memory_space<hbm>> -> memref<640x64xf32, #tpu.memory_space<hbm>>
        tpu.enqueue_dma source(%arg9 : memref<640x64xf32, #tpu.memory_space<vmem>>) target(%dma_start3A_108 : memref<640x64xf32, #tpu.memory_space<hbm>>) target_semaphore(%run_scoped3A_100 : memref<!tpu.dma_semaphore, #tpu.memory_space<semaphore_mem>>)
        %dma_wait3A_109 = arith.constant 9360 : i32
        %dma_wait3A_110 = arith.constant 0 : i32
        %dma_wait3A_111 = tpu.memref_slice %arg5[%arg0, %dma_wait3A_109, %dma_wait3A_110] : memref<2x10000x64xf32, #tpu.memory_space<hbm>> -> memref<1x640x64xf32, #tpu.memory_space<hbm>>
        %dma_wait3A_112 = tpu.memref_squeeze %dma_wait3A_111 : memref<1x640x64xf32, #tpu.memory_space<hbm>> -> memref<640x64xf32, #tpu.memory_space<hbm>>
        %dma_wait3A_113 = arith.constant 9360 : i32
        %dma_wait3A_114 = arith.constant 0 : i32
        %dma_wait3A_115 = tpu.memref_slice %arg5[%arg0, %dma_wait3A_113, %dma_wait3A_114] : memref<2x10000x64xf32, #tpu.memory_space<hbm>> -> memref<1x640x64xf32, #tpu.memory_space<hbm>>
        %dma_wait3A_116 = tpu.memref_squeeze %dma_wait3A_115 : memref<1x640x64xf32, #tpu.memory_space<hbm>> -> memref<640x64xf32, #tpu.memory_space<hbm>>
        tpu.wait_dma2 semaphore(%run_scoped3A_100 : memref<!tpu.dma_semaphore, #tpu.memory_space<semaphore_mem>>) src(%arg9 : memref<640x64xf32, #tpu.memory_space<vmem>>) dst(%dma_wait3A_116 : memref<640x64xf32, #tpu.memory_space<hbm>>)
        tpu.yield
      }) : () -> ()
    } else {
    }
    return
  }
}

#map = affine_map<(d0, d1) -> (0, 0)>
#map1 = affine_map<(d0, d1) -> (0)>
#map2 = affine_map<(d0, d1) -> (0, 0, 0)>
module attributes {stable_mosaic.version = 14 : i64} {
  func.func @_seg_body(%arg0: i32, %arg1: i32, %arg2: memref<20000x64xf32, #tpu.memory_space<hbm>>, %arg3: memref<320000xi32, #tpu.memory_space<hbm>>, %arg4: memref<320000xi32, #tpu.memory_space<hbm>>, %arg5: memref<2x10000x64xf32, #tpu.memory_space<hbm>>, %arg6: memref<2x10000xf32, #tpu.memory_space<hbm>>, %arg7: memref<10000xi32, #tpu.memory_space<vmem>>, %arg8: memref<10000xi32, #tpu.memory_space<vmem>>, %arg9: memref<2x128x64xf32, #tpu.memory_space<vmem>>, %arg10: memref<640x64xf32, #tpu.memory_space<vmem>>, %arg11: memref<128xf32, #tpu.memory_space<vmem>>, %arg12: memref<640xf32, #tpu.memory_space<vmem>>, %arg13: memref<10000x64xf32, #tpu.memory_space<vmem_shared>>, %arg14: memref<10000xf32, #tpu.memory_space<vmem_shared>>, %arg15: memref<!tpu.dma_semaphore, #tpu.memory_space<semaphore_mem>>, %arg16: memref<!tpu.dma_semaphore, #tpu.memory_space<semaphore_mem>>) attributes {dimension_semantics = [#tpu.dimension_semantics<core_parallel>, #tpu.dimension_semantics<subcore_parallel>], iteration_bounds = array<i64: 2, 16>, scalar_prefetch = 0 : i64, scratch_operands = 10 : i64, tpu.core_type = #tpu.core_type<sc_vector_subcore>, window_params = [{transform_indices = #map}, {transform_indices = #map1}, {transform_indices = #map1}, {transform_indices = #map2}, {transform_indices = #map}]} {
    %scan3A = arith.constant 0 : i32
    %scan3A_0 = arith.constant 0 : i32
    %scan3A_1 = arith.constant 640 : i32
    %scan3A_2 = arith.addi %scan3A_0, %scan3A_1 : i32
    %scan3A_3 = arith.constant 1 : i32
    %scan3A_4 = scf.for %scan3A_386 = %scan3A_0 to %scan3A_2 step %scan3A_3 iter_args(%scan3A_387 = %scan3A) -> (i32)  : i32 {
      %broadcast_in_dim3A_388 = arith.constant 0.000000e+00 : f32
      %broadcast_in_dim3A_389 = vector.broadcast %broadcast_in_dim3A_388 : f32 to vector<16xf32>
      %swap3A_390 = arith.index_cast %scan3A_386 : i32 to index
      %swap3A_391 = arith.constant 0 : index
      %swap3A_392 = tpu.vector_load %arg10[%swap3A_390, %swap3A_391] {strides = array<i32>} : memref<640x64xf32, #tpu.memory_space<vmem>>, vector<1x16xf32>,
      %swap3A_393 = vector.shape_cast %swap3A_392 : vector<1x16xf32> to vector<16xf32>
      %swap3A_394 = vector.shape_cast %broadcast_in_dim3A_389 : vector<16xf32> to vector<1x16xf32>
      tpu.vector_store %arg10[%swap3A_390, %swap3A_391], %swap3A_394 {strides = array<i32>} : memref<640x64xf32, #tpu.memory_space<vmem>>, vector<1x16xf32>,
      %broadcast_in_dim3A_395 = arith.constant 0.000000e+00 : f32
      %broadcast_in_dim3A_396 = vector.broadcast %broadcast_in_dim3A_395 : f32 to vector<16xf32>
      %swap3A_397 = arith.index_cast %scan3A_386 : i32 to index
      %swap3A_398 = arith.constant 16 : index
      %swap3A_399 = tpu.vector_load %arg10[%swap3A_397, %swap3A_398] {strides = array<i32>} : memref<640x64xf32, #tpu.memory_space<vmem>>, vector<1x16xf32>,
      %swap3A_400 = vector.shape_cast %swap3A_399 : vector<1x16xf32> to vector<16xf32>
      %swap3A_401 = vector.shape_cast %broadcast_in_dim3A_396 : vector<16xf32> to vector<1x16xf32>
      tpu.vector_store %arg10[%swap3A_397, %swap3A_398], %swap3A_401 {strides = array<i32>} : memref<640x64xf32, #tpu.memory_space<vmem>>, vector<1x16xf32>,
      %broadcast_in_dim3A_402 = arith.constant 0.000000e+00 : f32
      %broadcast_in_dim3A_403 = vector.broadcast %broadcast_in_dim3A_402 : f32 to vector<16xf32>
      %swap3A_404 = arith.index_cast %scan3A_386 : i32 to index
      %swap3A_405 = arith.constant 32 : index
      %swap3A_406 = tpu.vector_load %arg10[%swap3A_404, %swap3A_405] {strides = array<i32>} : memref<640x64xf32, #tpu.memory_space<vmem>>, vector<1x16xf32>,
      %swap3A_407 = vector.shape_cast %swap3A_406 : vector<1x16xf32> to vector<16xf32>
      %swap3A_408 = vector.shape_cast %broadcast_in_dim3A_403 : vector<16xf32> to vector<1x16xf32>
      tpu.vector_store %arg10[%swap3A_404, %swap3A_405], %swap3A_408 {strides = array<i32>} : memref<640x64xf32, #tpu.memory_space<vmem>>, vector<1x16xf32>,
      %broadcast_in_dim3A_409 = arith.constant 0.000000e+00 : f32
      %broadcast_in_dim3A_410 = vector.broadcast %broadcast_in_dim3A_409 : f32 to vector<16xf32>
      %swap3A_411 = arith.index_cast %scan3A_386 : i32 to index
      %swap3A_412 = arith.constant 48 : index
      %swap3A_413 = tpu.vector_load %arg10[%swap3A_411, %swap3A_412] {strides = array<i32>} : memref<640x64xf32, #tpu.memory_space<vmem>>, vector<1x16xf32>,
      %swap3A_414 = vector.shape_cast %swap3A_413 : vector<1x16xf32> to vector<16xf32>
      %swap3A_415 = vector.shape_cast %broadcast_in_dim3A_410 : vector<16xf32> to vector<1x16xf32>
      tpu.vector_store %arg10[%swap3A_411, %swap3A_412], %swap3A_415 {strides = array<i32>} : memref<640x64xf32, #tpu.memory_space<vmem>>, vector<1x16xf32>,
      %scan3A_416 = arith.constant 0 : i32
      scf.yield %scan3A_416 : i32
    }
    %scan3A_5 = arith.constant 640 : i32
    %broadcast_in_dim3A = arith.constant 0.000000e+00 : f32
    %broadcast_in_dim3A_6 = vector.broadcast %broadcast_in_dim3A : f32 to vector<16xf32>
    %swap3A = arith.constant 0 : index
    %swap3A_7 = tpu.vector_load %arg12[%swap3A] {strides = array<i32>} : memref<640xf32, #tpu.memory_space<vmem>>, vector<16xf32>,
    %swap3A_8 = vector.shape_cast %swap3A_7 : vector<16xf32> to vector<16xf32>
    %swap3A_9 = vector.shape_cast %broadcast_in_dim3A_6 : vector<16xf32> to vector<16xf32>
    tpu.vector_store %arg12[%swap3A], %swap3A_9 {strides = array<i32>} : memref<640xf32, #tpu.memory_space<vmem>>, vector<16xf32>,
    %broadcast_in_dim3A_10 = arith.constant 0.000000e+00 : f32
    %broadcast_in_dim3A_11 = vector.broadcast %broadcast_in_dim3A_10 : f32 to vector<16xf32>
    %swap3A_12 = arith.constant 16 : index
    %swap3A_13 = tpu.vector_load %arg12[%swap3A_12] {strides = array<i32>} : memref<640xf32, #tpu.memory_space<vmem>>, vector<16xf32>,
    %swap3A_14 = vector.shape_cast %swap3A_13 : vector<16xf32> to vector<16xf32>
    %swap3A_15 = vector.shape_cast %broadcast_in_dim3A_11 : vector<16xf32> to vector<16xf32>
    tpu.vector_store %arg12[%swap3A_12], %swap3A_15 {strides = array<i32>} : memref<640xf32, #tpu.memory_space<vmem>>, vector<16xf32>,
    %broadcast_in_dim3A_16 = arith.constant 0.000000e+00 : f32
    %broadcast_in_dim3A_17 = vector.broadcast %broadcast_in_dim3A_16 : f32 to vector<16xf32>
    %swap3A_18 = arith.constant 32 : index
    %swap3A_19 = tpu.vector_load %arg12[%swap3A_18] {strides = array<i32>} : memref<640xf32, #tpu.memory_space<vmem>>, vector<16xf32>,
    %swap3A_20 = vector.shape_cast %swap3A_19 : vector<16xf32> to vector<16xf32>
    %swap3A_21 = vector.shape_cast %broadcast_in_dim3A_17 : vector<16xf32> to vector<16xf32>
    tpu.vector_store %arg12[%swap3A_18], %swap3A_21 {strides = array<i32>} : memref<640xf32, #tpu.memory_space<vmem>>, vector<16xf32>,
    %broadcast_in_dim3A_22 = arith.constant 0.000000e+00 : f32
    %broadcast_in_dim3A_23 = vector.broadcast %broadcast_in_dim3A_22 : f32 to vector<16xf32>
    %swap3A_24 = arith.constant 48 : index
    %swap3A_25 = tpu.vector_load %arg12[%swap3A_24] {strides = array<i32>} : memref<640xf32, #tpu.memory_space<vmem>>, vector<16xf32>,
    %swap3A_26 = vector.shape_cast %swap3A_25 : vector<16xf32> to vector<16xf32>
    %swap3A_27 = vector.shape_cast %broadcast_in_dim3A_23 : vector<16xf32> to vector<16xf32>
    tpu.vector_store %arg12[%swap3A_24], %swap3A_27 {strides = array<i32>} : memref<640xf32, #tpu.memory_space<vmem>>, vector<16xf32>,
    %broadcast_in_dim3A_28 = arith.constant 0.000000e+00 : f32
    %broadcast_in_dim3A_29 = vector.broadcast %broadcast_in_dim3A_28 : f32 to vector<16xf32>
    %swap3A_30 = arith.constant 64 : index
    %swap3A_31 = tpu.vector_load %arg12[%swap3A_30] {strides = array<i32>} : memref<640xf32, #tpu.memory_space<vmem>>, vector<16xf32>,
    %swap3A_32 = vector.shape_cast %swap3A_31 : vector<16xf32> to vector<16xf32>
    %swap3A_33 = vector.shape_cast %broadcast_in_dim3A_29 : vector<16xf32> to vector<16xf32>
    tpu.vector_store %arg12[%swap3A_30], %swap3A_33 {strides = array<i32>} : memref<640xf32, #tpu.memory_space<vmem>>, vector<16xf32>,
    %broadcast_in_dim3A_34 = arith.constant 0.000000e+00 : f32
    %broadcast_in_dim3A_35 = vector.broadcast %broadcast_in_dim3A_34 : f32 to vector<16xf32>
    %swap3A_36 = arith.constant 80 : index
    %swap3A_37 = tpu.vector_load %arg12[%swap3A_36] {strides = array<i32>} : memref<640xf32, #tpu.memory_space<vmem>>, vector<16xf32>,
    %swap3A_38 = vector.shape_cast %swap3A_37 : vector<16xf32> to vector<16xf32>
    %swap3A_39 = vector.shape_cast %broadcast_in_dim3A_35 : vector<16xf32> to vector<16xf32>
    tpu.vector_store %arg12[%swap3A_36], %swap3A_39 {strides = array<i32>} : memref<640xf32, #tpu.memory_space<vmem>>, vector<16xf32>,
    %broadcast_in_dim3A_40 = arith.constant 0.000000e+00 : f32
    %broadcast_in_dim3A_41 = vector.broadcast %broadcast_in_dim3A_40 : f32 to vector<16xf32>
    %swap3A_42 = arith.constant 96 : index
    %swap3A_43 = tpu.vector_load %arg12[%swap3A_42] {strides = array<i32>} : memref<640xf32, #tpu.memory_space<vmem>>, vector<16xf32>,
    %swap3A_44 = vector.shape_cast %swap3A_43 : vector<16xf32> to vector<16xf32>
    %swap3A_45 = vector.shape_cast %broadcast_in_dim3A_41 : vector<16xf32> to vector<16xf32>
    tpu.vector_store %arg12[%swap3A_42], %swap3A_45 {strides = array<i32>} : memref<640xf32, #tpu.memory_space<vmem>>, vector<16xf32>,
    %broadcast_in_dim3A_46 = arith.constant 0.000000e+00 : f32
    %broadcast_in_dim3A_47 = vector.broadcast %broadcast_in_dim3A_46 : f32 to vector<16xf32>
    %swap3A_48 = arith.constant 112 : index
    %swap3A_49 = tpu.vector_load %arg12[%swap3A_48] {strides = array<i32>} : memref<640xf32, #tpu.memory_space<vmem>>, vector<16xf32>,
    %swap3A_50 = vector.shape_cast %swap3A_49 : vector<16xf32> to vector<16xf32>
    %swap3A_51 = vector.shape_cast %broadcast_in_dim3A_47 : vector<16xf32> to vector<16xf32>
    tpu.vector_store %arg12[%swap3A_48], %swap3A_51 {strides = array<i32>} : memref<640xf32, #tpu.memory_space<vmem>>, vector<16xf32>,
    %broadcast_in_dim3A_52 = arith.constant 0.000000e+00 : f32
    %broadcast_in_dim3A_53 = vector.broadcast %broadcast_in_dim3A_52 : f32 to vector<16xf32>
    %swap3A_54 = arith.constant 128 : index
    %swap3A_55 = tpu.vector_load %arg12[%swap3A_54] {strides = array<i32>} : memref<640xf32, #tpu.memory_space<vmem>>, vector<16xf32>,
    %swap3A_56 = vector.shape_cast %swap3A_55 : vector<16xf32> to vector<16xf32>
    %swap3A_57 = vector.shape_cast %broadcast_in_dim3A_53 : vector<16xf32> to vector<16xf32>
    tpu.vector_store %arg12[%swap3A_54], %swap3A_57 {strides = array<i32>} : memref<640xf32, #tpu.memory_space<vmem>>, vector<16xf32>,
    %broadcast_in_dim3A_58 = arith.constant 0.000000e+00 : f32
    %broadcast_in_dim3A_59 = vector.broadcast %broadcast_in_dim3A_58 : f32 to vector<16xf32>
    %swap3A_60 = arith.constant 144 : index
    %swap3A_61 = tpu.vector_load %arg12[%swap3A_60] {strides = array<i32>} : memref<640xf32, #tpu.memory_space<vmem>>, vector<16xf32>,
    %swap3A_62 = vector.shape_cast %swap3A_61 : vector<16xf32> to vector<16xf32>
    %swap3A_63 = vector.shape_cast %broadcast_in_dim3A_59 : vector<16xf32> to vector<16xf32>
    tpu.vector_store %arg12[%swap3A_60], %swap3A_63 {strides = array<i32>} : memref<640xf32, #tpu.memory_space<vmem>>, vector<16xf32>,
    %broadcast_in_dim3A_64 = arith.constant 0.000000e+00 : f32
    %broadcast_in_dim3A_65 = vector.broadcast %broadcast_in_dim3A_64 : f32 to vector<16xf32>
    %swap3A_66 = arith.constant 160 : index
    %swap3A_67 = tpu.vector_load %arg12[%swap3A_66] {strides = array<i32>} : memref<640xf32, #tpu.memory_space<vmem>>, vector<16xf32>,
    %swap3A_68 = vector.shape_cast %swap3A_67 : vector<16xf32> to vector<16xf32>
    %swap3A_69 = vector.shape_cast %broadcast_in_dim3A_65 : vector<16xf32> to vector<16xf32>
    tpu.vector_store %arg12[%swap3A_66], %swap3A_69 {strides = array<i32>} : memref<640xf32, #tpu.memory_space<vmem>>, vector<16xf32>,
    %broadcast_in_dim3A_70 = arith.constant 0.000000e+00 : f32
    %broadcast_in_dim3A_71 = vector.broadcast %broadcast_in_dim3A_70 : f32 to vector<16xf32>
    %swap3A_72 = arith.constant 176 : index
    %swap3A_73 = tpu.vector_load %arg12[%swap3A_72] {strides = array<i32>} : memref<640xf32, #tpu.memory_space<vmem>>, vector<16xf32>,
    %swap3A_74 = vector.shape_cast %swap3A_73 : vector<16xf32> to vector<16xf32>
    %swap3A_75 = vector.shape_cast %broadcast_in_dim3A_71 : vector<16xf32> to vector<16xf32>
    tpu.vector_store %arg12[%swap3A_72], %swap3A_75 {strides = array<i32>} : memref<640xf32, #tpu.memory_space<vmem>>, vector<16xf32>,
    %broadcast_in_dim3A_76 = arith.constant 0.000000e+00 : f32
    %broadcast_in_dim3A_77 = vector.broadcast %broadcast_in_dim3A_76 : f32 to vector<16xf32>
    %swap3A_78 = arith.constant 192 : index
    %swap3A_79 = tpu.vector_load %arg12[%swap3A_78] {strides = array<i32>} : memref<640xf32, #tpu.memory_space<vmem>>, vector<16xf32>,
    %swap3A_80 = vector.shape_cast %swap3A_79 : vector<16xf32> to vector<16xf32>
    %swap3A_81 = vector.shape_cast %broadcast_in_dim3A_77 : vector<16xf32> to vector<16xf32>
    tpu.vector_store %arg12[%swap3A_78], %swap3A_81 {strides = array<i32>} : memref<640xf32, #tpu.memory_space<vmem>>, vector<16xf32>,
    %broadcast_in_dim3A_82 = arith.constant 0.000000e+00 : f32
    %broadcast_in_dim3A_83 = vector.broadcast %broadcast_in_dim3A_82 : f32 to vector<16xf32>
    %swap3A_84 = arith.constant 208 : index
    %swap3A_85 = tpu.vector_load %arg12[%swap3A_84] {strides = array<i32>} : memref<640xf32, #tpu.memory_space<vmem>>, vector<16xf32>,
    %swap3A_86 = vector.shape_cast %swap3A_85 : vector<16xf32> to vector<16xf32>
    %swap3A_87 = vector.shape_cast %broadcast_in_dim3A_83 : vector<16xf32> to vector<16xf32>
    tpu.vector_store %arg12[%swap3A_84], %swap3A_87 {strides = array<i32>} : memref<640xf32, #tpu.memory_space<vmem>>, vector<16xf32>,
    %broadcast_in_dim3A_88 = arith.constant 0.000000e+00 : f32
    %broadcast_in_dim3A_89 = vector.broadcast %broadcast_in_dim3A_88 : f32 to vector<16xf32>
    %swap3A_90 = arith.constant 224 : index
    %swap3A_91 = tpu.vector_load %arg12[%swap3A_90] {strides = array<i32>} : memref<640xf32, #tpu.memory_space<vmem>>, vector<16xf32>,
    %swap3A_92 = vector.shape_cast %swap3A_91 : vector<16xf32> to vector<16xf32>
    %swap3A_93 = vector.shape_cast %broadcast_in_dim3A_89 : vector<16xf32> to vector<16xf32>
    tpu.vector_store %arg12[%swap3A_90], %swap3A_93 {strides = array<i32>} : memref<640xf32, #tpu.memory_space<vmem>>, vector<16xf32>,
    %broadcast_in_dim3A_94 = arith.constant 0.000000e+00 : f32
    %broadcast_in_dim3A_95 = vector.broadcast %broadcast_in_dim3A_94 : f32 to vector<16xf32>
    %swap3A_96 = arith.constant 240 : index
    %swap3A_97 = tpu.vector_load %arg12[%swap3A_96] {strides = array<i32>} : memref<640xf32, #tpu.memory_space<vmem>>, vector<16xf32>,
    %swap3A_98 = vector.shape_cast %swap3A_97 : vector<16xf32> to vector<16xf32>
    %swap3A_99 = vector.shape_cast %broadcast_in_dim3A_95 : vector<16xf32> to vector<16xf32>
    tpu.vector_store %arg12[%swap3A_96], %swap3A_99 {strides = array<i32>} : memref<640xf32, #tpu.memory_space<vmem>>, vector<16xf32>,
    %broadcast_in_dim3A_100 = arith.constant 0.000000e+00 : f32
    %broadcast_in_dim3A_101 = vector.broadcast %broadcast_in_dim3A_100 : f32 to vector<16xf32>
    %swap3A_102 = arith.constant 256 : index
    %swap3A_103 = tpu.vector_load %arg12[%swap3A_102] {strides = array<i32>} : memref<640xf32, #tpu.memory_space<vmem>>, vector<16xf32>,
    %swap3A_104 = vector.shape_cast %swap3A_103 : vector<16xf32> to vector<16xf32>
    %swap3A_105 = vector.shape_cast %broadcast_in_dim3A_101 : vector<16xf32> to vector<16xf32>
    tpu.vector_store %arg12[%swap3A_102], %swap3A_105 {strides = array<i32>} : memref<640xf32, #tpu.memory_space<vmem>>, vector<16xf32>,
    %broadcast_in_dim3A_106 = arith.constant 0.000000e+00 : f32
    %broadcast_in_dim3A_107 = vector.broadcast %broadcast_in_dim3A_106 : f32 to vector<16xf32>
    %swap3A_108 = arith.constant 272 : index
    %swap3A_109 = tpu.vector_load %arg12[%swap3A_108] {strides = array<i32>} : memref<640xf32, #tpu.memory_space<vmem>>, vector<16xf32>,
    %swap3A_110 = vector.shape_cast %swap3A_109 : vector<16xf32> to vector<16xf32>
    %swap3A_111 = vector.shape_cast %broadcast_in_dim3A_107 : vector<16xf32> to vector<16xf32>
    tpu.vector_store %arg12[%swap3A_108], %swap3A_111 {strides = array<i32>} : memref<640xf32, #tpu.memory_space<vmem>>, vector<16xf32>,
    %broadcast_in_dim3A_112 = arith.constant 0.000000e+00 : f32
    %broadcast_in_dim3A_113 = vector.broadcast %broadcast_in_dim3A_112 : f32 to vector<16xf32>
    %swap3A_114 = arith.constant 288 : index
    %swap3A_115 = tpu.vector_load %arg12[%swap3A_114] {strides = array<i32>} : memref<640xf32, #tpu.memory_space<vmem>>, vector<16xf32>,
    %swap3A_116 = vector.shape_cast %swap3A_115 : vector<16xf32> to vector<16xf32>
    %swap3A_117 = vector.shape_cast %broadcast_in_dim3A_113 : vector<16xf32> to vector<16xf32>
    tpu.vector_store %arg12[%swap3A_114], %swap3A_117 {strides = array<i32>} : memref<640xf32, #tpu.memory_space<vmem>>, vector<16xf32>,
    %broadcast_in_dim3A_118 = arith.constant 0.000000e+00 : f32
    %broadcast_in_dim3A_119 = vector.broadcast %broadcast_in_dim3A_118 : f32 to vector<16xf32>
    %swap3A_120 = arith.constant 304 : index
    %swap3A_121 = tpu.vector_load %arg12[%swap3A_120] {strides = array<i32>} : memref<640xf32, #tpu.memory_space<vmem>>, vector<16xf32>,
    %swap3A_122 = vector.shape_cast %swap3A_121 : vector<16xf32> to vector<16xf32>
    %swap3A_123 = vector.shape_cast %broadcast_in_dim3A_119 : vector<16xf32> to vector<16xf32>
    tpu.vector_store %arg12[%swap3A_120], %swap3A_123 {strides = array<i32>} : memref<640xf32, #tpu.memory_space<vmem>>, vector<16xf32>,
    %broadcast_in_dim3A_124 = arith.constant 0.000000e+00 : f32
    %broadcast_in_dim3A_125 = vector.broadcast %broadcast_in_dim3A_124 : f32 to vector<16xf32>
    %swap3A_126 = arith.constant 320 : index
    %swap3A_127 = tpu.vector_load %arg12[%swap3A_126] {strides = array<i32>} : memref<640xf32, #tpu.memory_space<vmem>>, vector<16xf32>,
    %swap3A_128 = vector.shape_cast %swap3A_127 : vector<16xf32> to vector<16xf32>
    %swap3A_129 = vector.shape_cast %broadcast_in_dim3A_125 : vector<16xf32> to vector<16xf32>
    tpu.vector_store %arg12[%swap3A_126], %swap3A_129 {strides = array<i32>} : memref<640xf32, #tpu.memory_space<vmem>>, vector<16xf32>,
    %broadcast_in_dim3A_130 = arith.constant 0.000000e+00 : f32
    %broadcast_in_dim3A_131 = vector.broadcast %broadcast_in_dim3A_130 : f32 to vector<16xf32>
    %swap3A_132 = arith.constant 336 : index
    %swap3A_133 = tpu.vector_load %arg12[%swap3A_132] {strides = array<i32>} : memref<640xf32, #tpu.memory_space<vmem>>, vector<16xf32>,
    %swap3A_134 = vector.shape_cast %swap3A_133 : vector<16xf32> to vector<16xf32>
    %swap3A_135 = vector.shape_cast %broadcast_in_dim3A_131 : vector<16xf32> to vector<16xf32>
    tpu.vector_store %arg12[%swap3A_132], %swap3A_135 {strides = array<i32>} : memref<640xf32, #tpu.memory_space<vmem>>, vector<16xf32>,
    %broadcast_in_dim3A_136 = arith.constant 0.000000e+00 : f32
    %broadcast_in_dim3A_137 = vector.broadcast %broadcast_in_dim3A_136 : f32 to vector<16xf32>
    %swap3A_138 = arith.constant 352 : index
    %swap3A_139 = tpu.vector_load %arg12[%swap3A_138] {strides = array<i32>} : memref<640xf32, #tpu.memory_space<vmem>>, vector<16xf32>,
    %swap3A_140 = vector.shape_cast %swap3A_139 : vector<16xf32> to vector<16xf32>
    %swap3A_141 = vector.shape_cast %broadcast_in_dim3A_137 : vector<16xf32> to vector<16xf32>
    tpu.vector_store %arg12[%swap3A_138], %swap3A_141 {strides = array<i32>} : memref<640xf32, #tpu.memory_space<vmem>>, vector<16xf32>,
    %broadcast_in_dim3A_142 = arith.constant 0.000000e+00 : f32
    %broadcast_in_dim3A_143 = vector.broadcast %broadcast_in_dim3A_142 : f32 to vector<16xf32>
    %swap3A_144 = arith.constant 368 : index
    %swap3A_145 = tpu.vector_load %arg12[%swap3A_144] {strides = array<i32>} : memref<640xf32, #tpu.memory_space<vmem>>, vector<16xf32>,
    %swap3A_146 = vector.shape_cast %swap3A_145 : vector<16xf32> to vector<16xf32>
    %swap3A_147 = vector.shape_cast %broadcast_in_dim3A_143 : vector<16xf32> to vector<16xf32>
    tpu.vector_store %arg12[%swap3A_144], %swap3A_147 {strides = array<i32>} : memref<640xf32, #tpu.memory_space<vmem>>, vector<16xf32>,
    %broadcast_in_dim3A_148 = arith.constant 0.000000e+00 : f32
    %broadcast_in_dim3A_149 = vector.broadcast %broadcast_in_dim3A_148 : f32 to vector<16xf32>
    %swap3A_150 = arith.constant 384 : index
    %swap3A_151 = tpu.vector_load %arg12[%swap3A_150] {strides = array<i32>} : memref<640xf32, #tpu.memory_space<vmem>>, vector<16xf32>,
    %swap3A_152 = vector.shape_cast %swap3A_151 : vector<16xf32> to vector<16xf32>
    %swap3A_153 = vector.shape_cast %broadcast_in_dim3A_149 : vector<16xf32> to vector<16xf32>
    tpu.vector_store %arg12[%swap3A_150], %swap3A_153 {strides = array<i32>} : memref<640xf32, #tpu.memory_space<vmem>>, vector<16xf32>,
    %broadcast_in_dim3A_154 = arith.constant 0.000000e+00 : f32
    %broadcast_in_dim3A_155 = vector.broadcast %broadcast_in_dim3A_154 : f32 to vector<16xf32>
    %swap3A_156 = arith.constant 400 : index
    %swap3A_157 = tpu.vector_load %arg12[%swap3A_156] {strides = array<i32>} : memref<640xf32, #tpu.memory_space<vmem>>, vector<16xf32>,
    %swap3A_158 = vector.shape_cast %swap3A_157 : vector<16xf32> to vector<16xf32>
    %swap3A_159 = vector.shape_cast %broadcast_in_dim3A_155 : vector<16xf32> to vector<16xf32>
    tpu.vector_store %arg12[%swap3A_156], %swap3A_159 {strides = array<i32>} : memref<640xf32, #tpu.memory_space<vmem>>, vector<16xf32>,
    %broadcast_in_dim3A_160 = arith.constant 0.000000e+00 : f32
    %broadcast_in_dim3A_161 = vector.broadcast %broadcast_in_dim3A_160 : f32 to vector<16xf32>
    %swap3A_162 = arith.constant 416 : index
    %swap3A_163 = tpu.vector_load %arg12[%swap3A_162] {strides = array<i32>} : memref<640xf32, #tpu.memory_space<vmem>>, vector<16xf32>,
    %swap3A_164 = vector.shape_cast %swap3A_163 : vector<16xf32> to vector<16xf32>
    %swap3A_165 = vector.shape_cast %broadcast_in_dim3A_161 : vector<16xf32> to vector<16xf32>
    tpu.vector_store %arg12[%swap3A_162], %swap3A_165 {strides = array<i32>} : memref<640xf32, #tpu.memory_space<vmem>>, vector<16xf32>,
    %broadcast_in_dim3A_166 = arith.constant 0.000000e+00 : f32
    %broadcast_in_dim3A_167 = vector.broadcast %broadcast_in_dim3A_166 : f32 to vector<16xf32>
    %swap3A_168 = arith.constant 432 : index
    %swap3A_169 = tpu.vector_load %arg12[%swap3A_168] {strides = array<i32>} : memref<640xf32, #tpu.memory_space<vmem>>, vector<16xf32>,
    %swap3A_170 = vector.shape_cast %swap3A_169 : vector<16xf32> to vector<16xf32>
    %swap3A_171 = vector.shape_cast %broadcast_in_dim3A_167 : vector<16xf32> to vector<16xf32>
    tpu.vector_store %arg12[%swap3A_168], %swap3A_171 {strides = array<i32>} : memref<640xf32, #tpu.memory_space<vmem>>, vector<16xf32>,
    %broadcast_in_dim3A_172 = arith.constant 0.000000e+00 : f32
    %broadcast_in_dim3A_173 = vector.broadcast %broadcast_in_dim3A_172 : f32 to vector<16xf32>
    %swap3A_174 = arith.constant 448 : index
    %swap3A_175 = tpu.vector_load %arg12[%swap3A_174] {strides = array<i32>} : memref<640xf32, #tpu.memory_space<vmem>>, vector<16xf32>,
    %swap3A_176 = vector.shape_cast %swap3A_175 : vector<16xf32> to vector<16xf32>
    %swap3A_177 = vector.shape_cast %broadcast_in_dim3A_173 : vector<16xf32> to vector<16xf32>
    tpu.vector_store %arg12[%swap3A_174], %swap3A_177 {strides = array<i32>} : memref<640xf32, #tpu.memory_space<vmem>>, vector<16xf32>,
    %broadcast_in_dim3A_178 = arith.constant 0.000000e+00 : f32
    %broadcast_in_dim3A_179 = vector.broadcast %broadcast_in_dim3A_178 : f32 to vector<16xf32>
    %swap3A_180 = arith.constant 464 : index
    %swap3A_181 = tpu.vector_load %arg12[%swap3A_180] {strides = array<i32>} : memref<640xf32, #tpu.memory_space<vmem>>, vector<16xf32>,
    %swap3A_182 = vector.shape_cast %swap3A_181 : vector<16xf32> to vector<16xf32>
    %swap3A_183 = vector.shape_cast %broadcast_in_dim3A_179 : vector<16xf32> to vector<16xf32>
    tpu.vector_store %arg12[%swap3A_180], %swap3A_183 {strides = array<i32>} : memref<640xf32, #tpu.memory_space<vmem>>, vector<16xf32>,
    %broadcast_in_dim3A_184 = arith.constant 0.000000e+00 : f32
    %broadcast_in_dim3A_185 = vector.broadcast %broadcast_in_dim3A_184 : f32 to vector<16xf32>
    %swap3A_186 = arith.constant 480 : index
    %swap3A_187 = tpu.vector_load %arg12[%swap3A_186] {strides = array<i32>} : memref<640xf32, #tpu.memory_space<vmem>>, vector<16xf32>,
    %swap3A_188 = vector.shape_cast %swap3A_187 : vector<16xf32> to vector<16xf32>
    %swap3A_189 = vector.shape_cast %broadcast_in_dim3A_185 : vector<16xf32> to vector<16xf32>
    tpu.vector_store %arg12[%swap3A_186], %swap3A_189 {strides = array<i32>} : memref<640xf32, #tpu.memory_space<vmem>>, vector<16xf32>,
    %broadcast_in_dim3A_190 = arith.constant 0.000000e+00 : f32
    %broadcast_in_dim3A_191 = vector.broadcast %broadcast_in_dim3A_190 : f32 to vector<16xf32>
    %swap3A_192 = arith.constant 496 : index
    %swap3A_193 = tpu.vector_load %arg12[%swap3A_192] {strides = array<i32>} : memref<640xf32, #tpu.memory_space<vmem>>, vector<16xf32>,
    %swap3A_194 = vector.shape_cast %swap3A_193 : vector<16xf32> to vector<16xf32>
    %swap3A_195 = vector.shape_cast %broadcast_in_dim3A_191 : vector<16xf32> to vector<16xf32>
    tpu.vector_store %arg12[%swap3A_192], %swap3A_195 {strides = array<i32>} : memref<640xf32, #tpu.memory_space<vmem>>, vector<16xf32>,
    %broadcast_in_dim3A_196 = arith.constant 0.000000e+00 : f32
    %broadcast_in_dim3A_197 = vector.broadcast %broadcast_in_dim3A_196 : f32 to vector<16xf32>
    %swap3A_198 = arith.constant 512 : index
    %swap3A_199 = tpu.vector_load %arg12[%swap3A_198] {strides = array<i32>} : memref<640xf32, #tpu.memory_space<vmem>>, vector<16xf32>,
    %swap3A_200 = vector.shape_cast %swap3A_199 : vector<16xf32> to vector<16xf32>
    %swap3A_201 = vector.shape_cast %broadcast_in_dim3A_197 : vector<16xf32> to vector<16xf32>
    tpu.vector_store %arg12[%swap3A_198], %swap3A_201 {strides = array<i32>} : memref<640xf32, #tpu.memory_space<vmem>>, vector<16xf32>,
    %broadcast_in_dim3A_202 = arith.constant 0.000000e+00 : f32
    %broadcast_in_dim3A_203 = vector.broadcast %broadcast_in_dim3A_202 : f32 to vector<16xf32>
    %swap3A_204 = arith.constant 528 : index
    %swap3A_205 = tpu.vector_load %arg12[%swap3A_204] {strides = array<i32>} : memref<640xf32, #tpu.memory_space<vmem>>, vector<16xf32>,
    %swap3A_206 = vector.shape_cast %swap3A_205 : vector<16xf32> to vector<16xf32>
    %swap3A_207 = vector.shape_cast %broadcast_in_dim3A_203 : vector<16xf32> to vector<16xf32>
    tpu.vector_store %arg12[%swap3A_204], %swap3A_207 {strides = array<i32>} : memref<640xf32, #tpu.memory_space<vmem>>, vector<16xf32>,
    %broadcast_in_dim3A_208 = arith.constant 0.000000e+00 : f32
    %broadcast_in_dim3A_209 = vector.broadcast %broadcast_in_dim3A_208 : f32 to vector<16xf32>
    %swap3A_210 = arith.constant 544 : index
    %swap3A_211 = tpu.vector_load %arg12[%swap3A_210] {strides = array<i32>} : memref<640xf32, #tpu.memory_space<vmem>>, vector<16xf32>,
    %swap3A_212 = vector.shape_cast %swap3A_211 : vector<16xf32> to vector<16xf32>
    %swap3A_213 = vector.shape_cast %broadcast_in_dim3A_209 : vector<16xf32> to vector<16xf32>
    tpu.vector_store %arg12[%swap3A_210], %swap3A_213 {strides = array<i32>} : memref<640xf32, #tpu.memory_space<vmem>>, vector<16xf32>,
    %broadcast_in_dim3A_214 = arith.constant 0.000000e+00 : f32
    %broadcast_in_dim3A_215 = vector.broadcast %broadcast_in_dim3A_214 : f32 to vector<16xf32>
    %swap3A_216 = arith.constant 560 : index
    %swap3A_217 = tpu.vector_load %arg12[%swap3A_216] {strides = array<i32>} : memref<640xf32, #tpu.memory_space<vmem>>, vector<16xf32>,
    %swap3A_218 = vector.shape_cast %swap3A_217 : vector<16xf32> to vector<16xf32>
    %swap3A_219 = vector.shape_cast %broadcast_in_dim3A_215 : vector<16xf32> to vector<16xf32>
    tpu.vector_store %arg12[%swap3A_216], %swap3A_219 {strides = array<i32>} : memref<640xf32, #tpu.memory_space<vmem>>, vector<16xf32>,
    %broadcast_in_dim3A_220 = arith.constant 0.000000e+00 : f32
    %broadcast_in_dim3A_221 = vector.broadcast %broadcast_in_dim3A_220 : f32 to vector<16xf32>
    %swap3A_222 = arith.constant 576 : index
    %swap3A_223 = tpu.vector_load %arg12[%swap3A_222] {strides = array<i32>} : memref<640xf32, #tpu.memory_space<vmem>>, vector<16xf32>,
    %swap3A_224 = vector.shape_cast %swap3A_223 : vector<16xf32> to vector<16xf32>
    %swap3A_225 = vector.shape_cast %broadcast_in_dim3A_221 : vector<16xf32> to vector<16xf32>
    tpu.vector_store %arg12[%swap3A_222], %swap3A_225 {strides = array<i32>} : memref<640xf32, #tpu.memory_space<vmem>>, vector<16xf32>,
    %broadcast_in_dim3A_226 = arith.constant 0.000000e+00 : f32
    %broadcast_in_dim3A_227 = vector.broadcast %broadcast_in_dim3A_226 : f32 to vector<16xf32>
    %swap3A_228 = arith.constant 592 : index
    %swap3A_229 = tpu.vector_load %arg12[%swap3A_228] {strides = array<i32>} : memref<640xf32, #tpu.memory_space<vmem>>, vector<16xf32>,
    %swap3A_230 = vector.shape_cast %swap3A_229 : vector<16xf32> to vector<16xf32>
    %swap3A_231 = vector.shape_cast %broadcast_in_dim3A_227 : vector<16xf32> to vector<16xf32>
    tpu.vector_store %arg12[%swap3A_228], %swap3A_231 {strides = array<i32>} : memref<640xf32, #tpu.memory_space<vmem>>, vector<16xf32>,
    %broadcast_in_dim3A_232 = arith.constant 0.000000e+00 : f32
    %broadcast_in_dim3A_233 = vector.broadcast %broadcast_in_dim3A_232 : f32 to vector<16xf32>
    %swap3A_234 = arith.constant 608 : index
    %swap3A_235 = tpu.vector_load %arg12[%swap3A_234] {strides = array<i32>} : memref<640xf32, #tpu.memory_space<vmem>>, vector<16xf32>,
    %swap3A_236 = vector.shape_cast %swap3A_235 : vector<16xf32> to vector<16xf32>
    %swap3A_237 = vector.shape_cast %broadcast_in_dim3A_233 : vector<16xf32> to vector<16xf32>
    tpu.vector_store %arg12[%swap3A_234], %swap3A_237 {strides = array<i32>} : memref<640xf32, #tpu.memory_space<vmem>>, vector<16xf32>,
    %broadcast_in_dim3A_238 = arith.constant 0.000000e+00 : f32
    %broadcast_in_dim3A_239 = vector.broadcast %broadcast_in_dim3A_238 : f32 to vector<16xf32>
    %swap3A_240 = arith.constant 624 : index
    %swap3A_241 = tpu.vector_load %arg12[%swap3A_240] {strides = array<i32>} : memref<640xf32, #tpu.memory_space<vmem>>, vector<16xf32>,
    %swap3A_242 = vector.shape_cast %swap3A_241 : vector<16xf32> to vector<16xf32>
    %swap3A_243 = vector.shape_cast %broadcast_in_dim3A_239 : vector<16xf32> to vector<16xf32>
    tpu.vector_store %arg12[%swap3A_240], %swap3A_243 {strides = array<i32>} : memref<640xf32, #tpu.memory_space<vmem>>, vector<16xf32>,
    %broadcast_in_dim3A_244 = arith.constant 1.000000e+00 : f32
    %broadcast_in_dim3A_245 = vector.broadcast %broadcast_in_dim3A_244 : f32 to vector<16xf32>
    %swap3A_246 = arith.constant 0 : index
    %swap3A_247 = tpu.vector_load %arg11[%swap3A_246] {strides = array<i32>} : memref<128xf32, #tpu.memory_space<vmem>>, vector<16xf32>,
    %swap3A_248 = vector.shape_cast %swap3A_247 : vector<16xf32> to vector<16xf32>
    %swap3A_249 = vector.shape_cast %broadcast_in_dim3A_245 : vector<16xf32> to vector<16xf32>
    tpu.vector_store %arg11[%swap3A_246], %swap3A_249 {strides = array<i32>} : memref<128xf32, #tpu.memory_space<vmem>>, vector<16xf32>,
    %broadcast_in_dim3A_250 = arith.constant 1.000000e+00 : f32
    %broadcast_in_dim3A_251 = vector.broadcast %broadcast_in_dim3A_250 : f32 to vector<16xf32>
    %swap3A_252 = arith.constant 16 : index
    %swap3A_253 = tpu.vector_load %arg11[%swap3A_252] {strides = array<i32>} : memref<128xf32, #tpu.memory_space<vmem>>, vector<16xf32>,
    %swap3A_254 = vector.shape_cast %swap3A_253 : vector<16xf32> to vector<16xf32>
    %swap3A_255 = vector.shape_cast %broadcast_in_dim3A_251 : vector<16xf32> to vector<16xf32>
    tpu.vector_store %arg11[%swap3A_252], %swap3A_255 {strides = array<i32>} : memref<128xf32, #tpu.memory_space<vmem>>, vector<16xf32>,
    %broadcast_in_dim3A_256 = arith.constant 1.000000e+00 : f32
    %broadcast_in_dim3A_257 = vector.broadcast %broadcast_in_dim3A_256 : f32 to vector<16xf32>
    %swap3A_258 = arith.constant 32 : index
    %swap3A_259 = tpu.vector_load %arg11[%swap3A_258] {strides = array<i32>} : memref<128xf32, #tpu.memory_space<vmem>>, vector<16xf32>,
    %swap3A_260 = vector.shape_cast %swap3A_259 : vector<16xf32> to vector<16xf32>
    %swap3A_261 = vector.shape_cast %broadcast_in_dim3A_257 : vector<16xf32> to vector<16xf32>
    tpu.vector_store %arg11[%swap3A_258], %swap3A_261 {strides = array<i32>} : memref<128xf32, #tpu.memory_space<vmem>>, vector<16xf32>,
    %broadcast_in_dim3A_262 = arith.constant 1.000000e+00 : f32
    %broadcast_in_dim3A_263 = vector.broadcast %broadcast_in_dim3A_262 : f32 to vector<16xf32>
    %swap3A_264 = arith.constant 48 : index
    %swap3A_265 = tpu.vector_load %arg11[%swap3A_264] {strides = array<i32>} : memref<128xf32, #tpu.memory_space<vmem>>, vector<16xf32>,
    %swap3A_266 = vector.shape_cast %swap3A_265 : vector<16xf32> to vector<16xf32>
    %swap3A_267 = vector.shape_cast %broadcast_in_dim3A_263 : vector<16xf32> to vector<16xf32>
    tpu.vector_store %arg11[%swap3A_264], %swap3A_267 {strides = array<i32>} : memref<128xf32, #tpu.memory_space<vmem>>, vector<16xf32>,
    %broadcast_in_dim3A_268 = arith.constant 1.000000e+00 : f32
    %broadcast_in_dim3A_269 = vector.broadcast %broadcast_in_dim3A_268 : f32 to vector<16xf32>
    %swap3A_270 = arith.constant 64 : index
    %swap3A_271 = tpu.vector_load %arg11[%swap3A_270] {strides = array<i32>} : memref<128xf32, #tpu.memory_space<vmem>>, vector<16xf32>,
    %swap3A_272 = vector.shape_cast %swap3A_271 : vector<16xf32> to vector<16xf32>
    %swap3A_273 = vector.shape_cast %broadcast_in_dim3A_269 : vector<16xf32> to vector<16xf32>
    tpu.vector_store %arg11[%swap3A_270], %swap3A_273 {strides = array<i32>} : memref<128xf32, #tpu.memory_space<vmem>>, vector<16xf32>,
    %broadcast_in_dim3A_274 = arith.constant 1.000000e+00 : f32
    %broadcast_in_dim3A_275 = vector.broadcast %broadcast_in_dim3A_274 : f32 to vector<16xf32>
    %swap3A_276 = arith.constant 80 : index
    %swap3A_277 = tpu.vector_load %arg11[%swap3A_276] {strides = array<i32>} : memref<128xf32, #tpu.memory_space<vmem>>, vector<16xf32>,
    %swap3A_278 = vector.shape_cast %swap3A_277 : vector<16xf32> to vector<16xf32>
    %swap3A_279 = vector.shape_cast %broadcast_in_dim3A_275 : vector<16xf32> to vector<16xf32>
    tpu.vector_store %arg11[%swap3A_276], %swap3A_279 {strides = array<i32>} : memref<128xf32, #tpu.memory_space<vmem>>, vector<16xf32>,
    %broadcast_in_dim3A_280 = arith.constant 1.000000e+00 : f32
    %broadcast_in_dim3A_281 = vector.broadcast %broadcast_in_dim3A_280 : f32 to vector<16xf32>
    %swap3A_282 = arith.constant 96 : index
    %swap3A_283 = tpu.vector_load %arg11[%swap3A_282] {strides = array<i32>} : memref<128xf32, #tpu.memory_space<vmem>>, vector<16xf32>,
    %swap3A_284 = vector.shape_cast %swap3A_283 : vector<16xf32> to vector<16xf32>
    %swap3A_285 = vector.shape_cast %broadcast_in_dim3A_281 : vector<16xf32> to vector<16xf32>
    tpu.vector_store %arg11[%swap3A_282], %swap3A_285 {strides = array<i32>} : memref<128xf32, #tpu.memory_space<vmem>>, vector<16xf32>,
    %broadcast_in_dim3A_286 = arith.constant 1.000000e+00 : f32
    %broadcast_in_dim3A_287 = vector.broadcast %broadcast_in_dim3A_286 : f32 to vector<16xf32>
    %swap3A_288 = arith.constant 112 : index
    %swap3A_289 = tpu.vector_load %arg11[%swap3A_288] {strides = array<i32>} : memref<128xf32, #tpu.memory_space<vmem>>, vector<16xf32>,
    %swap3A_290 = vector.shape_cast %swap3A_289 : vector<16xf32> to vector<16xf32>
    %swap3A_291 = vector.shape_cast %broadcast_in_dim3A_287 : vector<16xf32> to vector<16xf32>
    tpu.vector_store %arg11[%swap3A_288], %swap3A_291 {strides = array<i32>} : memref<128xf32, #tpu.memory_space<vmem>>, vector<16xf32>,
    %lt3A = arith.constant 15 : i32
    %lt3A_292 = arith.cmpi slt, %arg1, %lt3A : i32
    %convert_element_type3A = arith.extui %lt3A_292 : i1 to i32
    %cond3A = arith.constant 0 : i32
    %cond3A_293 = arith.cmpi ne, %convert_element_type3A, %cond3A : i32
    scf.if %cond3A_293 {
      %mul3A_386 = arith.constant 624 : i32
      %mul3A_387 = arith.muli %arg1, %mul3A_386 : i32
      "tpu.region"() ({
        %run_scoped3A_390 = tpu.sem_alloc : memref<!tpu.dma_semaphore, #tpu.memory_space<semaphore_mem>>
        %dma_start3A_391 = arith.constant 0 : i32
        %dma_start3A_392 = arith.constant 0 : i32
        %dma_start3A_393 = tpu.memref_slice %arg10[%dma_start3A_391, %dma_start3A_392] : memref<640x64xf32, #tpu.memory_space<vmem>> -> memref<624x64xf32, #tpu.memory_space<vmem>>
        %dma_start3A_394 = arith.constant 0 : i32
        %dma_start3A_395 = tpu.memref_slice %arg13[%mul3A_387, %dma_start3A_394] : memref<10000x64xf32, #tpu.memory_space<vmem_shared>> -> memref<624x64xf32, #tpu.memory_space<vmem_shared>>
        %dma_start3A_396 = arith.constant 0 : i32
        %dma_start3A_397 = tpu.memref_slice %arg13[%mul3A_387, %dma_start3A_396] : memref<10000x64xf32, #tpu.memory_space<vmem_shared>> -> memref<624x64xf32, #tpu.memory_space<vmem_shared>>
        %dma_start3A_398 = arith.constant 0 : i32
        %dma_start3A_399 = arith.constant 0 : i32
        %dma_start3A_400 = tpu.memref_slice %arg10[%dma_start3A_398, %dma_start3A_399] : memref<640x64xf32, #tpu.memory_space<vmem>> -> memref<624x64xf32, #tpu.memory_space<vmem>>
        tpu.enqueue_dma source(%dma_start3A_400 : memref<624x64xf32, #tpu.memory_space<vmem>>) target(%dma_start3A_397 : memref<624x64xf32, #tpu.memory_space<vmem_shared>>) target_semaphore(%run_scoped3A_390 : memref<!tpu.dma_semaphore, #tpu.memory_space<semaphore_mem>>)
        %dma_wait3A_401 = arith.constant 0 : i32
        %dma_wait3A_402 = arith.constant 0 : i32
        %dma_wait3A_403 = tpu.memref_slice %arg10[%dma_wait3A_401, %dma_wait3A_402] : memref<640x64xf32, #tpu.memory_space<vmem>> -> memref<624x64xf32, #tpu.memory_space<vmem>>
        %dma_wait3A_404 = arith.constant 0 : i32
        %dma_wait3A_405 = tpu.memref_slice %arg13[%mul3A_387, %dma_wait3A_404] : memref<10000x64xf32, #tpu.memory_space<vmem_shared>> -> memref<624x64xf32, #tpu.memory_space<vmem_shared>>
        %dma_wait3A_406 = arith.constant 0 : i32
        %dma_wait3A_407 = tpu.memref_slice %arg13[%mul3A_387, %dma_wait3A_406] : memref<10000x64xf32, #tpu.memory_space<vmem_shared>> -> memref<624x64xf32, #tpu.memory_space<vmem_shared>>
        %dma_wait3A_408 = arith.constant 0 : i32
        %dma_wait3A_409 = arith.constant 0 : i32
        %dma_wait3A_410 = tpu.memref_slice %arg10[%dma_wait3A_408, %dma_wait3A_409] : memref<640x64xf32, #tpu.memory_space<vmem>> -> memref<624x64xf32, #tpu.memory_space<vmem>>
        tpu.wait_dma2 semaphore(%run_scoped3A_390 : memref<!tpu.dma_semaphore, #tpu.memory_space<semaphore_mem>>) src(%dma_wait3A_410 : memref<624x64xf32, #tpu.memory_space<vmem>>) dst(%dma_wait3A_407 : memref<624x64xf32, #tpu.memory_space<vmem_shared>>)
        tpu.yield
      }) : () -> ()
      %mul3A_388 = arith.constant 624 : i32
      %mul3A_389 = arith.muli %arg1, %mul3A_388 : i32
      "tpu.region"() ({
        %run_scoped3A_390 = tpu.sem_alloc : memref<!tpu.dma_semaphore, #tpu.memory_space<semaphore_mem>>
        %dma_start3A_391 = arith.constant 0 : i32
        %dma_start3A_392 = tpu.memref_slice %arg12[%dma_start3A_391] : memref<640xf32, #tpu.memory_space<vmem>> -> memref<624xf32, #tpu.memory_space<vmem>>
        %dma_start3A_393 = tpu.memref_slice %arg14[%mul3A_389] : memref<10000xf32, #tpu.memory_space<vmem_shared>> -> memref<624xf32, #tpu.memory_space<vmem_shared>>
        %dma_start3A_394 = tpu.memref_slice %arg14[%mul3A_389] : memref<10000xf32, #tpu.memory_space<vmem_shared>> -> memref<624xf32, #tpu.memory_space<vmem_shared>>
        %dma_start3A_395 = arith.constant 0 : i32
        %dma_start3A_396 = tpu.memref_slice %arg12[%dma_start3A_395] : memref<640xf32, #tpu.memory_space<vmem>> -> memref<624xf32, #tpu.memory_space<vmem>>
        tpu.enqueue_dma source(%dma_start3A_396 : memref<624xf32, #tpu.memory_space<vmem>>) target(%dma_start3A_394 : memref<624xf32, #tpu.memory_space<vmem_shared>>) target_semaphore(%run_scoped3A_390 : memref<!tpu.dma_semaphore, #tpu.memory_space<semaphore_mem>>)
        %dma_wait3A_397 = arith.constant 0 : i32
        %dma_wait3A_398 = tpu.memref_slice %arg12[%dma_wait3A_397] : memref<640xf32, #tpu.memory_space<vmem>> -> memref<624xf32, #tpu.memory_space<vmem>>
        %dma_wait3A_399 = tpu.memref_slice %arg14[%mul3A_389] : memref<10000xf32, #tpu.memory_space<vmem_shared>> -> memref<624xf32, #tpu.memory_space<vmem_shared>>
        %dma_wait3A_400 = tpu.memref_slice %arg14[%mul3A_389] : memref<10000xf32, #tpu.memory_space<vmem_shared>> -> memref<624xf32, #tpu.memory_space<vmem_shared>>
        %dma_wait3A_401 = arith.constant 0 : i32
        %dma_wait3A_402 = tpu.memref_slice %arg12[%dma_wait3A_401] : memref<640xf32, #tpu.memory_space<vmem>> -> memref<624xf32, #tpu.memory_space<vmem>>
        tpu.wait_dma2 semaphore(%run_scoped3A_390 : memref<!tpu.dma_semaphore, #tpu.memory_space<semaphore_mem>>) src(%dma_wait3A_402 : memref<624xf32, #tpu.memory_space<vmem>>) dst(%dma_wait3A_400 : memref<624xf32, #tpu.memory_space<vmem_shared>>)
        tpu.yield
      }) : () -> ()
    } else {
    }
    %eq3A = arith.constant 15 : i32
    %eq3A_294 = arith.cmpi eq, %arg1, %eq3A : i32
    %convert_element_type3A_295 = arith.extui %eq3A_294 : i1 to i32
    %cond3A_296 = arith.constant 0 : i32
    %cond3A_297 = arith.cmpi ne, %convert_element_type3A_295, %cond3A_296 : i32
    scf.if %cond3A_297 {
      "tpu.region"() ({
        %run_scoped3A_386 = tpu.sem_alloc : memref<!tpu.dma_semaphore, #tpu.memory_space<semaphore_mem>>
        %dma_start3A_387 = arith.constant 9360 : i32
        %dma_start3A_388 = arith.constant 0 : i32
        %dma_start3A_389 = tpu.memref_slice %arg13[%dma_start3A_387, %dma_start3A_388] : memref<10000x64xf32, #tpu.memory_space<vmem_shared>> -> memref<640x64xf32, #tpu.memory_space<vmem_shared>>
        %dma_start3A_390 = arith.constant 9360 : i32
        %dma_start3A_391 = arith.constant 0 : i32
        %dma_start3A_392 = tpu.memref_slice %arg13[%dma_start3A_390, %dma_start3A_391] : memref<10000x64xf32, #tpu.memory_space<vmem_shared>> -> memref<640x64xf32, #tpu.memory_space<vmem_shared>>
        tpu.enqueue_dma source(%arg10 : memref<640x64xf32, #tpu.memory_space<vmem>>) target(%dma_start3A_392 : memref<640x64xf32, #tpu.memory_space<vmem_shared>>) target_semaphore(%run_scoped3A_386 : memref<!tpu.dma_semaphore, #tpu.memory_space<semaphore_mem>>)
        %dma_wait3A_393 = arith.constant 9360 : i32
        %dma_wait3A_394 = arith.constant 0 : i32
        %dma_wait3A_395 = tpu.memref_slice %arg13[%dma_wait3A_393, %dma_wait3A_394] : memref<10000x64xf32, #tpu.memory_space<vmem_shared>> -> memref<640x64xf32, #tpu.memory_space<vmem_shared>>
        %dma_wait3A_396 = arith.constant 9360 : i32
        %dma_wait3A_397 = arith.constant 0 : i32
        %dma_wait3A_398 = tpu.memref_slice %arg13[%dma_wait3A_396, %dma_wait3A_397] : memref<10000x64xf32, #tpu.memory_space<vmem_shared>> -> memref<640x64xf32, #tpu.memory_space<vmem_shared>>
        tpu.wait_dma2 semaphore(%run_scoped3A_386 : memref<!tpu.dma_semaphore, #tpu.memory_space<semaphore_mem>>) src(%arg10 : memref<640x64xf32, #tpu.memory_space<vmem>>) dst(%dma_wait3A_398 : memref<640x64xf32, #tpu.memory_space<vmem_shared>>)
        tpu.yield
      }) : () -> ()
      "tpu.region"() ({
        %run_scoped3A_386 = tpu.sem_alloc : memref<!tpu.dma_semaphore, #tpu.memory_space<semaphore_mem>>
        %dma_start3A_387 = arith.constant 9360 : i32
        %dma_start3A_388 = tpu.memref_slice %arg14[%dma_start3A_387] : memref<10000xf32, #tpu.memory_space<vmem_shared>> -> memref<640xf32, #tpu.memory_space<vmem_shared>>
        %dma_start3A_389 = arith.constant 9360 : i32
        %dma_start3A_390 = tpu.memref_slice %arg14[%dma_start3A_389] : memref<10000xf32, #tpu.memory_space<vmem_shared>> -> memref<640xf32, #tpu.memory_space<vmem_shared>>
        tpu.enqueue_dma source(%arg12 : memref<640xf32, #tpu.memory_space<vmem>>) target(%dma_start3A_390 : memref<640xf32, #tpu.memory_space<vmem_shared>>) target_semaphore(%run_scoped3A_386 : memref<!tpu.dma_semaphore, #tpu.memory_space<semaphore_mem>>)
        %dma_wait3A_391 = arith.constant 9360 : i32
        %dma_wait3A_392 = tpu.memref_slice %arg14[%dma_wait3A_391] : memref<10000xf32, #tpu.memory_space<vmem_shared>> -> memref<640xf32, #tpu.memory_space<vmem_shared>>
        %dma_wait3A_393 = arith.constant 9360 : i32
        %dma_wait3A_394 = tpu.memref_slice %arg14[%dma_wait3A_393] : memref<10000xf32, #tpu.memory_space<vmem_shared>> -> memref<640xf32, #tpu.memory_space<vmem_shared>>
        tpu.wait_dma2 semaphore(%run_scoped3A_386 : memref<!tpu.dma_semaphore, #tpu.memory_space<semaphore_mem>>) src(%arg12 : memref<640xf32, #tpu.memory_space<vmem>>) dst(%dma_wait3A_394 : memref<640xf32, #tpu.memory_space<vmem_shared>>)
        tpu.yield
      }) : () -> ()
    } else {
    }
    %mul3A = arith.constant 16 : i32
    %mul3A_298 = arith.muli %arg0, %mul3A : i32
    %add3A = arith.addi %mul3A_298, %arg1 : i32
    %mul3A_299 = arith.constant 10000 : i32
    %mul3A_300 = arith.muli %add3A, %mul3A_299 : i32
    "tpu.region"() ({
      %run_scoped3A_386 = tpu.sem_alloc : memref<!tpu.dma_semaphore, #tpu.memory_space<semaphore_mem>>
      %dma_start3A_387 = tpu.memref_slice %arg3[%mul3A_300] : memref<320000xi32, #tpu.memory_space<hbm>> -> memref<10000xi32, #tpu.memory_space<hbm>>
      %dma_start3A_388 = tpu.memref_slice %arg3[%mul3A_300] : memref<320000xi32, #tpu.memory_space<hbm>> -> memref<10000xi32, #tpu.memory_space<hbm>>
      tpu.enqueue_dma source(%dma_start3A_388 : memref<10000xi32, #tpu.memory_space<hbm>>) target(%arg7 : memref<10000xi32, #tpu.memory_space<vmem>>) target_semaphore(%run_scoped3A_386 : memref<!tpu.dma_semaphore, #tpu.memory_space<semaphore_mem>>)
      %dma_wait3A_389 = tpu.memref_slice %arg3[%mul3A_300] : memref<320000xi32, #tpu.memory_space<hbm>> -> memref<10000xi32, #tpu.memory_space<hbm>>
      %dma_wait3A_390 = tpu.memref_slice %arg3[%mul3A_300] : memref<320000xi32, #tpu.memory_space<hbm>> -> memref<10000xi32, #tpu.memory_space<hbm>>
      tpu.wait_dma2 semaphore(%run_scoped3A_386 : memref<!tpu.dma_semaphore, #tpu.memory_space<semaphore_mem>>) src(%dma_wait3A_390 : memref<10000xi32, #tpu.memory_space<hbm>>) dst(%arg7 : memref<10000xi32, #tpu.memory_space<vmem>>)
      tpu.yield
    }) : () -> ()
    "tpu.region"() ({
      %run_scoped3A_386 = tpu.sem_alloc : memref<!tpu.dma_semaphore, #tpu.memory_space<semaphore_mem>>
      %dma_start3A_387 = tpu.memref_slice %arg4[%mul3A_300] : memref<320000xi32, #tpu.memory_space<hbm>> -> memref<10000xi32, #tpu.memory_space<hbm>>
      %dma_start3A_388 = tpu.memref_slice %arg4[%mul3A_300] : memref<320000xi32, #tpu.memory_space<hbm>> -> memref<10000xi32, #tpu.memory_space<hbm>>
      tpu.enqueue_dma source(%dma_start3A_388 : memref<10000xi32, #tpu.memory_space<hbm>>) target(%arg8 : memref<10000xi32, #tpu.memory_space<vmem>>) target_semaphore(%run_scoped3A_386 : memref<!tpu.dma_semaphore, #tpu.memory_space<semaphore_mem>>)
      %dma_wait3A_389 = tpu.memref_slice %arg4[%mul3A_300] : memref<320000xi32, #tpu.memory_space<hbm>> -> memref<10000xi32, #tpu.memory_space<hbm>>
      %dma_wait3A_390 = tpu.memref_slice %arg4[%mul3A_300] : memref<320000xi32, #tpu.memory_space<hbm>> -> memref<10000xi32, #tpu.memory_space<hbm>>
      tpu.wait_dma2 semaphore(%run_scoped3A_386 : memref<!tpu.dma_semaphore, #tpu.memory_space<semaphore_mem>>) src(%dma_wait3A_390 : memref<10000xi32, #tpu.memory_space<hbm>>) dst(%arg8 : memref<10000xi32, #tpu.memory_space<vmem>>)
      tpu.yield
    }) : () -> ()
    %scan3A_301 = arith.constant 0 : i32
    %scan3A_302 = arith.constant 0 : i32
    %scan3A_303 = arith.constant 625 : i32
    %scan3A_304 = arith.addi %scan3A_302, %scan3A_303 : i32
    %scan3A_305 = arith.constant 1 : i32
    %scan3A_306 = scf.for %scan3A_386 = %scan3A_302 to %scan3A_304 step %scan3A_305 iter_args(%scan3A_387 = %scan3A_301) -> (i32)  : i32 {
      %mul3A_388 = arith.constant 16 : i32
      %mul3A_389 = arith.muli %scan3A_386, %mul3A_388 : i32
      %get3A = arith.index_cast %mul3A_389 : i32 to index
      %get3A_390 = tpu.vector_load %arg7[%get3A] {strides = array<i32>} : memref<10000xi32, #tpu.memory_space<vmem>>, vector<16xi32>,
      %get3A_391 = vector.shape_cast %get3A_390 : vector<16xi32> to vector<16xi32>
      %add3A_392 = arith.addi %get3A_391, %get3A_391 : vector<16xi32>
      %mul3A_393 = arith.constant 16 : i32
      %mul3A_394 = arith.muli %scan3A_386, %mul3A_393 : i32
      %swap3A_395 = arith.index_cast %mul3A_394 : i32 to index
      %swap3A_396 = tpu.vector_load %arg7[%swap3A_395] {strides = array<i32>} : memref<10000xi32, #tpu.memory_space<vmem>>, vector<16xi32>,
      %swap3A_397 = vector.shape_cast %swap3A_396 : vector<16xi32> to vector<16xi32>
      %swap3A_398 = vector.shape_cast %add3A_392 : vector<16xi32> to vector<16xi32>
      tpu.vector_store %arg7[%swap3A_395], %swap3A_398 {strides = array<i32>} : memref<10000xi32, #tpu.memory_space<vmem>>, vector<16xi32>,
      %scan3A_399 = arith.constant 0 : i32
      scf.yield %scan3A_399 : i32
    }
    %scan3A_307 = arith.constant 625 : i32
    %barrier3A = arith.constant 0 : index
    tpu.barrier barrier_id(%barrier3A)
    %dma_start3A = arith.constant 0 : i32
    %dma_start3A_308 = arith.constant 0 : i32
    %dma_start3A_309 = arith.constant 0 : i32
    %dma_start3A_310 = tpu.memref_slice %arg9[%dma_start3A, %dma_start3A_308, %dma_start3A_309] : memref<2x128x64xf32, #tpu.memory_space<vmem>> -> memref<1x128x64xf32, #tpu.memory_space<vmem>>
    %dma_start3A_311 = tpu.memref_squeeze %dma_start3A_310 : memref<1x128x64xf32, #tpu.memory_space<vmem>> -> memref<128x64xf32, #tpu.memory_space<vmem>>
    %dma_start3A_312 = arith.constant 0 : i32
    %dma_start3A_313 = tpu.memref_slice %arg7[%dma_start3A_312] : memref<10000xi32, #tpu.memory_space<vmem>> -> memref<128xi32, #tpu.memory_space<vmem>>
    %dma_start3A_314 = arith.constant 0 : i32
    %dma_start3A_315 = arith.constant 0 : i32
    %dma_start3A_316 = tpu.memref_slice %arg2[%dma_start3A_314, %dma_start3A_315] : memref<20000x64xf32, #tpu.memory_space<hbm>> -> memref<20000x64xf32, #tpu.memory_space<hbm>>
    tpu.enqueue_indirect_dma source(%dma_start3A_316 : memref<20000x64xf32, #tpu.memory_space<hbm>>) target(%dma_start3A_311 : memref<128x64xf32, #tpu.memory_space<vmem>>) offsets(%dma_start3A_313 : memref<128xi32, #tpu.memory_space<vmem>>) semaphore(%arg15 : memref<!tpu.dma_semaphore, #tpu.memory_space<semaphore_mem>>)
    %scan3A_317 = arith.constant 0 : i32
    %scan3A_318 = arith.constant 0 : i32
    %scan3A_319 = arith.constant 38 : i32
    %scan3A_320 = arith.addi %scan3A_318, %scan3A_319 : i32
    %scan3A_321 = arith.constant 1 : i32
    %scan3A_322 = scf.for %scan3A_386 = %scan3A_318 to %scan3A_320 step %scan3A_321 iter_args(%scan3A_387 = %scan3A_317) -> (i32)  : i32 {
      %mul3A_388 = arith.constant 2 : i32
      %mul3A_389 = arith.muli %mul3A_388, %scan3A_386 : i32
      %add3A_390 = arith.constant 1 : i32
      %add3A_391 = arith.addi %mul3A_389, %add3A_390 : i32
      %mul3A_392 = arith.constant 128 : i32
      %mul3A_393 = arith.muli %add3A_391, %mul3A_392 : i32
      %dma_start3A_394 = arith.constant 1 : i32
      %dma_start3A_395 = arith.constant 0 : i32
      %dma_start3A_396 = arith.constant 0 : i32
      %dma_start3A_397 = tpu.memref_slice %arg9[%dma_start3A_394, %dma_start3A_395, %dma_start3A_396] : memref<2x128x64xf32, #tpu.memory_space<vmem>> -> memref<1x128x64xf32, #tpu.memory_space<vmem>>
      %dma_start3A_398 = tpu.memref_squeeze %dma_start3A_397 : memref<1x128x64xf32, #tpu.memory_space<vmem>> -> memref<128x64xf32, #tpu.memory_space<vmem>>
      %dma_start3A_399 = tpu.memref_slice %arg7[%mul3A_393] : memref<10000xi32, #tpu.memory_space<vmem>> -> memref<128xi32, #tpu.memory_space<vmem>>
      %dma_start3A_400 = arith.constant 0 : i32
      %dma_start3A_401 = arith.constant 0 : i32
      %dma_start3A_402 = tpu.memref_slice %arg2[%dma_start3A_400, %dma_start3A_401] : memref<20000x64xf32, #tpu.memory_space<hbm>> -> memref<20000x64xf32, #tpu.memory_space<hbm>>
      tpu.enqueue_indirect_dma source(%dma_start3A_402 : memref<20000x64xf32, #tpu.memory_space<hbm>>) target(%dma_start3A_398 : memref<128x64xf32, #tpu.memory_space<vmem>>) offsets(%dma_start3A_399 : memref<128xi32, #tpu.memory_space<vmem>>) semaphore(%arg16 : memref<!tpu.dma_semaphore, #tpu.memory_space<semaphore_mem>>)
      %mul3A_403 = arith.constant 128 : i32
      %mul3A_404 = arith.muli %mul3A_389, %mul3A_403 : i32
      %dma_wait3A_405 = arith.constant 0 : i32
      %dma_wait3A_406 = arith.constant 0 : i32
      %dma_wait3A_407 = arith.constant 0 : i32
      %dma_wait3A_408 = tpu.memref_slice %arg9[%dma_wait3A_405, %dma_wait3A_406, %dma_wait3A_407] : memref<2x128x64xf32, #tpu.memory_space<vmem>> -> memref<1x128x64xf32, #tpu.memory_space<vmem>>
      %dma_wait3A_409 = tpu.memref_squeeze %dma_wait3A_408 : memref<1x128x64xf32, #tpu.memory_space<vmem>> -> memref<128x64xf32, #tpu.memory_space<vmem>>
      %dma_wait3A_410 = tpu.memref_slice %arg7[%mul3A_404] : memref<10000xi32, #tpu.memory_space<vmem>> -> memref<128xi32, #tpu.memory_space<vmem>>
      %dma_wait3A_411 = arith.constant 0 : i32
      %dma_wait3A_412 = arith.constant 0 : i32
      %dma_wait3A_413 = tpu.memref_slice %arg2[%dma_wait3A_411, %dma_wait3A_412] : memref<20000x64xf32, #tpu.memory_space<hbm>> -> memref<20000x64xf32, #tpu.memory_space<hbm>>
      tpu.wait_indirect_dma semaphore(%arg15 : memref<!tpu.dma_semaphore, #tpu.memory_space<semaphore_mem>>) src(%dma_wait3A_413 : memref<20000x64xf32, #tpu.memory_space<hbm>>) dst(%dma_wait3A_409 : memref<128x64xf32, #tpu.memory_space<vmem>>)
      %mul3A_414 = arith.constant 128 : i32
      %mul3A_415 = arith.muli %mul3A_389, %mul3A_414 : i32
      %run_scoped3A_416 = arith.constant 0 : i32
      "tpu.region"() ({
        %run_scoped3A_453 = tpu.sem_alloc : memref<!tpu.dma_semaphore, #tpu.memory_space<semaphore_mem>>
        %dma_start3A_454 = arith.constant 0 : i32
        %dma_start3A_455 = arith.constant 0 : i32
        %dma_start3A_456 = tpu.memref_slice %arg9[%run_scoped3A_416, %dma_start3A_454, %dma_start3A_455] : memref<2x128x64xf32, #tpu.memory_space<vmem>> -> memref<1x128x64xf32, #tpu.memory_space<vmem>>
        %dma_start3A_457 = tpu.memref_squeeze %dma_start3A_456 : memref<1x128x64xf32, #tpu.memory_space<vmem>> -> memref<128x64xf32, #tpu.memory_space<vmem>>
        %dma_start3A_458 = tpu.memref_slice %arg8[%mul3A_415] : memref<10000xi32, #tpu.memory_space<vmem>> -> memref<128xi32, #tpu.memory_space<vmem>>
        %dma_start3A_459 = arith.constant 0 : i32
        %dma_start3A_460 = arith.constant 0 : i32
        %dma_start3A_461 = tpu.memref_slice %arg13[%dma_start3A_459, %dma_start3A_460] : memref<10000x64xf32, #tpu.memory_space<vmem_shared>> -> memref<10000x64xf32, #tpu.memory_space<vmem_shared>>
        tpu.enqueue_indirect_dma source(%dma_start3A_457 : memref<128x64xf32, #tpu.memory_space<vmem>>) target(%dma_start3A_461 : memref<10000x64xf32, #tpu.memory_space<vmem_shared>>) offsets(%dma_start3A_458 : memref<128xi32, #tpu.memory_space<vmem>>) semaphore(%run_scoped3A_453 : memref<!tpu.dma_semaphore, #tpu.memory_space<semaphore_mem>>) {add = true}
        %dma_wait3A_462 = arith.constant 0 : i32
        %dma_wait3A_463 = arith.constant 0 : i32
        %dma_wait3A_464 = tpu.memref_slice %arg9[%run_scoped3A_416, %dma_wait3A_462, %dma_wait3A_463] : memref<2x128x64xf32, #tpu.memory_space<vmem>> -> memref<1x128x64xf32, #tpu.memory_space<vmem>>
        %dma_wait3A_465 = tpu.memref_squeeze %dma_wait3A_464 : memref<1x128x64xf32, #tpu.memory_space<vmem>> -> memref<128x64xf32, #tpu.memory_space<vmem>>
        %dma_wait3A_466 = tpu.memref_slice %arg8[%mul3A_415] : memref<10000xi32, #tpu.memory_space<vmem>> -> memref<128xi32, #tpu.memory_space<vmem>>
        %dma_wait3A_467 = arith.constant 0 : i32
        %dma_wait3A_468 = arith.constant 0 : i32
        %dma_wait3A_469 = tpu.memref_slice %arg13[%dma_wait3A_467, %dma_wait3A_468] : memref<10000x64xf32, #tpu.memory_space<vmem_shared>> -> memref<10000x64xf32, #tpu.memory_space<vmem_shared>>
        tpu.wait_indirect_dma semaphore(%run_scoped3A_453 : memref<!tpu.dma_semaphore, #tpu.memory_space<semaphore_mem>>) src(%dma_wait3A_465 : memref<128x64xf32, #tpu.memory_space<vmem>>) dst(%dma_wait3A_469 : memref<10000x64xf32, #tpu.memory_space<vmem_shared>>)
        tpu.yield
      }) : () -> ()
      %mul3A_417 = arith.constant 128 : i32
      %mul3A_418 = arith.muli %mul3A_389, %mul3A_417 : i32
      "tpu.region"() ({
        %run_scoped3A_453 = tpu.sem_alloc : memref<!tpu.dma_semaphore, #tpu.memory_space<semaphore_mem>>
        %dma_start3A_454 = tpu.memref_slice %arg8[%mul3A_418] : memref<10000xi32, #tpu.memory_space<vmem>> -> memref<128xi32, #tpu.memory_space<vmem>>
        %dma_start3A_455 = arith.constant 0 : i32
        %dma_start3A_456 = tpu.memref_slice %arg14[%dma_start3A_455] : memref<10000xf32, #tpu.memory_space<vmem_shared>> -> memref<10000xf32, #tpu.memory_space<vmem_shared>>
        tpu.enqueue_indirect_dma source(%arg11 : memref<128xf32, #tpu.memory_space<vmem>>) target(%dma_start3A_456 : memref<10000xf32, #tpu.memory_space<vmem_shared>>) offsets(%dma_start3A_454 : memref<128xi32, #tpu.memory_space<vmem>>) semaphore(%run_scoped3A_453 : memref<!tpu.dma_semaphore, #tpu.memory_space<semaphore_mem>>) {add = true}
        %dma_wait3A_457 = tpu.memref_slice %arg8[%mul3A_418] : memref<10000xi32, #tpu.memory_space<vmem>> -> memref<128xi32, #tpu.memory_space<vmem>>
        %dma_wait3A_458 = arith.constant 0 : i32
        %dma_wait3A_459 = tpu.memref_slice %arg14[%dma_wait3A_458] : memref<10000xf32, #tpu.memory_space<vmem_shared>> -> memref<10000xf32, #tpu.memory_space<vmem_shared>>
        tpu.wait_indirect_dma semaphore(%run_scoped3A_453 : memref<!tpu.dma_semaphore, #tpu.memory_space<semaphore_mem>>) src(%arg11 : memref<128xf32, #tpu.memory_space<vmem>>) dst(%dma_wait3A_459 : memref<10000xf32, #tpu.memory_space<vmem_shared>>)
        tpu.yield
      }) : () -> ()
      %add3A_419 = arith.constant 2 : i32
      %add3A_420 = arith.addi %mul3A_389, %add3A_419 : i32
      %mul3A_421 = arith.constant 128 : i32
      %mul3A_422 = arith.muli %add3A_420, %mul3A_421 : i32
      %dma_start3A_423 = arith.constant 0 : i32
      %dma_start3A_424 = arith.constant 0 : i32
      %dma_start3A_425 = arith.constant 0 : i32
      %dma_start3A_426 = tpu.memref_slice %arg9[%dma_start3A_423, %dma_start3A_424, %dma_start3A_425] : memref<2x128x64xf32, #tpu.memory_space<vmem>> -> memref<1x128x64xf32, #tpu.memory_space<vmem>>
      %dma_start3A_427 = tpu.memref_squeeze %dma_start3A_426 : memref<1x128x64xf32, #tpu.memory_space<vmem>> -> memref<128x64xf32, #tpu.memory_space<vmem>>
      %dma_start3A_428 = tpu.memref_slice %arg7[%mul3A_422] : memref<10000xi32, #tpu.memory_space<vmem>> -> memref<128xi32, #tpu.memory_space<vmem>>
      %dma_start3A_429 = arith.constant 0 : i32
      %dma_start3A_430 = arith.constant 0 : i32
      %dma_start3A_431 = tpu.memref_slice %arg2[%dma_start3A_429, %dma_start3A_430] : memref<20000x64xf32, #tpu.memory_space<hbm>> -> memref<20000x64xf32, #tpu.memory_space<hbm>>
      tpu.enqueue_indirect_dma source(%dma_start3A_431 : memref<20000x64xf32, #tpu.memory_space<hbm>>) target(%dma_start3A_427 : memref<128x64xf32, #tpu.memory_space<vmem>>) offsets(%dma_start3A_428 : memref<128xi32, #tpu.memory_space<vmem>>) semaphore(%arg15 : memref<!tpu.dma_semaphore, #tpu.memory_space<semaphore_mem>>)
      %add3A_432 = arith.constant 1 : i32
      %add3A_433 = arith.addi %mul3A_389, %add3A_432 : i32
      %mul3A_434 = arith.constant 128 : i32
      %mul3A_435 = arith.muli %add3A_433, %mul3A_434 : i32
      %dma_wait3A_436 = arith.constant 1 : i32
      %dma_wait3A_437 = arith.constant 0 : i32
      %dma_wait3A_438 = arith.constant 0 : i32
      %dma_wait3A_439 = tpu.memref_slice %arg9[%dma_wait3A_436, %dma_wait3A_437, %dma_wait3A_438] : memref<2x128x64xf32, #tpu.memory_space<vmem>> -> memref<1x128x64xf32, #tpu.memory_space<vmem>>
      %dma_wait3A_440 = tpu.memref_squeeze %dma_wait3A_439 : memref<1x128x64xf32, #tpu.memory_space<vmem>> -> memref<128x64xf32, #tpu.memory_space<vmem>>
      %dma_wait3A_441 = tpu.memref_slice %arg7[%mul3A_435] : memref<10000xi32, #tpu.memory_space<vmem>> -> memref<128xi32, #tpu.memory_space<vmem>>
      %dma_wait3A_442 = arith.constant 0 : i32
      %dma_wait3A_443 = arith.constant 0 : i32
      %dma_wait3A_444 = tpu.memref_slice %arg2[%dma_wait3A_442, %dma_wait3A_443] : memref<20000x64xf32, #tpu.memory_space<hbm>> -> memref<20000x64xf32, #tpu.memory_space<hbm>>
      tpu.wait_indirect_dma semaphore(%arg16 : memref<!tpu.dma_semaphore, #tpu.memory_space<semaphore_mem>>) src(%dma_wait3A_444 : memref<20000x64xf32, #tpu.memory_space<hbm>>) dst(%dma_wait3A_440 : memref<128x64xf32, #tpu.memory_space<vmem>>)
      %add3A_445 = arith.constant 1 : i32
      %add3A_446 = arith.addi %mul3A_389, %add3A_445 : i32
      %mul3A_447 = arith.constant 128 : i32
      %mul3A_448 = arith.muli %add3A_446, %mul3A_447 : i32
      %run_scoped3A_449 = arith.constant 1 : i32
      "tpu.region"() ({
        %run_scoped3A_453 = tpu.sem_alloc : memref<!tpu.dma_semaphore, #tpu.memory_space<semaphore_mem>>
        %dma_start3A_454 = arith.constant 0 : i32
        %dma_start3A_455 = arith.constant 0 : i32
        %dma_start3A_456 = tpu.memref_slice %arg9[%run_scoped3A_449, %dma_start3A_454, %dma_start3A_455] : memref<2x128x64xf32, #tpu.memory_space<vmem>> -> memref<1x128x64xf32, #tpu.memory_space<vmem>>
        %dma_start3A_457 = tpu.memref_squeeze %dma_start3A_456 : memref<1x128x64xf32, #tpu.memory_space<vmem>> -> memref<128x64xf32, #tpu.memory_space<vmem>>
        %dma_start3A_458 = tpu.memref_slice %arg8[%mul3A_448] : memref<10000xi32, #tpu.memory_space<vmem>> -> memref<128xi32, #tpu.memory_space<vmem>>
        %dma_start3A_459 = arith.constant 0 : i32
        %dma_start3A_460 = arith.constant 0 : i32
        %dma_start3A_461 = tpu.memref_slice %arg13[%dma_start3A_459, %dma_start3A_460] : memref<10000x64xf32, #tpu.memory_space<vmem_shared>> -> memref<10000x64xf32, #tpu.memory_space<vmem_shared>>
        tpu.enqueue_indirect_dma source(%dma_start3A_457 : memref<128x64xf32, #tpu.memory_space<vmem>>) target(%dma_start3A_461 : memref<10000x64xf32, #tpu.memory_space<vmem_shared>>) offsets(%dma_start3A_458 : memref<128xi32, #tpu.memory_space<vmem>>) semaphore(%run_scoped3A_453 : memref<!tpu.dma_semaphore, #tpu.memory_space<semaphore_mem>>) {add = true}
        %dma_wait3A_462 = arith.constant 0 : i32
        %dma_wait3A_463 = arith.constant 0 : i32
        %dma_wait3A_464 = tpu.memref_slice %arg9[%run_scoped3A_449, %dma_wait3A_462, %dma_wait3A_463] : memref<2x128x64xf32, #tpu.memory_space<vmem>> -> memref<1x128x64xf32, #tpu.memory_space<vmem>>
        %dma_wait3A_465 = tpu.memref_squeeze %dma_wait3A_464 : memref<1x128x64xf32, #tpu.memory_space<vmem>> -> memref<128x64xf32, #tpu.memory_space<vmem>>
        %dma_wait3A_466 = tpu.memref_slice %arg8[%mul3A_448] : memref<10000xi32, #tpu.memory_space<vmem>> -> memref<128xi32, #tpu.memory_space<vmem>>
        %dma_wait3A_467 = arith.constant 0 : i32
        %dma_wait3A_468 = arith.constant 0 : i32
        %dma_wait3A_469 = tpu.memref_slice %arg13[%dma_wait3A_467, %dma_wait3A_468] : memref<10000x64xf32, #tpu.memory_space<vmem_shared>> -> memref<10000x64xf32, #tpu.memory_space<vmem_shared>>
        tpu.wait_indirect_dma semaphore(%run_scoped3A_453 : memref<!tpu.dma_semaphore, #tpu.memory_space<semaphore_mem>>) src(%dma_wait3A_465 : memref<128x64xf32, #tpu.memory_space<vmem>>) dst(%dma_wait3A_469 : memref<10000x64xf32, #tpu.memory_space<vmem_shared>>)
        tpu.yield
      }) : () -> ()
      %mul3A_450 = arith.constant 128 : i32
      %mul3A_451 = arith.muli %add3A_446, %mul3A_450 : i32
      "tpu.region"() ({
        %run_scoped3A_453 = tpu.sem_alloc : memref<!tpu.dma_semaphore, #tpu.memory_space<semaphore_mem>>
        %dma_start3A_454 = tpu.memref_slice %arg8[%mul3A_451] : memref<10000xi32, #tpu.memory_space<vmem>> -> memref<128xi32, #tpu.memory_space<vmem>>
        %dma_start3A_455 = arith.constant 0 : i32
        %dma_start3A_456 = tpu.memref_slice %arg14[%dma_start3A_455] : memref<10000xf32, #tpu.memory_space<vmem_shared>> -> memref<10000xf32, #tpu.memory_space<vmem_shared>>
        tpu.enqueue_indirect_dma source(%arg11 : memref<128xf32, #tpu.memory_space<vmem>>) target(%dma_start3A_456 : memref<10000xf32, #tpu.memory_space<vmem_shared>>) offsets(%dma_start3A_454 : memref<128xi32, #tpu.memory_space<vmem>>) semaphore(%run_scoped3A_453 : memref<!tpu.dma_semaphore, #tpu.memory_space<semaphore_mem>>) {add = true}
        %dma_wait3A_457 = tpu.memref_slice %arg8[%mul3A_451] : memref<10000xi32, #tpu.memory_space<vmem>> -> memref<128xi32, #tpu.memory_space<vmem>>
        %dma_wait3A_458 = arith.constant 0 : i32
        %dma_wait3A_459 = tpu.memref_slice %arg14[%dma_wait3A_458] : memref<10000xf32, #tpu.memory_space<vmem_shared>> -> memref<10000xf32, #tpu.memory_space<vmem_shared>>
        tpu.wait_indirect_dma semaphore(%run_scoped3A_453 : memref<!tpu.dma_semaphore, #tpu.memory_space<semaphore_mem>>) src(%arg11 : memref<128xf32, #tpu.memory_space<vmem>>) dst(%dma_wait3A_459 : memref<10000xf32, #tpu.memory_space<vmem_shared>>)
        tpu.yield
      }) : () -> ()
      %scan3A_452 = arith.constant 0 : i32
      scf.yield %scan3A_452 : i32
    }
    %scan3A_323 = arith.constant 38 : i32
    %dma_start3A_324 = arith.constant 1 : i32
    %dma_start3A_325 = arith.constant 0 : i32
    %dma_start3A_326 = arith.constant 0 : i32
    %dma_start3A_327 = tpu.memref_slice %arg9[%dma_start3A_324, %dma_start3A_325, %dma_start3A_326] : memref<2x128x64xf32, #tpu.memory_space<vmem>> -> memref<1x128x64xf32, #tpu.memory_space<vmem>>
    %dma_start3A_328 = tpu.memref_squeeze %dma_start3A_327 : memref<1x128x64xf32, #tpu.memory_space<vmem>> -> memref<128x64xf32, #tpu.memory_space<vmem>>
    %dma_start3A_329 = arith.constant 9856 : i32
    %dma_start3A_330 = tpu.memref_slice %arg7[%dma_start3A_329] : memref<10000xi32, #tpu.memory_space<vmem>> -> memref<128xi32, #tpu.memory_space<vmem>>
    %dma_start3A_331 = arith.constant 0 : i32
    %dma_start3A_332 = arith.constant 0 : i32
    %dma_start3A_333 = tpu.memref_slice %arg2[%dma_start3A_331, %dma_start3A_332] : memref<20000x64xf32, #tpu.memory_space<hbm>> -> memref<20000x64xf32, #tpu.memory_space<hbm>>
    tpu.enqueue_indirect_dma source(%dma_start3A_333 : memref<20000x64xf32, #tpu.memory_space<hbm>>) target(%dma_start3A_328 : memref<128x64xf32, #tpu.memory_space<vmem>>) offsets(%dma_start3A_330 : memref<128xi32, #tpu.memory_space<vmem>>) semaphore(%arg16 : memref<!tpu.dma_semaphore, #tpu.memory_space<semaphore_mem>>)
    %dma_wait3A = arith.constant 0 : i32
    %dma_wait3A_334 = arith.constant 0 : i32
    %dma_wait3A_335 = arith.constant 0 : i32
    %dma_wait3A_336 = tpu.memref_slice %arg9[%dma_wait3A, %dma_wait3A_334, %dma_wait3A_335] : memref<2x128x64xf32, #tpu.memory_space<vmem>> -> memref<1x128x64xf32, #tpu.memory_space<vmem>>
    %dma_wait3A_337 = tpu.memref_squeeze %dma_wait3A_336 : memref<1x128x64xf32, #tpu.memory_space<vmem>> -> memref<128x64xf32, #tpu.memory_space<vmem>>
    %dma_wait3A_338 = arith.constant 9728 : i32
    %dma_wait3A_339 = tpu.memref_slice %arg7[%dma_wait3A_338] : memref<10000xi32, #tpu.memory_space<vmem>> -> memref<128xi32, #tpu.memory_space<vmem>>
    %dma_wait3A_340 = arith.constant 0 : i32
    %dma_wait3A_341 = arith.constant 0 : i32
    %dma_wait3A_342 = tpu.memref_slice %arg2[%dma_wait3A_340, %dma_wait3A_341] : memref<20000x64xf32, #tpu.memory_space<hbm>> -> memref<20000x64xf32, #tpu.memory_space<hbm>>
    tpu.wait_indirect_dma semaphore(%arg15 : memref<!tpu.dma_semaphore, #tpu.memory_space<semaphore_mem>>) src(%dma_wait3A_342 : memref<20000x64xf32, #tpu.memory_space<hbm>>) dst(%dma_wait3A_337 : memref<128x64xf32, #tpu.memory_space<vmem>>)
    %run_scoped3A = arith.constant 0 : i32
    "tpu.region"() ({
      %run_scoped3A_386 = tpu.sem_alloc : memref<!tpu.dma_semaphore, #tpu.memory_space<semaphore_mem>>
      %dma_start3A_387 = arith.constant 0 : i32
      %dma_start3A_388 = arith.constant 0 : i32
      %dma_start3A_389 = tpu.memref_slice %arg9[%run_scoped3A, %dma_start3A_387, %dma_start3A_388] : memref<2x128x64xf32, #tpu.memory_space<vmem>> -> memref<1x128x64xf32, #tpu.memory_space<vmem>>
      %dma_start3A_390 = tpu.memref_squeeze %dma_start3A_389 : memref<1x128x64xf32, #tpu.memory_space<vmem>> -> memref<128x64xf32, #tpu.memory_space<vmem>>
      %dma_start3A_391 = arith.constant 9728 : i32
      %dma_start3A_392 = tpu.memref_slice %arg8[%dma_start3A_391] : memref<10000xi32, #tpu.memory_space<vmem>> -> memref<128xi32, #tpu.memory_space<vmem>>
      %dma_start3A_393 = arith.constant 0 : i32
      %dma_start3A_394 = arith.constant 0 : i32
      %dma_start3A_395 = tpu.memref_slice %arg13[%dma_start3A_393, %dma_start3A_394] : memref<10000x64xf32, #tpu.memory_space<vmem_shared>> -> memref<10000x64xf32, #tpu.memory_space<vmem_shared>>
      tpu.enqueue_indirect_dma source(%dma_start3A_390 : memref<128x64xf32, #tpu.memory_space<vmem>>) target(%dma_start3A_395 : memref<10000x64xf32, #tpu.memory_space<vmem_shared>>) offsets(%dma_start3A_392 : memref<128xi32, #tpu.memory_space<vmem>>) semaphore(%run_scoped3A_386 : memref<!tpu.dma_semaphore, #tpu.memory_space<semaphore_mem>>) {add = true}
      %dma_wait3A_396 = arith.constant 0 : i32
      %dma_wait3A_397 = arith.constant 0 : i32
      %dma_wait3A_398 = tpu.memref_slice %arg9[%run_scoped3A, %dma_wait3A_396, %dma_wait3A_397] : memref<2x128x64xf32, #tpu.memory_space<vmem>> -> memref<1x128x64xf32, #tpu.memory_space<vmem>>
      %dma_wait3A_399 = tpu.memref_squeeze %dma_wait3A_398 : memref<1x128x64xf32, #tpu.memory_space<vmem>> -> memref<128x64xf32, #tpu.memory_space<vmem>>
      %dma_wait3A_400 = arith.constant 9728 : i32
      %dma_wait3A_401 = tpu.memref_slice %arg8[%dma_wait3A_400] : memref<10000xi32, #tpu.memory_space<vmem>> -> memref<128xi32, #tpu.memory_space<vmem>>
      %dma_wait3A_402 = arith.constant 0 : i32
      %dma_wait3A_403 = arith.constant 0 : i32
      %dma_wait3A_404 = tpu.memref_slice %arg13[%dma_wait3A_402, %dma_wait3A_403] : memref<10000x64xf32, #tpu.memory_space<vmem_shared>> -> memref<10000x64xf32, #tpu.memory_space<vmem_shared>>
      tpu.wait_indirect_dma semaphore(%run_scoped3A_386 : memref<!tpu.dma_semaphore, #tpu.memory_space<semaphore_mem>>) src(%dma_wait3A_399 : memref<128x64xf32, #tpu.memory_space<vmem>>) dst(%dma_wait3A_404 : memref<10000x64xf32, #tpu.memory_space<vmem_shared>>)
      tpu.yield
    }) : () -> ()
    "tpu.region"() ({
      %run_scoped3A_386 = tpu.sem_alloc : memref<!tpu.dma_semaphore, #tpu.memory_space<semaphore_mem>>
      %dma_start3A_387 = arith.constant 9728 : i32
      %dma_start3A_388 = tpu.memref_slice %arg8[%dma_start3A_387] : memref<10000xi32, #tpu.memory_space<vmem>> -> memref<128xi32, #tpu.memory_space<vmem>>
      %dma_start3A_389 = arith.constant 0 : i32
      %dma_start3A_390 = tpu.memref_slice %arg14[%dma_start3A_389] : memref<10000xf32, #tpu.memory_space<vmem_shared>> -> memref<10000xf32, #tpu.memory_space<vmem_shared>>
      tpu.enqueue_indirect_dma source(%arg11 : memref<128xf32, #tpu.memory_space<vmem>>) target(%dma_start3A_390 : memref<10000xf32, #tpu.memory_space<vmem_shared>>) offsets(%dma_start3A_388 : memref<128xi32, #tpu.memory_space<vmem>>) semaphore(%run_scoped3A_386 : memref<!tpu.dma_semaphore, #tpu.memory_space<semaphore_mem>>) {add = true}
      %dma_wait3A_391 = arith.constant 9728 : i32
      %dma_wait3A_392 = tpu.memref_slice %arg8[%dma_wait3A_391] : memref<10000xi32, #tpu.memory_space<vmem>> -> memref<128xi32, #tpu.memory_space<vmem>>
      %dma_wait3A_393 = arith.constant 0 : i32
      %dma_wait3A_394 = tpu.memref_slice %arg14[%dma_wait3A_393] : memref<10000xf32, #tpu.memory_space<vmem_shared>> -> memref<10000xf32, #tpu.memory_space<vmem_shared>>
      tpu.wait_indirect_dma semaphore(%run_scoped3A_386 : memref<!tpu.dma_semaphore, #tpu.memory_space<semaphore_mem>>) src(%arg11 : memref<128xf32, #tpu.memory_space<vmem>>) dst(%dma_wait3A_394 : memref<10000xf32, #tpu.memory_space<vmem_shared>>)
      tpu.yield
    }) : () -> ()
    %dma_wait3A_343 = arith.constant 1 : i32
    %dma_wait3A_344 = arith.constant 0 : i32
    %dma_wait3A_345 = arith.constant 0 : i32
    %dma_wait3A_346 = tpu.memref_slice %arg9[%dma_wait3A_343, %dma_wait3A_344, %dma_wait3A_345] : memref<2x128x64xf32, #tpu.memory_space<vmem>> -> memref<1x128x64xf32, #tpu.memory_space<vmem>>
    %dma_wait3A_347 = tpu.memref_squeeze %dma_wait3A_346 : memref<1x128x64xf32, #tpu.memory_space<vmem>> -> memref<128x64xf32, #tpu.memory_space<vmem>>
    %dma_wait3A_348 = arith.constant 9856 : i32
    %dma_wait3A_349 = tpu.memref_slice %arg7[%dma_wait3A_348] : memref<10000xi32, #tpu.memory_space<vmem>> -> memref<128xi32, #tpu.memory_space<vmem>>
    %dma_wait3A_350 = arith.constant 0 : i32
    %dma_wait3A_351 = arith.constant 0 : i32
    %dma_wait3A_352 = tpu.memref_slice %arg2[%dma_wait3A_350, %dma_wait3A_351] : memref<20000x64xf32, #tpu.memory_space<hbm>> -> memref<20000x64xf32, #tpu.memory_space<hbm>>
    tpu.wait_indirect_dma semaphore(%arg16 : memref<!tpu.dma_semaphore, #tpu.memory_space<semaphore_mem>>) src(%dma_wait3A_352 : memref<20000x64xf32, #tpu.memory_space<hbm>>) dst(%dma_wait3A_347 : memref<128x64xf32, #tpu.memory_space<vmem>>)
    %run_scoped3A_353 = arith.constant 1 : i32
    "tpu.region"() ({
      %run_scoped3A_386 = tpu.sem_alloc : memref<!tpu.dma_semaphore, #tpu.memory_space<semaphore_mem>>
      %dma_start3A_387 = arith.constant 0 : i32
      %dma_start3A_388 = arith.constant 0 : i32
      %dma_start3A_389 = tpu.memref_slice %arg9[%run_scoped3A_353, %dma_start3A_387, %dma_start3A_388] : memref<2x128x64xf32, #tpu.memory_space<vmem>> -> memref<1x128x64xf32, #tpu.memory_space<vmem>>
      %dma_start3A_390 = tpu.memref_squeeze %dma_start3A_389 : memref<1x128x64xf32, #tpu.memory_space<vmem>> -> memref<128x64xf32, #tpu.memory_space<vmem>>
      %dma_start3A_391 = arith.constant 9856 : i32
      %dma_start3A_392 = tpu.memref_slice %arg8[%dma_start3A_391] : memref<10000xi32, #tpu.memory_space<vmem>> -> memref<128xi32, #tpu.memory_space<vmem>>
      %dma_start3A_393 = arith.constant 0 : i32
      %dma_start3A_394 = arith.constant 0 : i32
      %dma_start3A_395 = tpu.memref_slice %arg13[%dma_start3A_393, %dma_start3A_394] : memref<10000x64xf32, #tpu.memory_space<vmem_shared>> -> memref<10000x64xf32, #tpu.memory_space<vmem_shared>>
      tpu.enqueue_indirect_dma source(%dma_start3A_390 : memref<128x64xf32, #tpu.memory_space<vmem>>) target(%dma_start3A_395 : memref<10000x64xf32, #tpu.memory_space<vmem_shared>>) offsets(%dma_start3A_392 : memref<128xi32, #tpu.memory_space<vmem>>) semaphore(%run_scoped3A_386 : memref<!tpu.dma_semaphore, #tpu.memory_space<semaphore_mem>>) {add = true}
      %dma_wait3A_396 = arith.constant 0 : i32
      %dma_wait3A_397 = arith.constant 0 : i32
      %dma_wait3A_398 = tpu.memref_slice %arg9[%run_scoped3A_353, %dma_wait3A_396, %dma_wait3A_397] : memref<2x128x64xf32, #tpu.memory_space<vmem>> -> memref<1x128x64xf32, #tpu.memory_space<vmem>>
      %dma_wait3A_399 = tpu.memref_squeeze %dma_wait3A_398 : memref<1x128x64xf32, #tpu.memory_space<vmem>> -> memref<128x64xf32, #tpu.memory_space<vmem>>
      %dma_wait3A_400 = arith.constant 9856 : i32
      %dma_wait3A_401 = tpu.memref_slice %arg8[%dma_wait3A_400] : memref<10000xi32, #tpu.memory_space<vmem>> -> memref<128xi32, #tpu.memory_space<vmem>>
      %dma_wait3A_402 = arith.constant 0 : i32
      %dma_wait3A_403 = arith.constant 0 : i32
      %dma_wait3A_404 = tpu.memref_slice %arg13[%dma_wait3A_402, %dma_wait3A_403] : memref<10000x64xf32, #tpu.memory_space<vmem_shared>> -> memref<10000x64xf32, #tpu.memory_space<vmem_shared>>
      tpu.wait_indirect_dma semaphore(%run_scoped3A_386 : memref<!tpu.dma_semaphore, #tpu.memory_space<semaphore_mem>>) src(%dma_wait3A_399 : memref<128x64xf32, #tpu.memory_space<vmem>>) dst(%dma_wait3A_404 : memref<10000x64xf32, #tpu.memory_space<vmem_shared>>)
      tpu.yield
    }) : () -> ()
    "tpu.region"() ({
      %run_scoped3A_386 = tpu.sem_alloc : memref<!tpu.dma_semaphore, #tpu.memory_space<semaphore_mem>>
      %dma_start3A_387 = arith.constant 9856 : i32
      %dma_start3A_388 = tpu.memref_slice %arg8[%dma_start3A_387] : memref<10000xi32, #tpu.memory_space<vmem>> -> memref<128xi32, #tpu.memory_space<vmem>>
      %dma_start3A_389 = arith.constant 0 : i32
      %dma_start3A_390 = tpu.memref_slice %arg14[%dma_start3A_389] : memref<10000xf32, #tpu.memory_space<vmem_shared>> -> memref<10000xf32, #tpu.memory_space<vmem_shared>>
      tpu.enqueue_indirect_dma source(%arg11 : memref<128xf32, #tpu.memory_space<vmem>>) target(%dma_start3A_390 : memref<10000xf32, #tpu.memory_space<vmem_shared>>) offsets(%dma_start3A_388 : memref<128xi32, #tpu.memory_space<vmem>>) semaphore(%run_scoped3A_386 : memref<!tpu.dma_semaphore, #tpu.memory_space<semaphore_mem>>) {add = true}
      %dma_wait3A_391 = arith.constant 9856 : i32
      %dma_wait3A_392 = tpu.memref_slice %arg8[%dma_wait3A_391] : memref<10000xi32, #tpu.memory_space<vmem>> -> memref<128xi32, #tpu.memory_space<vmem>>
      %dma_wait3A_393 = arith.constant 0 : i32
      %dma_wait3A_394 = tpu.memref_slice %arg14[%dma_wait3A_393] : memref<10000xf32, #tpu.memory_space<vmem_shared>> -> memref<10000xf32, #tpu.memory_space<vmem_shared>>
      tpu.wait_indirect_dma semaphore(%run_scoped3A_386 : memref<!tpu.dma_semaphore, #tpu.memory_space<semaphore_mem>>) src(%arg11 : memref<128xf32, #tpu.memory_space<vmem>>) dst(%dma_wait3A_394 : memref<10000xf32, #tpu.memory_space<vmem_shared>>)
      tpu.yield
    }) : () -> ()
    %dma_start3A_354 = arith.constant 0 : i32
    %dma_start3A_355 = arith.constant 0 : i32
    %dma_start3A_356 = arith.constant 0 : i32
    %dma_start3A_357 = tpu.memref_slice %arg9[%dma_start3A_354, %dma_start3A_355, %dma_start3A_356] : memref<2x128x64xf32, #tpu.memory_space<vmem>> -> memref<1x16x64xf32, #tpu.memory_space<vmem>>
    %dma_start3A_358 = tpu.memref_squeeze %dma_start3A_357 : memref<1x16x64xf32, #tpu.memory_space<vmem>> -> memref<16x64xf32, #tpu.memory_space<vmem>>
    %dma_start3A_359 = arith.constant 9984 : i32
    %dma_start3A_360 = tpu.memref_slice %arg7[%dma_start3A_359] : memref<10000xi32, #tpu.memory_space<vmem>> -> memref<16xi32, #tpu.memory_space<vmem>>
    %dma_start3A_361 = arith.constant 0 : i32
    %dma_start3A_362 = arith.constant 0 : i32
    %dma_start3A_363 = tpu.memref_slice %arg2[%dma_start3A_361, %dma_start3A_362] : memref<20000x64xf32, #tpu.memory_space<hbm>> -> memref<20000x64xf32, #tpu.memory_space<hbm>>
    tpu.enqueue_indirect_dma source(%dma_start3A_363 : memref<20000x64xf32, #tpu.memory_space<hbm>>) target(%dma_start3A_358 : memref<16x64xf32, #tpu.memory_space<vmem>>) offsets(%dma_start3A_360 : memref<16xi32, #tpu.memory_space<vmem>>) semaphore(%arg15 : memref<!tpu.dma_semaphore, #tpu.memory_space<semaphore_mem>>)
    %dma_wait3A_364 = arith.constant 0 : i32
    %dma_wait3A_365 = arith.constant 0 : i32
    %dma_wait3A_366 = arith.constant 0 : i32
    %dma_wait3A_367 = tpu.memref_slice %arg9[%dma_wait3A_364, %dma_wait3A_365, %dma_wait3A_366] : memref<2x128x64xf32, #tpu.memory_space<vmem>> -> memref<1x16x64xf32, #tpu.memory_space<vmem>>
    %dma_wait3A_368 = tpu.memref_squeeze %dma_wait3A_367 : memref<1x16x64xf32, #tpu.memory_space<vmem>> -> memref<16x64xf32, #tpu.memory_space<vmem>>
    %dma_wait3A_369 = arith.constant 9984 : i32
    %dma_wait3A_370 = tpu.memref_slice %arg7[%dma_wait3A_369] : memref<10000xi32, #tpu.memory_space<vmem>> -> memref<16xi32, #tpu.memory_space<vmem>>
    %dma_wait3A_371 = arith.constant 0 : i32
    %dma_wait3A_372 = arith.constant 0 : i32
    %dma_wait3A_373 = tpu.memref_slice %arg2[%dma_wait3A_371, %dma_wait3A_372] : memref<20000x64xf32, #tpu.memory_space<hbm>> -> memref<20000x64xf32, #tpu.memory_space<hbm>>
    tpu.wait_indirect_dma semaphore(%arg15 : memref<!tpu.dma_semaphore, #tpu.memory_space<semaphore_mem>>) src(%dma_wait3A_373 : memref<20000x64xf32, #tpu.memory_space<hbm>>) dst(%dma_wait3A_368 : memref<16x64xf32, #tpu.memory_space<vmem>>)
    %run_scoped3A_374 = arith.constant 0 : i32
    "tpu.region"() ({
      %run_scoped3A_386 = tpu.sem_alloc : memref<!tpu.dma_semaphore, #tpu.memory_space<semaphore_mem>>
      %dma_start3A_387 = arith.constant 0 : i32
      %dma_start3A_388 = arith.constant 0 : i32
      %dma_start3A_389 = tpu.memref_slice %arg9[%run_scoped3A_374, %dma_start3A_387, %dma_start3A_388] : memref<2x128x64xf32, #tpu.memory_space<vmem>> -> memref<1x16x64xf32, #tpu.memory_space<vmem>>
      %dma_start3A_390 = tpu.memref_squeeze %dma_start3A_389 : memref<1x16x64xf32, #tpu.memory_space<vmem>> -> memref<16x64xf32, #tpu.memory_space<vmem>>
      %dma_start3A_391 = arith.constant 9984 : i32
      %dma_start3A_392 = tpu.memref_slice %arg8[%dma_start3A_391] : memref<10000xi32, #tpu.memory_space<vmem>> -> memref<16xi32, #tpu.memory_space<vmem>>
      %dma_start3A_393 = arith.constant 0 : i32
      %dma_start3A_394 = arith.constant 0 : i32
      %dma_start3A_395 = tpu.memref_slice %arg13[%dma_start3A_393, %dma_start3A_394] : memref<10000x64xf32, #tpu.memory_space<vmem_shared>> -> memref<10000x64xf32, #tpu.memory_space<vmem_shared>>
      tpu.enqueue_indirect_dma source(%dma_start3A_390 : memref<16x64xf32, #tpu.memory_space<vmem>>) target(%dma_start3A_395 : memref<10000x64xf32, #tpu.memory_space<vmem_shared>>) offsets(%dma_start3A_392 : memref<16xi32, #tpu.memory_space<vmem>>) semaphore(%run_scoped3A_386 : memref<!tpu.dma_semaphore, #tpu.memory_space<semaphore_mem>>) {add = true}
      %dma_wait3A_396 = arith.constant 0 : i32
      %dma_wait3A_397 = arith.constant 0 : i32
      %dma_wait3A_398 = tpu.memref_slice %arg9[%run_scoped3A_374, %dma_wait3A_396, %dma_wait3A_397] : memref<2x128x64xf32, #tpu.memory_space<vmem>> -> memref<1x16x64xf32, #tpu.memory_space<vmem>>
      %dma_wait3A_399 = tpu.memref_squeeze %dma_wait3A_398 : memref<1x16x64xf32, #tpu.memory_space<vmem>> -> memref<16x64xf32, #tpu.memory_space<vmem>>
      %dma_wait3A_400 = arith.constant 9984 : i32
      %dma_wait3A_401 = tpu.memref_slice %arg8[%dma_wait3A_400] : memref<10000xi32, #tpu.memory_space<vmem>> -> memref<16xi32, #tpu.memory_space<vmem>>
      %dma_wait3A_402 = arith.constant 0 : i32
      %dma_wait3A_403 = arith.constant 0 : i32
      %dma_wait3A_404 = tpu.memref_slice %arg13[%dma_wait3A_402, %dma_wait3A_403] : memref<10000x64xf32, #tpu.memory_space<vmem_shared>> -> memref<10000x64xf32, #tpu.memory_space<vmem_shared>>
      tpu.wait_indirect_dma semaphore(%run_scoped3A_386 : memref<!tpu.dma_semaphore, #tpu.memory_space<semaphore_mem>>) src(%dma_wait3A_399 : memref<16x64xf32, #tpu.memory_space<vmem>>) dst(%dma_wait3A_404 : memref<10000x64xf32, #tpu.memory_space<vmem_shared>>)
      tpu.yield
    }) : () -> ()
    "tpu.region"() ({
      %run_scoped3A_386 = tpu.sem_alloc : memref<!tpu.dma_semaphore, #tpu.memory_space<semaphore_mem>>
      %dma_start3A_387 = arith.constant 0 : i32
      %dma_start3A_388 = tpu.memref_slice %arg11[%dma_start3A_387] : memref<128xf32, #tpu.memory_space<vmem>> -> memref<16xf32, #tpu.memory_space<vmem>>
      %dma_start3A_389 = arith.constant 9984 : i32
      %dma_start3A_390 = tpu.memref_slice %arg8[%dma_start3A_389] : memref<10000xi32, #tpu.memory_space<vmem>> -> memref<16xi32, #tpu.memory_space<vmem>>
      %dma_start3A_391 = arith.constant 0 : i32
      %dma_start3A_392 = tpu.memref_slice %arg14[%dma_start3A_391] : memref<10000xf32, #tpu.memory_space<vmem_shared>> -> memref<10000xf32, #tpu.memory_space<vmem_shared>>
      tpu.enqueue_indirect_dma source(%dma_start3A_388 : memref<16xf32, #tpu.memory_space<vmem>>) target(%dma_start3A_392 : memref<10000xf32, #tpu.memory_space<vmem_shared>>) offsets(%dma_start3A_390 : memref<16xi32, #tpu.memory_space<vmem>>) semaphore(%run_scoped3A_386 : memref<!tpu.dma_semaphore, #tpu.memory_space<semaphore_mem>>) {add = true}
      %dma_wait3A_393 = arith.constant 0 : i32
      %dma_wait3A_394 = tpu.memref_slice %arg11[%dma_wait3A_393] : memref<128xf32, #tpu.memory_space<vmem>> -> memref<16xf32, #tpu.memory_space<vmem>>
      %dma_wait3A_395 = arith.constant 9984 : i32
      %dma_wait3A_396 = tpu.memref_slice %arg8[%dma_wait3A_395] : memref<10000xi32, #tpu.memory_space<vmem>> -> memref<16xi32, #tpu.memory_space<vmem>>
      %dma_wait3A_397 = arith.constant 0 : i32
      %dma_wait3A_398 = tpu.memref_slice %arg14[%dma_wait3A_397] : memref<10000xf32, #tpu.memory_space<vmem_shared>> -> memref<10000xf32, #tpu.memory_space<vmem_shared>>
      tpu.wait_indirect_dma semaphore(%run_scoped3A_386 : memref<!tpu.dma_semaphore, #tpu.memory_space<semaphore_mem>>) src(%dma_wait3A_394 : memref<16xf32, #tpu.memory_space<vmem>>) dst(%dma_wait3A_398 : memref<10000xf32, #tpu.memory_space<vmem_shared>>)
      tpu.yield
    }) : () -> ()
    %barrier3A_375 = arith.constant 0 : index
    tpu.barrier barrier_id(%barrier3A_375)
    %lt3A_376 = arith.constant 15 : i32
    %lt3A_377 = arith.cmpi slt, %arg1, %lt3A_376 : i32
    %convert_element_type3A_378 = arith.extui %lt3A_377 : i1 to i32
    %cond3A_379 = arith.constant 0 : i32
    %cond3A_380 = arith.cmpi ne, %convert_element_type3A_378, %cond3A_379 : i32
    scf.if %cond3A_380 {
      %mul3A_386 = arith.constant 624 : i32
      %mul3A_387 = arith.muli %arg1, %mul3A_386 : i32
      "tpu.region"() ({
        %run_scoped3A_394 = tpu.sem_alloc : memref<!tpu.dma_semaphore, #tpu.memory_space<semaphore_mem>>
        %dma_start3A_395 = arith.constant 0 : i32
        %dma_start3A_396 = arith.constant 0 : i32
        %dma_start3A_397 = tpu.memref_slice %arg10[%dma_start3A_395, %dma_start3A_396] : memref<640x64xf32, #tpu.memory_space<vmem>> -> memref<624x64xf32, #tpu.memory_space<vmem>>
        %dma_start3A_398 = arith.constant 0 : i32
        %dma_start3A_399 = tpu.memref_slice %arg13[%mul3A_387, %dma_start3A_398] : memref<10000x64xf32, #tpu.memory_space<vmem_shared>> -> memref<624x64xf32, #tpu.memory_space<vmem_shared>>
        %dma_start3A_400 = arith.constant 0 : i32
        %dma_start3A_401 = arith.constant 0 : i32
        %dma_start3A_402 = tpu.memref_slice %arg10[%dma_start3A_400, %dma_start3A_401] : memref<640x64xf32, #tpu.memory_space<vmem>> -> memref<624x64xf32, #tpu.memory_space<vmem>>
        %dma_start3A_403 = arith.constant 0 : i32
        %dma_start3A_404 = tpu.memref_slice %arg13[%mul3A_387, %dma_start3A_403] : memref<10000x64xf32, #tpu.memory_space<vmem_shared>> -> memref<624x64xf32, #tpu.memory_space<vmem_shared>>
        tpu.enqueue_dma source(%dma_start3A_404 : memref<624x64xf32, #tpu.memory_space<vmem_shared>>) target(%dma_start3A_402 : memref<624x64xf32, #tpu.memory_space<vmem>>) target_semaphore(%run_scoped3A_394 : memref<!tpu.dma_semaphore, #tpu.memory_space<semaphore_mem>>)
        %dma_wait3A_405 = arith.constant 0 : i32
        %dma_wait3A_406 = arith.constant 0 : i32
        %dma_wait3A_407 = tpu.memref_slice %arg10[%dma_wait3A_405, %dma_wait3A_406] : memref<640x64xf32, #tpu.memory_space<vmem>> -> memref<624x64xf32, #tpu.memory_space<vmem>>
        %dma_wait3A_408 = arith.constant 0 : i32
        %dma_wait3A_409 = tpu.memref_slice %arg13[%mul3A_387, %dma_wait3A_408] : memref<10000x64xf32, #tpu.memory_space<vmem_shared>> -> memref<624x64xf32, #tpu.memory_space<vmem_shared>>
        %dma_wait3A_410 = arith.constant 0 : i32
        %dma_wait3A_411 = arith.constant 0 : i32
        %dma_wait3A_412 = tpu.memref_slice %arg10[%dma_wait3A_410, %dma_wait3A_411] : memref<640x64xf32, #tpu.memory_space<vmem>> -> memref<624x64xf32, #tpu.memory_space<vmem>>
        %dma_wait3A_413 = arith.constant 0 : i32
        %dma_wait3A_414 = tpu.memref_slice %arg13[%mul3A_387, %dma_wait3A_413] : memref<10000x64xf32, #tpu.memory_space<vmem_shared>> -> memref<624x64xf32, #tpu.memory_space<vmem_shared>>
        tpu.wait_dma2 semaphore(%run_scoped3A_394 : memref<!tpu.dma_semaphore, #tpu.memory_space<semaphore_mem>>) src(%dma_wait3A_414 : memref<624x64xf32, #tpu.memory_space<vmem_shared>>) dst(%dma_wait3A_412 : memref<624x64xf32, #tpu.memory_space<vmem>>)
        tpu.yield
      }) : () -> ()
      %mul3A_388 = arith.constant 624 : i32
      %mul3A_389 = arith.muli %arg1, %mul3A_388 : i32
      "tpu.region"() ({
        %run_scoped3A_394 = tpu.sem_alloc : memref<!tpu.dma_semaphore, #tpu.memory_space<semaphore_mem>>
        %dma_start3A_395 = arith.constant 0 : i32
        %dma_start3A_396 = arith.constant 0 : i32
        %dma_start3A_397 = tpu.memref_slice %arg10[%dma_start3A_395, %dma_start3A_396] : memref<640x64xf32, #tpu.memory_space<vmem>> -> memref<624x64xf32, #tpu.memory_space<vmem>>
        %dma_start3A_398 = arith.constant 0 : i32
        %dma_start3A_399 = tpu.memref_slice %arg5[%arg0, %mul3A_389, %dma_start3A_398] : memref<2x10000x64xf32, #tpu.memory_space<hbm>> -> memref<1x624x64xf32, #tpu.memory_space<hbm>>
        %dma_start3A_400 = tpu.memref_squeeze %dma_start3A_399 : memref<1x624x64xf32, #tpu.memory_space<hbm>> -> memref<624x64xf32, #tpu.memory_space<hbm>>
        %dma_start3A_401 = arith.constant 0 : i32
        %dma_start3A_402 = tpu.memref_slice %arg5[%arg0, %mul3A_389, %dma_start3A_401] : memref<2x10000x64xf32, #tpu.memory_space<hbm>> -> memref<1x624x64xf32, #tpu.memory_space<hbm>>
        %dma_start3A_403 = tpu.memref_squeeze %dma_start3A_402 : memref<1x624x64xf32, #tpu.memory_space<hbm>> -> memref<624x64xf32, #tpu.memory_space<hbm>>
        %dma_start3A_404 = arith.constant 0 : i32
        %dma_start3A_405 = arith.constant 0 : i32
        %dma_start3A_406 = tpu.memref_slice %arg10[%dma_start3A_404, %dma_start3A_405] : memref<640x64xf32, #tpu.memory_space<vmem>> -> memref<624x64xf32, #tpu.memory_space<vmem>>
        tpu.enqueue_dma source(%dma_start3A_406 : memref<624x64xf32, #tpu.memory_space<vmem>>) target(%dma_start3A_403 : memref<624x64xf32, #tpu.memory_space<hbm>>) target_semaphore(%run_scoped3A_394 : memref<!tpu.dma_semaphore, #tpu.memory_space<semaphore_mem>>)
        %dma_wait3A_407 = arith.constant 0 : i32
        %dma_wait3A_408 = arith.constant 0 : i32
        %dma_wait3A_409 = tpu.memref_slice %arg10[%dma_wait3A_407, %dma_wait3A_408] : memref<640x64xf32, #tpu.memory_space<vmem>> -> memref<624x64xf32, #tpu.memory_space<vmem>>
        %dma_wait3A_410 = arith.constant 0 : i32
        %dma_wait3A_411 = tpu.memref_slice %arg5[%arg0, %mul3A_389, %dma_wait3A_410] : memref<2x10000x64xf32, #tpu.memory_space<hbm>> -> memref<1x624x64xf32, #tpu.memory_space<hbm>>
        %dma_wait3A_412 = tpu.memref_squeeze %dma_wait3A_411 : memref<1x624x64xf32, #tpu.memory_space<hbm>> -> memref<624x64xf32, #tpu.memory_space<hbm>>
        %dma_wait3A_413 = arith.constant 0 : i32
        %dma_wait3A_414 = tpu.memref_slice %arg5[%arg0, %mul3A_389, %dma_wait3A_413] : memref<2x10000x64xf32, #tpu.memory_space<hbm>> -> memref<1x624x64xf32, #tpu.memory_space<hbm>>
        %dma_wait3A_415 = tpu.memref_squeeze %dma_wait3A_414 : memref<1x624x64xf32, #tpu.memory_space<hbm>> -> memref<624x64xf32, #tpu.memory_space<hbm>>
        %dma_wait3A_416 = arith.constant 0 : i32
        %dma_wait3A_417 = arith.constant 0 : i32
        %dma_wait3A_418 = tpu.memref_slice %arg10[%dma_wait3A_416, %dma_wait3A_417] : memref<640x64xf32, #tpu.memory_space<vmem>> -> memref<624x64xf32, #tpu.memory_space<vmem>>
        tpu.wait_dma2 semaphore(%run_scoped3A_394 : memref<!tpu.dma_semaphore, #tpu.memory_space<semaphore_mem>>) src(%dma_wait3A_418 : memref<624x64xf32, #tpu.memory_space<vmem>>) dst(%dma_wait3A_415 : memref<624x64xf32, #tpu.memory_space<hbm>>)
        tpu.yield
      }) : () -> ()
      %mul3A_390 = arith.constant 624 : i32
      %mul3A_391 = arith.muli %arg1, %mul3A_390 : i32
      "tpu.region"() ({
        %run_scoped3A_394 = tpu.sem_alloc : memref<!tpu.dma_semaphore, #tpu.memory_space<semaphore_mem>>
        %dma_start3A_395 = arith.constant 0 : i32
        %dma_start3A_396 = tpu.memref_slice %arg12[%dma_start3A_395] : memref<640xf32, #tpu.memory_space<vmem>> -> memref<624xf32, #tpu.memory_space<vmem>>
        %dma_start3A_397 = tpu.memref_slice %arg14[%mul3A_391] : memref<10000xf32, #tpu.memory_space<vmem_shared>> -> memref<624xf32, #tpu.memory_space<vmem_shared>>
        %dma_start3A_398 = arith.constant 0 : i32
        %dma_start3A_399 = tpu.memref_slice %arg12[%dma_start3A_398] : memref<640xf32, #tpu.memory_space<vmem>> -> memref<624xf32, #tpu.memory_space<vmem>>
        %dma_start3A_400 = tpu.memref_slice %arg14[%mul3A_391] : memref<10000xf32, #tpu.memory_space<vmem_shared>> -> memref<624xf32, #tpu.memory_space<vmem_shared>>
        tpu.enqueue_dma source(%dma_start3A_400 : memref<624xf32, #tpu.memory_space<vmem_shared>>) target(%dma_start3A_399 : memref<624xf32, #tpu.memory_space<vmem>>) target_semaphore(%run_scoped3A_394 : memref<!tpu.dma_semaphore, #tpu.memory_space<semaphore_mem>>)
        %dma_wait3A_401 = arith.constant 0 : i32
        %dma_wait3A_402 = tpu.memref_slice %arg12[%dma_wait3A_401] : memref<640xf32, #tpu.memory_space<vmem>> -> memref<624xf32, #tpu.memory_space<vmem>>
        %dma_wait3A_403 = tpu.memref_slice %arg14[%mul3A_391] : memref<10000xf32, #tpu.memory_space<vmem_shared>> -> memref<624xf32, #tpu.memory_space<vmem_shared>>
        %dma_wait3A_404 = arith.constant 0 : i32
        %dma_wait3A_405 = tpu.memref_slice %arg12[%dma_wait3A_404] : memref<640xf32, #tpu.memory_space<vmem>> -> memref<624xf32, #tpu.memory_space<vmem>>
        %dma_wait3A_406 = tpu.memref_slice %arg14[%mul3A_391] : memref<10000xf32, #tpu.memory_space<vmem_shared>> -> memref<624xf32, #tpu.memory_space<vmem_shared>>
        tpu.wait_dma2 semaphore(%run_scoped3A_394 : memref<!tpu.dma_semaphore, #tpu.memory_space<semaphore_mem>>) src(%dma_wait3A_406 : memref<624xf32, #tpu.memory_space<vmem_shared>>) dst(%dma_wait3A_405 : memref<624xf32, #tpu.memory_space<vmem>>)
        tpu.yield
      }) : () -> ()
      %mul3A_392 = arith.constant 624 : i32
      %mul3A_393 = arith.muli %arg1, %mul3A_392 : i32
      "tpu.region"() ({
        %run_scoped3A_394 = tpu.sem_alloc : memref<!tpu.dma_semaphore, #tpu.memory_space<semaphore_mem>>
        %dma_start3A_395 = arith.constant 0 : i32
        %dma_start3A_396 = tpu.memref_slice %arg12[%dma_start3A_395] : memref<640xf32, #tpu.memory_space<vmem>> -> memref<624xf32, #tpu.memory_space<vmem>>
        %dma_start3A_397 = tpu.memref_slice %arg6[%arg0, %mul3A_393] : memref<2x10000xf32, #tpu.memory_space<hbm>> -> memref<1x624xf32, #tpu.memory_space<hbm>>
        %dma_start3A_398 = tpu.memref_squeeze %dma_start3A_397 : memref<1x624xf32, #tpu.memory_space<hbm>> -> memref<624xf32, #tpu.memory_space<hbm>>
        %dma_start3A_399 = tpu.memref_slice %arg6[%arg0, %mul3A_393] : memref<2x10000xf32, #tpu.memory_space<hbm>> -> memref<1x624xf32, #tpu.memory_space<hbm>>
        %dma_start3A_400 = tpu.memref_squeeze %dma_start3A_399 : memref<1x624xf32, #tpu.memory_space<hbm>> -> memref<624xf32, #tpu.memory_space<hbm>>
        %dma_start3A_401 = arith.constant 0 : i32
        %dma_start3A_402 = tpu.memref_slice %arg12[%dma_start3A_401] : memref<640xf32, #tpu.memory_space<vmem>> -> memref<624xf32, #tpu.memory_space<vmem>>
        tpu.enqueue_dma source(%dma_start3A_402 : memref<624xf32, #tpu.memory_space<vmem>>) target(%dma_start3A_400 : memref<624xf32, #tpu.memory_space<hbm>>) target_semaphore(%run_scoped3A_394 : memref<!tpu.dma_semaphore, #tpu.memory_space<semaphore_mem>>)
        %dma_wait3A_403 = arith.constant 0 : i32
        %dma_wait3A_404 = tpu.memref_slice %arg12[%dma_wait3A_403] : memref<640xf32, #tpu.memory_space<vmem>> -> memref<624xf32, #tpu.memory_space<vmem>>
        %dma_wait3A_405 = tpu.memref_slice %arg6[%arg0, %mul3A_393] : memref<2x10000xf32, #tpu.memory_space<hbm>> -> memref<1x624xf32, #tpu.memory_space<hbm>>
        %dma_wait3A_406 = tpu.memref_squeeze %dma_wait3A_405 : memref<1x624xf32, #tpu.memory_space<hbm>> -> memref<624xf32, #tpu.memory_space<hbm>>
        %dma_wait3A_407 = tpu.memref_slice %arg6[%arg0, %mul3A_393] : memref<2x10000xf32, #tpu.memory_space<hbm>> -> memref<1x624xf32, #tpu.memory_space<hbm>>
        %dma_wait3A_408 = tpu.memref_squeeze %dma_wait3A_407 : memref<1x624xf32, #tpu.memory_space<hbm>> -> memref<624xf32, #tpu.memory_space<hbm>>
        %dma_wait3A_409 = arith.constant 0 : i32
        %dma_wait3A_410 = tpu.memref_slice %arg12[%dma_wait3A_409] : memref<640xf32, #tpu.memory_space<vmem>> -> memref<624xf32, #tpu.memory_space<vmem>>
        tpu.wait_dma2 semaphore(%run_scoped3A_394 : memref<!tpu.dma_semaphore, #tpu.memory_space<semaphore_mem>>) src(%dma_wait3A_410 : memref<624xf32, #tpu.memory_space<vmem>>) dst(%dma_wait3A_408 : memref<624xf32, #tpu.memory_space<hbm>>)
        tpu.yield
      }) : () -> ()
    } else {
    }
    %eq3A_381 = arith.constant 15 : i32
    %eq3A_382 = arith.cmpi eq, %arg1, %eq3A_381 : i32
    %convert_element_type3A_383 = arith.extui %eq3A_382 : i1 to i32
    %cond3A_384 = arith.constant 0 : i32
    %cond3A_385 = arith.cmpi ne, %convert_element_type3A_383, %cond3A_384 : i32
    scf.if %cond3A_385 {
      "tpu.region"() ({
        %run_scoped3A_386 = tpu.sem_alloc : memref<!tpu.dma_semaphore, #tpu.memory_space<semaphore_mem>>
        %dma_start3A_387 = arith.constant 9360 : i32
        %dma_start3A_388 = arith.constant 0 : i32
        %dma_start3A_389 = tpu.memref_slice %arg13[%dma_start3A_387, %dma_start3A_388] : memref<10000x64xf32, #tpu.memory_space<vmem_shared>> -> memref<640x64xf32, #tpu.memory_space<vmem_shared>>
        %dma_start3A_390 = arith.constant 9360 : i32
        %dma_start3A_391 = arith.constant 0 : i32
        %dma_start3A_392 = tpu.memref_slice %arg13[%dma_start3A_390, %dma_start3A_391] : memref<10000x64xf32, #tpu.memory_space<vmem_shared>> -> memref<640x64xf32, #tpu.memory_space<vmem_shared>>
        tpu.enqueue_dma source(%dma_start3A_392 : memref<640x64xf32, #tpu.memory_space<vmem_shared>>) target(%arg10 : memref<640x64xf32, #tpu.memory_space<vmem>>) target_semaphore(%run_scoped3A_386 : memref<!tpu.dma_semaphore, #tpu.memory_space<semaphore_mem>>)
        %dma_wait3A_393 = arith.constant 9360 : i32
        %dma_wait3A_394 = arith.constant 0 : i32
        %dma_wait3A_395 = tpu.memref_slice %arg13[%dma_wait3A_393, %dma_wait3A_394] : memref<10000x64xf32, #tpu.memory_space<vmem_shared>> -> memref<640x64xf32, #tpu.memory_space<vmem_shared>>
        %dma_wait3A_396 = arith.constant 9360 : i32
        %dma_wait3A_397 = arith.constant 0 : i32
        %dma_wait3A_398 = tpu.memref_slice %arg13[%dma_wait3A_396, %dma_wait3A_397] : memref<10000x64xf32, #tpu.memory_space<vmem_shared>> -> memref<640x64xf32, #tpu.memory_space<vmem_shared>>
        tpu.wait_dma2 semaphore(%run_scoped3A_386 : memref<!tpu.dma_semaphore, #tpu.memory_space<semaphore_mem>>) src(%dma_wait3A_398 : memref<640x64xf32, #tpu.memory_space<vmem_shared>>) dst(%arg10 : memref<640x64xf32, #tpu.memory_space<vmem>>)
        tpu.yield
      }) : () -> ()
      "tpu.region"() ({
        %run_scoped3A_386 = tpu.sem_alloc : memref<!tpu.dma_semaphore, #tpu.memory_space<semaphore_mem>>
        %dma_start3A_387 = arith.constant 9360 : i32
        %dma_start3A_388 = arith.constant 0 : i32
        %dma_start3A_389 = tpu.memref_slice %arg5[%arg0, %dma_start3A_387, %dma_start3A_388] : memref<2x10000x64xf32, #tpu.memory_space<hbm>> -> memref<1x640x64xf32, #tpu.memory_space<hbm>>
        %dma_start3A_390 = tpu.memref_squeeze %dma_start3A_389 : memref<1x640x64xf32, #tpu.memory_space<hbm>> -> memref<640x64xf32, #tpu.memory_space<hbm>>
        %dma_start3A_391 = arith.constant 9360 : i32
        %dma_start3A_392 = arith.constant 0 : i32
        %dma_start3A_393 = tpu.memref_slice %arg5[%arg0, %dma_start3A_391, %dma_start3A_392] : memref<2x10000x64xf32, #tpu.memory_space<hbm>> -> memref<1x640x64xf32, #tpu.memory_space<hbm>>
        %dma_start3A_394 = tpu.memref_squeeze %dma_start3A_393 : memref<1x640x64xf32, #tpu.memory_space<hbm>> -> memref<640x64xf32, #tpu.memory_space<hbm>>
        tpu.enqueue_dma source(%arg10 : memref<640x64xf32, #tpu.memory_space<vmem>>) target(%dma_start3A_394 : memref<640x64xf32, #tpu.memory_space<hbm>>) target_semaphore(%run_scoped3A_386 : memref<!tpu.dma_semaphore, #tpu.memory_space<semaphore_mem>>)
        %dma_wait3A_395 = arith.constant 9360 : i32
        %dma_wait3A_396 = arith.constant 0 : i32
        %dma_wait3A_397 = tpu.memref_slice %arg5[%arg0, %dma_wait3A_395, %dma_wait3A_396] : memref<2x10000x64xf32, #tpu.memory_space<hbm>> -> memref<1x640x64xf32, #tpu.memory_space<hbm>>
        %dma_wait3A_398 = tpu.memref_squeeze %dma_wait3A_397 : memref<1x640x64xf32, #tpu.memory_space<hbm>> -> memref<640x64xf32, #tpu.memory_space<hbm>>
        %dma_wait3A_399 = arith.constant 9360 : i32
        %dma_wait3A_400 = arith.constant 0 : i32
        %dma_wait3A_401 = tpu.memref_slice %arg5[%arg0, %dma_wait3A_399, %dma_wait3A_400] : memref<2x10000x64xf32, #tpu.memory_space<hbm>> -> memref<1x640x64xf32, #tpu.memory_space<hbm>>
        %dma_wait3A_402 = tpu.memref_squeeze %dma_wait3A_401 : memref<1x640x64xf32, #tpu.memory_space<hbm>> -> memref<640x64xf32, #tpu.memory_space<hbm>>
        tpu.wait_dma2 semaphore(%run_scoped3A_386 : memref<!tpu.dma_semaphore, #tpu.memory_space<semaphore_mem>>) src(%arg10 : memref<640x64xf32, #tpu.memory_space<vmem>>) dst(%dma_wait3A_402 : memref<640x64xf32, #tpu.memory_space<hbm>>)
        tpu.yield
      }) : () -> ()
      "tpu.region"() ({
        %run_scoped3A_386 = tpu.sem_alloc : memref<!tpu.dma_semaphore, #tpu.memory_space<semaphore_mem>>
        %dma_start3A_387 = arith.constant 9360 : i32
        %dma_start3A_388 = tpu.memref_slice %arg14[%dma_start3A_387] : memref<10000xf32, #tpu.memory_space<vmem_shared>> -> memref<640xf32, #tpu.memory_space<vmem_shared>>
        %dma_start3A_389 = arith.constant 9360 : i32
        %dma_start3A_390 = tpu.memref_slice %arg14[%dma_start3A_389] : memref<10000xf32, #tpu.memory_space<vmem_shared>> -> memref<640xf32, #tpu.memory_space<vmem_shared>>
        tpu.enqueue_dma source(%dma_start3A_390 : memref<640xf32, #tpu.memory_space<vmem_shared>>) target(%arg12 : memref<640xf32, #tpu.memory_space<vmem>>) target_semaphore(%run_scoped3A_386 : memref<!tpu.dma_semaphore, #tpu.memory_space<semaphore_mem>>)
        %dma_wait3A_391 = arith.constant 9360 : i32
        %dma_wait3A_392 = tpu.memref_slice %arg14[%dma_wait3A_391] : memref<10000xf32, #tpu.memory_space<vmem_shared>> -> memref<640xf32, #tpu.memory_space<vmem_shared>>
        %dma_wait3A_393 = arith.constant 9360 : i32
        %dma_wait3A_394 = tpu.memref_slice %arg14[%dma_wait3A_393] : memref<10000xf32, #tpu.memory_space<vmem_shared>> -> memref<640xf32, #tpu.memory_space<vmem_shared>>
        tpu.wait_dma2 semaphore(%run_scoped3A_386 : memref<!tpu.dma_semaphore, #tpu.memory_space<semaphore_mem>>) src(%dma_wait3A_394 : memref<640xf32, #tpu.memory_space<vmem_shared>>) dst(%arg12 : memref<640xf32, #tpu.memory_space<vmem>>)
        tpu.yield
      }) : () -> ()
      "tpu.region"() ({
        %run_scoped3A_386 = tpu.sem_alloc : memref<!tpu.dma_semaphore, #tpu.memory_space<semaphore_mem>>
        %dma_start3A_387 = arith.constant 9360 : i32
        %dma_start3A_388 = tpu.memref_slice %arg6[%arg0, %dma_start3A_387] : memref<2x10000xf32, #tpu.memory_space<hbm>> -> memref<1x640xf32, #tpu.memory_space<hbm>>
        %dma_start3A_389 = tpu.memref_squeeze %dma_start3A_388 : memref<1x640xf32, #tpu.memory_space<hbm>> -> memref<640xf32, #tpu.memory_space<hbm>>
        %dma_start3A_390 = arith.constant 9360 : i32
        %dma_start3A_391 = tpu.memref_slice %arg6[%arg0, %dma_start3A_390] : memref<2x10000xf32, #tpu.memory_space<hbm>> -> memref<1x640xf32, #tpu.memory_space<hbm>>
        %dma_start3A_392 = tpu.memref_squeeze %dma_start3A_391 : memref<1x640xf32, #tpu.memory_space<hbm>> -> memref<640xf32, #tpu.memory_space<hbm>>
        tpu.enqueue_dma source(%arg12 : memref<640xf32, #tpu.memory_space<vmem>>) target(%dma_start3A_392 : memref<640xf32, #tpu.memory_space<hbm>>) target_semaphore(%run_scoped3A_386 : memref<!tpu.dma_semaphore, #tpu.memory_space<semaphore_mem>>)
        %dma_wait3A_393 = arith.constant 9360 : i32
        %dma_wait3A_394 = tpu.memref_slice %arg6[%arg0, %dma_wait3A_393] : memref<2x10000xf32, #tpu.memory_space<hbm>> -> memref<1x640xf32, #tpu.memory_space<hbm>>
        %dma_wait3A_395 = tpu.memref_squeeze %dma_wait3A_394 : memref<1x640xf32, #tpu.memory_space<hbm>> -> memref<640xf32, #tpu.memory_space<hbm>>
        %dma_wait3A_396 = arith.constant 9360 : i32
        %dma_wait3A_397 = tpu.memref_slice %arg6[%arg0, %dma_wait3A_396] : memref<2x10000xf32, #tpu.memory_space<hbm>> -> memref<1x640xf32, #tpu.memory_space<hbm>>
        %dma_wait3A_398 = tpu.memref_squeeze %dma_wait3A_397 : memref<1x640xf32, #tpu.memory_space<hbm>> -> memref<640xf32, #tpu.memory_space<hbm>>
        tpu.wait_dma2 semaphore(%run_scoped3A_386 : memref<!tpu.dma_semaphore, #tpu.memory_space<semaphore_mem>>) src(%arg12 : memref<640xf32, #tpu.memory_space<vmem>>) dst(%dma_wait3A_398 : memref<640xf32, #tpu.memory_space<hbm>>)
        tpu.yield
      }) : () -> ()
    } else {
    }
    return
  }
}

module attributes {stable_mosaic.version = 14 : i64} {
  func.func @_mid_body(%arg0: i32, %arg1: memref<2x1000x64xf32, #tpu.memory_space<vmem>>, %arg2: memref<2x1000x1xf32, #tpu.memory_space<vmem>>, %arg3: memref<1000x64xf32, #tpu.memory_space<vmem>>, %arg4: memref<1000x64xf32, #tpu.memory_space<vmem>>, %arg5: memref<64x64xf32, #tpu.memory_space<vmem>>, %arg6: memref<64xf32, #tpu.memory_space<vmem>>, %arg7: memref<64xf32, #tpu.memory_space<vmem>>, %arg8: memref<64x64xf32, #tpu.memory_space<vmem>>, %arg9: memref<64xf32, #tpu.memory_space<vmem>>, %arg10: memref<1000x64xf32, #tpu.memory_space<vmem>>, %arg11: memref<1000x128xf32, #tpu.memory_space<vmem>>, %arg12: memref<1000x64xf32, #tpu.memory_space<vmem>>, %arg13: memref<1000x1xf32, #tpu.memory_space<vmem>>) attributes {dimension_semantics = [#tpu.dimension_semantics<arbitrary>], iteration_bounds = array<i64: 10>, scalar_prefetch = 0 : i64, scratch_operands = 0 : i64, tpu.core_type = #tpu.core_type<tc>, window_params = [{transform_indices = @transform_0, window_bounds = array<i64: 2, 1000, 64>}, {transform_indices = @transform_1, window_bounds = array<i64: 2, 1000, 1>}, {transform_indices = @transform_2, window_bounds = array<i64: 1000, 64>}, {transform_indices = @transform_3, window_bounds = array<i64: 1000, 64>}, {pipeline_mode = #tpu.pipeline_mode<synchronous>, transform_indices = @transform_4, window_bounds = array<i64: 64, 64>}, {pipeline_mode = #tpu.pipeline_mode<synchronous>, transform_indices = @transform_5, window_bounds = array<i64: 64>}, {pipeline_mode = #tpu.pipeline_mode<synchronous>, transform_indices = @transform_6, window_bounds = array<i64: 64>}, {pipeline_mode = #tpu.pipeline_mode<synchronous>, transform_indices = @transform_7, window_bounds = array<i64: 64, 64>}, {pipeline_mode = #tpu.pipeline_mode<synchronous>, transform_indices = @transform_8, window_bounds = array<i64: 64>}, {transform_indices = @transform_9, window_bounds = array<i64: 1000, 64>}, {transform_indices = @transform_10, window_bounds = array<i64: 1000, 128>}, {transform_indices = @transform_11, window_bounds = array<i64: 1000, 64>}, {transform_indices = @transform_12, window_bounds = array<i64: 1000, 1>}]} {
    %get3A = arith.constant 0 : index
    %get3A_0 = arith.constant 0 : index
    %get3A_1 = arith.constant 0 : index
    %get3A_2 = vector.load %arg2[%get3A, %get3A_0, %get3A_1] : memref<2x1000x1xf32, #tpu.memory_space<vmem>>, vector<1x1000x1xf32>
    %get3A_3 = vector.shape_cast %get3A_2 : vector<1x1000x1xf32> to vector<1000x1xf32>
    %get3A_4 = arith.constant 1 : index
    %get3A_5 = arith.constant 0 : index
    %get3A_6 = arith.constant 0 : index
    %get3A_7 = vector.load %arg2[%get3A_4, %get3A_5, %get3A_6] : memref<2x1000x1xf32, #tpu.memory_space<vmem>>, vector<1x1000x1xf32>
    %get3A_8 = vector.shape_cast %get3A_7 : vector<1x1000x1xf32> to vector<1000x1xf32>
    %add3A = arith.addf %get3A_3, %get3A_8 : vector<1000x1xf32>
    %max3A = arith.constant 1.000000e+00 : f32
    %max3A_9 = vector.broadcast %max3A : f32 to vector<1000x1xf32>
    %max3A_10 = arith.maximumf %add3A, %max3A_9 : vector<1000x1xf32>
    %div3A = arith.constant 1.000000e+00 : f32
    %div3A_11 = vector.broadcast %div3A : f32 to vector<1000x1xf32>
    %div3A_12 = arith.divf %div3A_11, %max3A_10 : vector<1000x1xf32>
    %get3A_13 = arith.constant 0 : index
    %get3A_14 = arith.constant 0 : index
    %get3A_15 = arith.constant 0 : index
    %get3A_16 = vector.load %arg1[%get3A_13, %get3A_14, %get3A_15] : memref<2x1000x64xf32, #tpu.memory_space<vmem>>, vector<1x1000x64xf32>
    %get3A_17 = vector.shape_cast %get3A_16 : vector<1x1000x64xf32> to vector<1000x64xf32>
    %get3A_18 = arith.constant 1 : index
    %get3A_19 = arith.constant 0 : index
    %get3A_20 = arith.constant 0 : index
    %get3A_21 = vector.load %arg1[%get3A_18, %get3A_19, %get3A_20] : memref<2x1000x64xf32, #tpu.memory_space<vmem>>, vector<1x1000x64xf32>
    %get3A_22 = vector.shape_cast %get3A_21 : vector<1x1000x64xf32> to vector<1000x64xf32>
    %add3A_23 = arith.addf %get3A_17, %get3A_22 : vector<1000x64xf32>
    %mul3A = vector.broadcast %div3A_12 : vector<1000x1xf32> to vector<1000x64xf32>
    %mul3A_24 = arith.mulf %add3A_23, %mul3A : vector<1000x64xf32>
    %get3A_25 = arith.constant 0 : index
    %get3A_26 = arith.constant 0 : index
    %get3A_27 = vector.load %arg3[%get3A_25, %get3A_26] : memref<1000x64xf32, #tpu.memory_space<vmem>>, vector<1000x64xf32>
    %get3A_28 = arith.constant 0 : index
    %get3A_29 = arith.constant 0 : index
    %get3A_30 = vector.load %arg5[%get3A_28, %get3A_29] : memref<64x64xf32, #tpu.memory_space<vmem>>, vector<64x64xf32>
    %transpose3A = tpu.transpose %get3A_30, [1, 0] : vector<64x64xf32> -> vector<64x64xf32>
    %dot_general3A = arith.constant dense<0.000000e+00> : vector<1000x64xf32>
    %dot_general3A_31 = tpu.matmul %mul3A_24, %transpose3A, %dot_general3A {dimension_numbers = #tpu.dot_dimension_numbers<[1], [0], [0], [1], [0, 0, 1, 1], [], []>, transpose_lhs_hint = false} : vector<1000x64xf32>, vector<64x64xf32>, vector<1000x64xf32> -> vector<1000x64xf32>
    %add3A_32 = arith.addf %get3A_27, %dot_general3A_31 : vector<1000x64xf32>
    %get3A_33 = arith.constant 0 : index
    %get3A_34 = vector.load %arg6[%get3A_33] : memref<64xf32, #tpu.memory_space<vmem>>, vector<64xf32>
    %get3A_35 = arith.constant 0 : index
    %get3A_36 = vector.load %arg7[%get3A_35] : memref<64xf32, #tpu.memory_space<vmem>>, vector<64xf32>
    %reduce_sum3A = arith.constant dense<0.000000e+00> : vector<1000xf32>
    %reduce_sum3A_37 = vector.multi_reduction <add>, %add3A_32, %reduce_sum3A [1] : vector<1000x64xf32> to vector<1000xf32>
    %broadcast_in_dim3A = vector.shape_cast %reduce_sum3A_37 : vector<1000xf32> to vector<1000x1xf32>
    %div3A_38 = arith.constant 6.400000e+01 : f32
    %div3A_39 = vector.broadcast %div3A_38 : f32 to vector<1000x1xf32>
    %div3A_40 = arith.divf %broadcast_in_dim3A, %div3A_39 : vector<1000x1xf32>
    %sub3A = vector.broadcast %div3A_40 : vector<1000x1xf32> to vector<1000x64xf32>
    %sub3A_41 = arith.subf %add3A_32, %sub3A : vector<1000x64xf32>
    %integer_pow3A = arith.mulf %sub3A_41, %sub3A_41 : vector<1000x64xf32>
    %reduce_sum3A_42 = arith.constant dense<0.000000e+00> : vector<1000xf32>
    %reduce_sum3A_43 = vector.multi_reduction <add>, %integer_pow3A, %reduce_sum3A_42 [1] : vector<1000x64xf32> to vector<1000xf32>
    %broadcast_in_dim3A_44 = vector.shape_cast %reduce_sum3A_43 : vector<1000xf32> to vector<1000x1xf32>
    %div3A_45 = arith.constant 6.400000e+01 : f32
    %div3A_46 = vector.broadcast %div3A_45 : f32 to vector<1000x1xf32>
    %div3A_47 = arith.divf %broadcast_in_dim3A_44, %div3A_46 : vector<1000x1xf32>
    %sub3A_48 = vector.broadcast %div3A_40 : vector<1000x1xf32> to vector<1000x64xf32>
    %sub3A_49 = arith.subf %add3A_32, %sub3A_48 : vector<1000x64xf32>
    %add3A_50 = arith.constant 9.99999974E-6 : f32
    %add3A_51 = vector.broadcast %add3A_50 : f32 to vector<1000x1xf32>
    %add3A_52 = arith.addf %div3A_47, %add3A_51 : vector<1000x1xf32>
    %sqrt3A = math.sqrt %add3A_52 : vector<1000x1xf32>
    %div3A_53 = vector.broadcast %sqrt3A : vector<1000x1xf32> to vector<1000x64xf32>
    %div3A_54 = arith.divf %sub3A_49, %div3A_53 : vector<1000x64xf32>
    %broadcast_in_dim3A_55 = vector.shape_cast %get3A_34 : vector<64xf32> to vector<1x64xf32>
    %mul3A_56 = vector.broadcast %broadcast_in_dim3A_55 : vector<1x64xf32> to vector<1000x64xf32>
    %mul3A_57 = arith.mulf %div3A_54, %mul3A_56 : vector<1000x64xf32>
    %broadcast_in_dim3A_58 = vector.shape_cast %get3A_36 : vector<64xf32> to vector<1x64xf32>
    %add3A_59 = vector.broadcast %broadcast_in_dim3A_58 : vector<1x64xf32> to vector<1000x64xf32>
    %add3A_60 = arith.addf %mul3A_57, %add3A_59 : vector<1000x64xf32>
    %max3A_61 = arith.constant 0.000000e+00 : f32
    %max3A_62 = vector.broadcast %max3A_61 : f32 to vector<1000x64xf32>
    %max3A_63 = arith.maximumf %add3A_60, %max3A_62 : vector<1000x64xf32>
    %swap3A = arith.constant 0 : index
    %swap3A_64 = arith.constant 0 : index
    %swap3A_65 = vector.load %arg10[%swap3A, %swap3A_64] : memref<1000x64xf32, #tpu.memory_space<vmem>>, vector<1000x64xf32>
    tpu.vector_store %arg10[%swap3A, %swap3A_64], %add3A_32 {strides = array<i32>} : memref<1000x64xf32, #tpu.memory_space<vmem>>, vector<1000x64xf32>,
    %broadcast_in_dim3A_66 = arith.constant 0.000000e+00 : f32
    %broadcast_in_dim3A_67 = vector.broadcast %broadcast_in_dim3A_66 : f32 to vector<1000x64xf32>
    %concatenate3A = tpu.concatenate %max3A_63, %broadcast_in_dim3A_67 in 1 : vector<1000x64xf32>, vector<1000x64xf32> -> vector<1000x128xf32>
    %swap3A_68 = arith.constant 0 : index
    %swap3A_69 = arith.constant 0 : index
    %swap3A_70 = vector.load %arg11[%swap3A_68, %swap3A_69] : memref<1000x128xf32, #tpu.memory_space<vmem>>, vector<1000x128xf32>
    tpu.vector_store %arg11[%swap3A_68, %swap3A_69], %concatenate3A {strides = array<i32>} : memref<1000x128xf32, #tpu.memory_space<vmem>>, vector<1000x128xf32>,
    %get3A_71 = arith.constant 0 : index
    %get3A_72 = arith.constant 0 : index
    %get3A_73 = vector.load %arg4[%get3A_71, %get3A_72] : memref<1000x64xf32, #tpu.memory_space<vmem>>, vector<1000x64xf32>
    %get3A_74 = arith.constant 0 : index
    %get3A_75 = arith.constant 0 : index
    %get3A_76 = vector.load %arg8[%get3A_74, %get3A_75] : memref<64x64xf32, #tpu.memory_space<vmem>>, vector<64x64xf32>
    %transpose3A_77 = tpu.transpose %get3A_76, [1, 0] : vector<64x64xf32> -> vector<64x64xf32>
    %dot_general3A_78 = arith.constant dense<0.000000e+00> : vector<1000x64xf32>
    %dot_general3A_79 = tpu.matmul %max3A_63, %transpose3A_77, %dot_general3A_78 {dimension_numbers = #tpu.dot_dimension_numbers<[1], [0], [0], [1], [0, 0, 1, 1], [], []>, transpose_lhs_hint = false} : vector<1000x64xf32>, vector<64x64xf32>, vector<1000x64xf32> -> vector<1000x64xf32>
    %add3A_80 = arith.addf %get3A_73, %dot_general3A_79 : vector<1000x64xf32>
    %get3A_81 = arith.constant 0 : index
    %get3A_82 = vector.load %arg9[%get3A_81] : memref<64xf32, #tpu.memory_space<vmem>>, vector<64xf32>
    %broadcast_in_dim3A_83 = vector.shape_cast %get3A_82 : vector<64xf32> to vector<1x64xf32>
    %add3A_84 = vector.broadcast %broadcast_in_dim3A_83 : vector<1x64xf32> to vector<1000x64xf32>
    %add3A_85 = arith.addf %add3A_80, %add3A_84 : vector<1000x64xf32>
    %swap3A_86 = arith.constant 0 : index
    %swap3A_87 = arith.constant 0 : index
    %swap3A_88 = vector.load %arg12[%swap3A_86, %swap3A_87] : memref<1000x64xf32, #tpu.memory_space<vmem>>, vector<1000x64xf32>
    tpu.vector_store %arg12[%swap3A_86, %swap3A_87], %add3A_85 {strides = array<i32>} : memref<1000x64xf32, #tpu.memory_space<vmem>>, vector<1000x64xf32>,
    %swap3A_89 = arith.constant 0 : index
    %swap3A_90 = arith.constant 0 : index
    %swap3A_91 = vector.load %arg13[%swap3A_89, %swap3A_90] : memref<1000x1xf32, #tpu.memory_space<vmem>>, vector<1000x1xf32>
    tpu.vector_store %arg13[%swap3A_89, %swap3A_90], %div3A_12 {strides = array<i32>} : memref<1000x1xf32, #tpu.memory_space<vmem>>, vector<1000x1xf32>,
    return
  }
  func.func @transform_0(%arg0: i32) -> (i32, i32, i32) {
    %c0_i32 = arith.constant 0 : i32
    %c0_i32_0 = arith.constant 0 : i32
    %c0_i32_1 = arith.constant 0 : i32
    return %c0_i32, %arg0, %c0_i32_0 : i32, i32, i32
  }
  func.func @transform_1(%arg0: i32) -> (i32, i32, i32) {
    %c0_i32 = arith.constant 0 : i32
    %c0_i32_0 = arith.constant 0 : i32
    %c0_i32_1 = arith.constant 0 : i32
    return %c0_i32, %arg0, %c0_i32_0 : i32, i32, i32
  }
  func.func @transform_2(%arg0: i32) -> (i32, i32) {
    %c0_i32 = arith.constant 0 : i32
    %c0_i32_0 = arith.constant 0 : i32
    return %arg0, %c0_i32 : i32, i32
  }
  func.func @transform_3(%arg0: i32) -> (i32, i32) {
    %c0_i32 = arith.constant 0 : i32
    %c0_i32_0 = arith.constant 0 : i32
    return %arg0, %c0_i32 : i32, i32
  }
  func.func @transform_4(%arg0: i32) -> (i32, i32) {
    %c0_i32 = arith.constant 0 : i32
    %c0_i32_0 = arith.constant 0 : i32
    %c0_i32_1 = arith.constant 0 : i32
    return %c0_i32, %c0_i32_0 : i32, i32
  }
  func.func @transform_5(%arg0: i32) -> i32 {
    %c0_i32 = arith.constant 0 : i32
    %c0_i32_0 = arith.constant 0 : i32
    return %c0_i32 : i32
  }
  func.func @transform_6(%arg0: i32) -> i32 {
    %c0_i32 = arith.constant 0 : i32
    %c0_i32_0 = arith.constant 0 : i32
    return %c0_i32 : i32
  }
  func.func @transform_7(%arg0: i32) -> (i32, i32) {
    %c0_i32 = arith.constant 0 : i32
    %c0_i32_0 = arith.constant 0 : i32
    %c0_i32_1 = arith.constant 0 : i32
    return %c0_i32, %c0_i32_0 : i32, i32
  }
  func.func @transform_8(%arg0: i32) -> i32 {
    %c0_i32 = arith.constant 0 : i32
    %c0_i32_0 = arith.constant 0 : i32
    return %c0_i32 : i32
  }
  func.func @transform_9(%arg0: i32) -> (i32, i32) {
    %c0_i32 = arith.constant 0 : i32
    %c0_i32_0 = arith.constant 0 : i32
    return %arg0, %c0_i32 : i32, i32
  }
  func.func @transform_10(%arg0: i32) -> (i32, i32) {
    %c0_i32 = arith.constant 0 : i32
    %c0_i32_0 = arith.constant 0 : i32
    return %arg0, %c0_i32 : i32, i32
  }
  func.func @transform_11(%arg0: i32) -> (i32, i32) {
    %c0_i32 = arith.constant 0 : i32
    %c0_i32_0 = arith.constant 0 : i32
    return %arg0, %c0_i32 : i32, i32
  }
  func.func @transform_12(%arg0: i32) -> (i32, i32) {
    %c0_i32 = arith.constant 0 : i32
    %c0_i32_0 = arith.constant 0 : i32
    return %arg0, %c0_i32 : i32, i32
  }
}

module attributes {stable_mosaic.version = 14 : i64} {
  func.func @_pre_body(%arg0: i32, %arg1: memref<1000x128xf32, #tpu.memory_space<vmem>>, %arg2: memref<128xf32, #tpu.memory_space<vmem>>, %arg3: memref<128xf32, #tpu.memory_space<vmem>>, %arg4: memref<64xf32, #tpu.memory_space<vmem>>, %arg5: memref<64xf32, #tpu.memory_space<vmem>>, %arg6: memref<64x64xf32, #tpu.memory_space<vmem>>, %arg7: memref<64xf32, #tpu.memory_space<vmem>>, %arg8: memref<1000x64xf32, #tpu.memory_space<vmem>>, %arg9: memref<1000x128xf32, #tpu.memory_space<vmem>>, %arg10: memref<1000x64xf32, #tpu.memory_space<vmem>>) attributes {dimension_semantics = [#tpu.dimension_semantics<arbitrary>], iteration_bounds = array<i64: 10>, scalar_prefetch = 0 : i64, scratch_operands = 0 : i64, tpu.core_type = #tpu.core_type<tc>, window_params = [{transform_indices = @transform_0, window_bounds = array<i64: 1000, 128>}, {pipeline_mode = #tpu.pipeline_mode<synchronous>, transform_indices = @transform_1, window_bounds = array<i64: 128>}, {pipeline_mode = #tpu.pipeline_mode<synchronous>, transform_indices = @transform_2, window_bounds = array<i64: 128>}, {pipeline_mode = #tpu.pipeline_mode<synchronous>, transform_indices = @transform_3, window_bounds = array<i64: 64>}, {pipeline_mode = #tpu.pipeline_mode<synchronous>, transform_indices = @transform_4, window_bounds = array<i64: 64>}, {pipeline_mode = #tpu.pipeline_mode<synchronous>, transform_indices = @transform_5, window_bounds = array<i64: 64, 64>}, {pipeline_mode = #tpu.pipeline_mode<synchronous>, transform_indices = @transform_6, window_bounds = array<i64: 64>}, {transform_indices = @transform_7, window_bounds = array<i64: 1000, 64>}, {transform_indices = @transform_8, window_bounds = array<i64: 1000, 128>}, {transform_indices = @transform_9, window_bounds = array<i64: 1000, 64>}]} {
    %get3A = arith.constant 0 : index
    %get3A_0 = arith.constant 0 : index
    %get3A_1 = vector.load %arg1[%get3A, %get3A_0] : memref<1000x128xf32, #tpu.memory_space<vmem>>, vector<1000x128xf32>
    %get3A_2 = arith.constant 0 : index
    %get3A_3 = vector.load %arg2[%get3A_2] : memref<128xf32, #tpu.memory_space<vmem>>, vector<128xf32>
    %get3A_4 = arith.constant 0 : index
    %get3A_5 = vector.load %arg3[%get3A_4] : memref<128xf32, #tpu.memory_space<vmem>>, vector<128xf32>
    %reduce_sum3A = arith.constant dense<0.000000e+00> : vector<1000xf32>
    %reduce_sum3A_6 = vector.multi_reduction <add>, %get3A_1, %reduce_sum3A [1] : vector<1000x128xf32> to vector<1000xf32>
    %broadcast_in_dim3A = vector.shape_cast %reduce_sum3A_6 : vector<1000xf32> to vector<1000x1xf32>
    %div3A = arith.constant 1.280000e+02 : f32
    %div3A_7 = vector.broadcast %div3A : f32 to vector<1000x1xf32>
    %div3A_8 = arith.divf %broadcast_in_dim3A, %div3A_7 : vector<1000x1xf32>
    %sub3A = vector.broadcast %div3A_8 : vector<1000x1xf32> to vector<1000x128xf32>
    %sub3A_9 = arith.subf %get3A_1, %sub3A : vector<1000x128xf32>
    %integer_pow3A = arith.mulf %sub3A_9, %sub3A_9 : vector<1000x128xf32>
    %reduce_sum3A_10 = arith.constant dense<0.000000e+00> : vector<1000xf32>
    %reduce_sum3A_11 = vector.multi_reduction <add>, %integer_pow3A, %reduce_sum3A_10 [1] : vector<1000x128xf32> to vector<1000xf32>
    %broadcast_in_dim3A_12 = vector.shape_cast %reduce_sum3A_11 : vector<1000xf32> to vector<1000x1xf32>
    %div3A_13 = arith.constant 1.280000e+02 : f32
    %div3A_14 = vector.broadcast %div3A_13 : f32 to vector<1000x1xf32>
    %div3A_15 = arith.divf %broadcast_in_dim3A_12, %div3A_14 : vector<1000x1xf32>
    %sub3A_16 = vector.broadcast %div3A_8 : vector<1000x1xf32> to vector<1000x128xf32>
    %sub3A_17 = arith.subf %get3A_1, %sub3A_16 : vector<1000x128xf32>
    %add3A = arith.constant 9.99999974E-6 : f32
    %add3A_18 = vector.broadcast %add3A : f32 to vector<1000x1xf32>
    %add3A_19 = arith.addf %div3A_15, %add3A_18 : vector<1000x1xf32>
    %sqrt3A = math.sqrt %add3A_19 : vector<1000x1xf32>
    %div3A_20 = vector.broadcast %sqrt3A : vector<1000x1xf32> to vector<1000x128xf32>
    %div3A_21 = arith.divf %sub3A_17, %div3A_20 : vector<1000x128xf32>
    %broadcast_in_dim3A_22 = vector.shape_cast %get3A_3 : vector<128xf32> to vector<1x128xf32>
    %mul3A = vector.broadcast %broadcast_in_dim3A_22 : vector<1x128xf32> to vector<1000x128xf32>
    %mul3A_23 = arith.mulf %div3A_21, %mul3A : vector<1000x128xf32>
    %broadcast_in_dim3A_24 = vector.shape_cast %get3A_5 : vector<128xf32> to vector<1x128xf32>
    %add3A_25 = vector.broadcast %broadcast_in_dim3A_24 : vector<1x128xf32> to vector<1000x128xf32>
    %add3A_26 = arith.addf %mul3A_23, %add3A_25 : vector<1000x128xf32>
    %mul3A_27 = arith.constant 5.000000e-01 : f32
    %mul3A_28 = vector.broadcast %mul3A_27 : f32 to vector<1000x128xf32>
    %mul3A_29 = arith.mulf %mul3A_28, %add3A_26 : vector<1000x128xf32>
    %mul3A_30 = arith.constant 0.707106769 : f32
    %mul3A_31 = vector.broadcast %mul3A_30 : f32 to vector<1000x128xf32>
    %mul3A_32 = arith.mulf %add3A_26, %mul3A_31 : vector<1000x128xf32>
    %erf3A = math.erf %mul3A_32 : vector<1000x128xf32>
    %add3A_33 = arith.constant 1.000000e+00 : f32
    %add3A_34 = vector.broadcast %add3A_33 : f32 to vector<1000x128xf32>
    %add3A_35 = arith.addf %add3A_34, %erf3A : vector<1000x128xf32>
    %mul3A_36 = arith.mulf %mul3A_29, %add3A_35 : vector<1000x128xf32>
    %slice3A = vector.extract_strided_slice %mul3A_36 {offsets = [0, 0], sizes = [1000, 64], strides = [1, 1]} : vector<1000x128xf32> to vector<1000x64xf32>
    %slice3A_37 = vector.extract_strided_slice %mul3A_36 {offsets = [0, 64], sizes = [1000, 64], strides = [1, 1]} : vector<1000x128xf32> to vector<1000x64xf32>
    %get3A_38 = arith.constant 0 : index
    %get3A_39 = vector.load %arg4[%get3A_38] : memref<64xf32, #tpu.memory_space<vmem>>, vector<64xf32>
    %get3A_40 = arith.constant 0 : index
    %get3A_41 = vector.load %arg5[%get3A_40] : memref<64xf32, #tpu.memory_space<vmem>>, vector<64xf32>
    %reduce_sum3A_42 = arith.constant dense<0.000000e+00> : vector<1000xf32>
    %reduce_sum3A_43 = vector.multi_reduction <add>, %slice3A_37, %reduce_sum3A_42 [1] : vector<1000x64xf32> to vector<1000xf32>
    %broadcast_in_dim3A_44 = vector.shape_cast %reduce_sum3A_43 : vector<1000xf32> to vector<1000x1xf32>
    %div3A_45 = arith.constant 6.400000e+01 : f32
    %div3A_46 = vector.broadcast %div3A_45 : f32 to vector<1000x1xf32>
    %div3A_47 = arith.divf %broadcast_in_dim3A_44, %div3A_46 : vector<1000x1xf32>
    %sub3A_48 = vector.broadcast %div3A_47 : vector<1000x1xf32> to vector<1000x64xf32>
    %sub3A_49 = arith.subf %slice3A_37, %sub3A_48 : vector<1000x64xf32>
    %integer_pow3A_50 = arith.mulf %sub3A_49, %sub3A_49 : vector<1000x64xf32>
    %reduce_sum3A_51 = arith.constant dense<0.000000e+00> : vector<1000xf32>
    %reduce_sum3A_52 = vector.multi_reduction <add>, %integer_pow3A_50, %reduce_sum3A_51 [1] : vector<1000x64xf32> to vector<1000xf32>
    %broadcast_in_dim3A_53 = vector.shape_cast %reduce_sum3A_52 : vector<1000xf32> to vector<1000x1xf32>
    %div3A_54 = arith.constant 6.400000e+01 : f32
    %div3A_55 = vector.broadcast %div3A_54 : f32 to vector<1000x1xf32>
    %div3A_56 = arith.divf %broadcast_in_dim3A_53, %div3A_55 : vector<1000x1xf32>
    %sub3A_57 = vector.broadcast %div3A_47 : vector<1000x1xf32> to vector<1000x64xf32>
    %sub3A_58 = arith.subf %slice3A_37, %sub3A_57 : vector<1000x64xf32>
    %add3A_59 = arith.constant 9.99999974E-6 : f32
    %add3A_60 = vector.broadcast %add3A_59 : f32 to vector<1000x1xf32>
    %add3A_61 = arith.addf %div3A_56, %add3A_60 : vector<1000x1xf32>
    %sqrt3A_62 = math.sqrt %add3A_61 : vector<1000x1xf32>
    %div3A_63 = vector.broadcast %sqrt3A_62 : vector<1000x1xf32> to vector<1000x64xf32>
    %div3A_64 = arith.divf %sub3A_58, %div3A_63 : vector<1000x64xf32>
    %broadcast_in_dim3A_65 = vector.shape_cast %get3A_39 : vector<64xf32> to vector<1x64xf32>
    %mul3A_66 = vector.broadcast %broadcast_in_dim3A_65 : vector<1x64xf32> to vector<1000x64xf32>
    %mul3A_67 = arith.mulf %div3A_64, %mul3A_66 : vector<1000x64xf32>
    %broadcast_in_dim3A_68 = vector.shape_cast %get3A_41 : vector<64xf32> to vector<1x64xf32>
    %add3A_69 = vector.broadcast %broadcast_in_dim3A_68 : vector<1x64xf32> to vector<1000x64xf32>
    %add3A_70 = arith.addf %mul3A_67, %add3A_69 : vector<1000x64xf32>
    %max3A = arith.constant 0.000000e+00 : f32
    %max3A_71 = vector.broadcast %max3A : f32 to vector<1000x64xf32>
    %max3A_72 = arith.maximumf %add3A_70, %max3A_71 : vector<1000x64xf32>
    %swap3A = arith.constant 0 : index
    %swap3A_73 = arith.constant 0 : index
    %swap3A_74 = vector.load %arg8[%swap3A, %swap3A_73] : memref<1000x64xf32, #tpu.memory_space<vmem>>, vector<1000x64xf32>
    tpu.vector_store %arg8[%swap3A, %swap3A_73], %slice3A_37 {strides = array<i32>} : memref<1000x64xf32, #tpu.memory_space<vmem>>, vector<1000x64xf32>,
    %broadcast_in_dim3A_75 = arith.constant 0.000000e+00 : f32
    %broadcast_in_dim3A_76 = vector.broadcast %broadcast_in_dim3A_75 : f32 to vector<1000x64xf32>
    %concatenate3A = tpu.concatenate %max3A_72, %broadcast_in_dim3A_76 in 1 : vector<1000x64xf32>, vector<1000x64xf32> -> vector<1000x128xf32>
    %swap3A_77 = arith.constant 0 : index
    %swap3A_78 = arith.constant 0 : index
    %swap3A_79 = vector.load %arg9[%swap3A_77, %swap3A_78] : memref<1000x128xf32, #tpu.memory_space<vmem>>, vector<1000x128xf32>
    tpu.vector_store %arg9[%swap3A_77, %swap3A_78], %concatenate3A {strides = array<i32>} : memref<1000x128xf32, #tpu.memory_space<vmem>>, vector<1000x128xf32>,
    %get3A_80 = arith.constant 0 : index
    %get3A_81 = arith.constant 0 : index
    %get3A_82 = vector.load %arg6[%get3A_80, %get3A_81] : memref<64x64xf32, #tpu.memory_space<vmem>>, vector<64x64xf32>
    %transpose3A = tpu.transpose %get3A_82, [1, 0] : vector<64x64xf32> -> vector<64x64xf32>
    %dot_general3A = arith.constant dense<0.000000e+00> : vector<1000x64xf32>
    %dot_general3A_83 = tpu.matmul %max3A_72, %transpose3A, %dot_general3A {dimension_numbers = #tpu.dot_dimension_numbers<[1], [0], [0], [1], [0, 0, 1, 1], [], []>, transpose_lhs_hint = false} : vector<1000x64xf32>, vector<64x64xf32>, vector<1000x64xf32> -> vector<1000x64xf32>
    %add3A_84 = arith.addf %slice3A, %dot_general3A_83 : vector<1000x64xf32>
    %get3A_85 = arith.constant 0 : index
    %get3A_86 = vector.load %arg7[%get3A_85] : memref<64xf32, #tpu.memory_space<vmem>>, vector<64xf32>
    %broadcast_in_dim3A_87 = vector.shape_cast %get3A_86 : vector<64xf32> to vector<1x64xf32>
    %add3A_88 = vector.broadcast %broadcast_in_dim3A_87 : vector<1x64xf32> to vector<1000x64xf32>
    %add3A_89 = arith.addf %add3A_84, %add3A_88 : vector<1000x64xf32>
    %swap3A_90 = arith.constant 0 : index
    %swap3A_91 = arith.constant 0 : index
    %swap3A_92 = vector.load %arg10[%swap3A_90, %swap3A_91] : memref<1000x64xf32, #tpu.memory_space<vmem>>, vector<1000x64xf32>
    tpu.vector_store %arg10[%swap3A_90, %swap3A_91], %add3A_89 {strides = array<i32>} : memref<1000x64xf32, #tpu.memory_space<vmem>>, vector<1000x64xf32>,
    return
  }
  func.func @transform_0(%arg0: i32) -> (i32, i32) {
    %c0_i32 = arith.constant 0 : i32
    %c0_i32_0 = arith.constant 0 : i32
    return %arg0, %c0_i32 : i32, i32
  }
  func.func @transform_1(%arg0: i32) -> i32 {
    %c0_i32 = arith.constant 0 : i32
    %c0_i32_0 = arith.constant 0 : i32
    return %c0_i32 : i32
  }
  func.func @transform_2(%arg0: i32) -> i32 {
    %c0_i32 = arith.constant 0 : i32
    %c0_i32_0 = arith.constant 0 : i32
    return %c0_i32 : i32
  }
  func.func @transform_3(%arg0: i32) -> i32 {
    %c0_i32 = arith.constant 0 : i32
    %c0_i32_0 = arith.constant 0 : i32
    return %c0_i32 : i32
  }
  func.func @transform_4(%arg0: i32) -> i32 {
    %c0_i32 = arith.constant 0 : i32
    %c0_i32_0 = arith.constant 0 : i32
    return %c0_i32 : i32
  }
  func.func @transform_5(%arg0: i32) -> (i32, i32) {
    %c0_i32 = arith.constant 0 : i32
    %c0_i32_0 = arith.constant 0 : i32
    %c0_i32_1 = arith.constant 0 : i32
    return %c0_i32, %c0_i32_0 : i32, i32
  }
  func.func @transform_6(%arg0: i32) -> i32 {
    %c0_i32 = arith.constant 0 : i32
    %c0_i32_0 = arith.constant 0 : i32
    return %c0_i32 : i32
  }
  func.func @transform_7(%arg0: i32) -> (i32, i32) {
    %c0_i32 = arith.constant 0 : i32
    %c0_i32_0 = arith.constant 0 : i32
    return %arg0, %c0_i32 : i32, i32
  }
  func.func @transform_8(%arg0: i32) -> (i32, i32) {
    %c0_i32 = arith.constant 0 : i32
    %c0_i32_0 = arith.constant 0 : i32
    return %arg0, %c0_i32 : i32, i32
  }
  func.func @transform_9(%arg0: i32) -> (i32, i32) {
    %c0_i32 = arith.constant 0 : i32
    %c0_i32_0 = arith.constant 0 : i32
    return %arg0, %c0_i32 : i32, i32
  }
}

module attributes {stable_mosaic.version = 14 : i64} {
  func.func @_edge_body(%arg0: i32, %arg1: memref<2000x128xf32, #tpu.memory_space<vmem>>, %arg2: memref<128x128xf32, #tpu.memory_space<vmem>>, %arg3: memref<128x128xf32, #tpu.memory_space<vmem>>, %arg4: memref<128xf32, #tpu.memory_space<vmem>>, %arg5: memref<128xf32, #tpu.memory_space<vmem>>, %arg6: memref<128xf32, #tpu.memory_space<vmem>>, %arg7: memref<128xf32, #tpu.memory_space<vmem>>, %arg8: memref<128xf32, #tpu.memory_space<vmem>>, %arg9: memref<2000x128xf32, #tpu.memory_space<vmem>>) attributes {dimension_semantics = [#tpu.dimension_semantics<arbitrary>], iteration_bounds = array<i64: 20>, scalar_prefetch = 0 : i64, scratch_operands = 0 : i64, tpu.core_type = #tpu.core_type<tc>, window_params = [{transform_indices = @transform_0, window_bounds = array<i64: 2000, 128>}, {pipeline_mode = #tpu.pipeline_mode<synchronous>, transform_indices = @transform_1, window_bounds = array<i64: 128, 128>}, {pipeline_mode = #tpu.pipeline_mode<synchronous>, transform_indices = @transform_2, window_bounds = array<i64: 128, 128>}, {pipeline_mode = #tpu.pipeline_mode<synchronous>, transform_indices = @transform_3, window_bounds = array<i64: 128>}, {pipeline_mode = #tpu.pipeline_mode<synchronous>, transform_indices = @transform_4, window_bounds = array<i64: 128>}, {pipeline_mode = #tpu.pipeline_mode<synchronous>, transform_indices = @transform_5, window_bounds = array<i64: 128>}, {pipeline_mode = #tpu.pipeline_mode<synchronous>, transform_indices = @transform_6, window_bounds = array<i64: 128>}, {pipeline_mode = #tpu.pipeline_mode<synchronous>, transform_indices = @transform_7, window_bounds = array<i64: 128>}, {transform_indices = @transform_8, window_bounds = array<i64: 2000, 128>}]} {
    %get3A = arith.constant 0 : index
    %get3A_0 = arith.constant 0 : index
    %get3A_1 = vector.load %arg1[%get3A, %get3A_0] : memref<2000x128xf32, #tpu.memory_space<vmem>>, vector<2000x128xf32>
    %get3A_2 = arith.constant 0 : index
    %get3A_3 = arith.constant 0 : index
    %get3A_4 = vector.load %arg2[%get3A_2, %get3A_3] : memref<128x128xf32, #tpu.memory_space<vmem>>, vector<128x128xf32>
    %dot_general3A = arith.constant dense<0.000000e+00> : vector<2000x128xf32>
    %dot_general3A_5 = tpu.matmul %get3A_1, %get3A_4, %dot_general3A {dimension_numbers = #tpu.dot_dimension_numbers<[1], [0], [0], [1], [0, 0, 1, 1], [], []>, transpose_lhs_hint = false} : vector<2000x128xf32>, vector<128x128xf32>, vector<2000x128xf32> -> vector<2000x128xf32>
    %sub3A = arith.subf %get3A_1, %dot_general3A_5 : vector<2000x128xf32>
    %mul3A = arith.mulf %sub3A, %sub3A : vector<2000x128xf32>
    %dot_general3A_6 = arith.constant dense<0.000000e+00> : vector<2000x128xf32>
    %dot_general3A_7 = tpu.matmul %mul3A, %get3A_4, %dot_general3A_6 {dimension_numbers = #tpu.dot_dimension_numbers<[1], [0], [0], [1], [0, 0, 1, 1], [], []>, transpose_lhs_hint = false} : vector<2000x128xf32>, vector<128x128xf32>, vector<2000x128xf32> -> vector<2000x128xf32>
    %add3A = arith.constant 9.99999974E-6 : f32
    %add3A_8 = vector.broadcast %add3A : f32 to vector<2000x128xf32>
    %add3A_9 = arith.addf %dot_general3A_7, %add3A_8 : vector<2000x128xf32>
    %rsqrt3A = math.rsqrt %add3A_9 : vector<2000x128xf32>
    %mul3A_10 = arith.mulf %sub3A, %rsqrt3A : vector<2000x128xf32>
    %get3A_11 = arith.constant 0 : index
    %get3A_12 = vector.load %arg4[%get3A_11] : memref<128xf32, #tpu.memory_space<vmem>>, vector<128xf32>
    %broadcast_in_dim3A = vector.shape_cast %get3A_12 : vector<128xf32> to vector<1x128xf32>
    %mul3A_13 = vector.broadcast %broadcast_in_dim3A : vector<1x128xf32> to vector<2000x128xf32>
    %mul3A_14 = arith.mulf %mul3A_10, %mul3A_13 : vector<2000x128xf32>
    %get3A_15 = arith.constant 0 : index
    %get3A_16 = vector.load %arg5[%get3A_15] : memref<128xf32, #tpu.memory_space<vmem>>, vector<128xf32>
    %broadcast_in_dim3A_17 = vector.shape_cast %get3A_16 : vector<128xf32> to vector<1x128xf32>
    %add3A_18 = vector.broadcast %broadcast_in_dim3A_17 : vector<1x128xf32> to vector<2000x128xf32>
    %add3A_19 = arith.addf %mul3A_14, %add3A_18 : vector<2000x128xf32>
    %mul3A_20 = arith.constant 5.000000e-01 : f32
    %mul3A_21 = vector.broadcast %mul3A_20 : f32 to vector<2000x128xf32>
    %mul3A_22 = arith.mulf %mul3A_21, %add3A_19 : vector<2000x128xf32>
    %mul3A_23 = arith.constant 0.707106769 : f32
    %mul3A_24 = vector.broadcast %mul3A_23 : f32 to vector<2000x128xf32>
    %mul3A_25 = arith.mulf %add3A_19, %mul3A_24 : vector<2000x128xf32>
    %erf3A = math.erf %mul3A_25 : vector<2000x128xf32>
    %add3A_26 = arith.constant 1.000000e+00 : f32
    %add3A_27 = vector.broadcast %add3A_26 : f32 to vector<2000x128xf32>
    %add3A_28 = arith.addf %add3A_27, %erf3A : vector<2000x128xf32>
    %mul3A_29 = arith.mulf %mul3A_22, %add3A_28 : vector<2000x128xf32>
    %get3A_30 = arith.constant 0 : index
    %get3A_31 = arith.constant 0 : index
    %get3A_32 = vector.load %arg3[%get3A_30, %get3A_31] : memref<128x128xf32, #tpu.memory_space<vmem>>, vector<128x128xf32>
    %dot_general3A_33 = arith.constant dense<0.000000e+00> : vector<2000x128xf32>
    %dot_general3A_34 = tpu.matmul %mul3A_29, %get3A_32, %dot_general3A_33 {dimension_numbers = #tpu.dot_dimension_numbers<[1], [0], [0], [1], [0, 0, 1, 1], [], []>, transpose_lhs_hint = false} : vector<2000x128xf32>, vector<128x128xf32>, vector<2000x128xf32> -> vector<2000x128xf32>
    %get3A_35 = arith.constant 0 : index
    %get3A_36 = vector.load %arg6[%get3A_35] : memref<128xf32, #tpu.memory_space<vmem>>, vector<128xf32>
    %broadcast_in_dim3A_37 = vector.shape_cast %get3A_36 : vector<128xf32> to vector<1x128xf32>
    %add3A_38 = vector.broadcast %broadcast_in_dim3A_37 : vector<1x128xf32> to vector<2000x128xf32>
    %add3A_39 = arith.addf %dot_general3A_34, %add3A_38 : vector<2000x128xf32>
    %add3A_40 = arith.addf %add3A_39, %get3A_1 : vector<2000x128xf32>
    %dot_general3A_41 = arith.constant dense<0.000000e+00> : vector<2000x128xf32>
    %dot_general3A_42 = tpu.matmul %add3A_40, %get3A_4, %dot_general3A_41 {dimension_numbers = #tpu.dot_dimension_numbers<[1], [0], [0], [1], [0, 0, 1, 1], [], []>, transpose_lhs_hint = false} : vector<2000x128xf32>, vector<128x128xf32>, vector<2000x128xf32> -> vector<2000x128xf32>
    %sub3A_43 = arith.subf %add3A_40, %dot_general3A_42 : vector<2000x128xf32>
    %mul3A_44 = arith.mulf %sub3A_43, %sub3A_43 : vector<2000x128xf32>
    %dot_general3A_45 = arith.constant dense<0.000000e+00> : vector<2000x128xf32>
    %dot_general3A_46 = tpu.matmul %mul3A_44, %get3A_4, %dot_general3A_45 {dimension_numbers = #tpu.dot_dimension_numbers<[1], [0], [0], [1], [0, 0, 1, 1], [], []>, transpose_lhs_hint = false} : vector<2000x128xf32>, vector<128x128xf32>, vector<2000x128xf32> -> vector<2000x128xf32>
    %add3A_47 = arith.constant 9.99999974E-6 : f32
    %add3A_48 = vector.broadcast %add3A_47 : f32 to vector<2000x128xf32>
    %add3A_49 = arith.addf %dot_general3A_46, %add3A_48 : vector<2000x128xf32>
    %rsqrt3A_50 = math.rsqrt %add3A_49 : vector<2000x128xf32>
    %mul3A_51 = arith.mulf %sub3A_43, %rsqrt3A_50 : vector<2000x128xf32>
    %get3A_52 = arith.constant 0 : index
    %get3A_53 = vector.load %arg7[%get3A_52] : memref<128xf32, #tpu.memory_space<vmem>>, vector<128xf32>
    %broadcast_in_dim3A_54 = vector.shape_cast %get3A_53 : vector<128xf32> to vector<1x128xf32>
    %mul3A_55 = vector.broadcast %broadcast_in_dim3A_54 : vector<1x128xf32> to vector<2000x128xf32>
    %mul3A_56 = arith.mulf %mul3A_51, %mul3A_55 : vector<2000x128xf32>
    %get3A_57 = arith.constant 0 : index
    %get3A_58 = vector.load %arg8[%get3A_57] : memref<128xf32, #tpu.memory_space<vmem>>, vector<128xf32>
    %broadcast_in_dim3A_59 = vector.shape_cast %get3A_58 : vector<128xf32> to vector<1x128xf32>
    %add3A_60 = vector.broadcast %broadcast_in_dim3A_59 : vector<1x128xf32> to vector<2000x128xf32>
    %add3A_61 = arith.addf %mul3A_56, %add3A_60 : vector<2000x128xf32>
    %swap3A = arith.constant 0 : index
    %swap3A_62 = arith.constant 0 : index
    %swap3A_63 = vector.load %arg9[%swap3A, %swap3A_62] : memref<2000x128xf32, #tpu.memory_space<vmem>>, vector<2000x128xf32>
    tpu.vector_store %arg9[%swap3A, %swap3A_62], %add3A_61 {strides = array<i32>} : memref<2000x128xf32, #tpu.memory_space<vmem>>, vector<2000x128xf32>,
    return
  }
  func.func @transform_0(%arg0: i32) -> (i32, i32) {
    %c0_i32 = arith.constant 0 : i32
    %c0_i32_0 = arith.constant 0 : i32
    return %arg0, %c0_i32 : i32, i32
  }
  func.func @transform_1(%arg0: i32) -> (i32, i32) {
    %c0_i32 = arith.constant 0 : i32
    %c0_i32_0 = arith.constant 0 : i32
    %c0_i32_1 = arith.constant 0 : i32
    return %c0_i32, %c0_i32_0 : i32, i32
  }
  func.func @transform_2(%arg0: i32) -> (i32, i32) {
    %c0_i32 = arith.constant 0 : i32
    %c0_i32_0 = arith.constant 0 : i32
    %c0_i32_1 = arith.constant 0 : i32
    return %c0_i32, %c0_i32_0 : i32, i32
  }
  func.func @transform_3(%arg0: i32) -> i32 {
    %c0_i32 = arith.constant 0 : i32
    %c0_i32_0 = arith.constant 0 : i32
    return %c0_i32 : i32
  }
  func.func @transform_4(%arg0: i32) -> i32 {
    %c0_i32 = arith.constant 0 : i32
    %c0_i32_0 = arith.constant 0 : i32
    return %c0_i32 : i32
  }
  func.func @transform_5(%arg0: i32) -> i32 {
    %c0_i32 = arith.constant 0 : i32
    %c0_i32_0 = arith.constant 0 : i32
    return %c0_i32 : i32
  }
  func.func @transform_6(%arg0: i32) -> i32 {
    %c0_i32 = arith.constant 0 : i32
    %c0_i32_0 = arith.constant 0 : i32
    return %c0_i32 : i32
  }
  func.func @transform_7(%arg0: i32) -> i32 {
    %c0_i32 = arith.constant 0 : i32
    %c0_i32_0 = arith.constant 0 : i32
    return %c0_i32 : i32
  }
  func.func @transform_8(%arg0: i32) -> (i32, i32) {
    %c0_i32 = arith.constant 0 : i32
    %c0_i32_0 = arith.constant 0 : i32
    return %arg0, %c0_i32 : i32, i32
  }
}

module attributes {stable_mosaic.version = 14 : i64} {
  func.func @_post_body(%arg0: i32, %arg1: memref<2x1000x64xf32, #tpu.memory_space<vmem>>, %arg2: memref<1000x1xf32, #tpu.memory_space<vmem>>, %arg3: memref<1000x64xf32, #tpu.memory_space<vmem>>, %arg4: memref<1000x64xf32, #tpu.memory_space<vmem>>, %arg5: memref<1000x128xf32, #tpu.memory_space<vmem>>, %arg6: memref<64x64xf32, #tpu.memory_space<vmem>>, %arg7: memref<128xf32, #tpu.memory_space<vmem>>, %arg8: memref<128xf32, #tpu.memory_space<vmem>>, %arg9: memref<1000x128xf32, #tpu.memory_space<vmem>>) attributes {dimension_semantics = [#tpu.dimension_semantics<arbitrary>], iteration_bounds = array<i64: 10>, scalar_prefetch = 0 : i64, scratch_operands = 0 : i64, tpu.core_type = #tpu.core_type<tc>, window_params = [{transform_indices = @transform_0, window_bounds = array<i64: 2, 1000, 64>}, {transform_indices = @transform_1, window_bounds = array<i64: 1000, 1>}, {transform_indices = @transform_2, window_bounds = array<i64: 1000, 64>}, {transform_indices = @transform_3, window_bounds = array<i64: 1000, 64>}, {transform_indices = @transform_4, window_bounds = array<i64: 1000, 128>}, {pipeline_mode = #tpu.pipeline_mode<synchronous>, transform_indices = @transform_5, window_bounds = array<i64: 64, 64>}, {pipeline_mode = #tpu.pipeline_mode<synchronous>, transform_indices = @transform_6, window_bounds = array<i64: 128>}, {pipeline_mode = #tpu.pipeline_mode<synchronous>, transform_indices = @transform_7, window_bounds = array<i64: 128>}, {transform_indices = @transform_8, window_bounds = array<i64: 1000, 128>}]} {
    %get3A = arith.constant 0 : index
    %get3A_0 = arith.constant 0 : index
    %get3A_1 = arith.constant 0 : index
    %get3A_2 = vector.load %arg1[%get3A, %get3A_0, %get3A_1] : memref<2x1000x64xf32, #tpu.memory_space<vmem>>, vector<1x1000x64xf32>
    %get3A_3 = vector.shape_cast %get3A_2 : vector<1x1000x64xf32> to vector<1000x64xf32>
    %get3A_4 = arith.constant 1 : index
    %get3A_5 = arith.constant 0 : index
    %get3A_6 = arith.constant 0 : index
    %get3A_7 = vector.load %arg1[%get3A_4, %get3A_5, %get3A_6] : memref<2x1000x64xf32, #tpu.memory_space<vmem>>, vector<1x1000x64xf32>
    %get3A_8 = vector.shape_cast %get3A_7 : vector<1x1000x64xf32> to vector<1000x64xf32>
    %add3A = arith.addf %get3A_3, %get3A_8 : vector<1000x64xf32>
    %get3A_9 = arith.constant 0 : index
    %get3A_10 = arith.constant 0 : index
    %get3A_11 = vector.load %arg2[%get3A_9, %get3A_10] : memref<1000x1xf32, #tpu.memory_space<vmem>>, vector<1000x1xf32>
    %mul3A = vector.broadcast %get3A_11 : vector<1000x1xf32> to vector<1000x64xf32>
    %mul3A_12 = arith.mulf %add3A, %mul3A : vector<1000x64xf32>
    %get3A_13 = arith.constant 0 : index
    %get3A_14 = arith.constant 0 : index
    %get3A_15 = vector.load %arg4[%get3A_13, %get3A_14] : memref<1000x64xf32, #tpu.memory_space<vmem>>, vector<1000x64xf32>
    %get3A_16 = arith.constant 0 : index
    %get3A_17 = arith.constant 0 : index
    %get3A_18 = vector.load %arg6[%get3A_16, %get3A_17] : memref<64x64xf32, #tpu.memory_space<vmem>>, vector<64x64xf32>
    %transpose3A = tpu.transpose %get3A_18, [1, 0] : vector<64x64xf32> -> vector<64x64xf32>
    %dot_general3A = arith.constant dense<0.000000e+00> : vector<1000x64xf32>
    %dot_general3A_19 = tpu.matmul %mul3A_12, %transpose3A, %dot_general3A {dimension_numbers = #tpu.dot_dimension_numbers<[1], [0], [0], [1], [0, 0, 1, 1], [], []>, transpose_lhs_hint = false} : vector<1000x64xf32>, vector<64x64xf32>, vector<1000x64xf32> -> vector<1000x64xf32>
    %add3A_20 = arith.addf %get3A_15, %dot_general3A_19 : vector<1000x64xf32>
    %get3A_21 = arith.constant 0 : index
    %get3A_22 = arith.constant 0 : index
    %get3A_23 = vector.load %arg3[%get3A_21, %get3A_22] : memref<1000x64xf32, #tpu.memory_space<vmem>>, vector<1000x64xf32>
    %concatenate3A = tpu.concatenate %get3A_23, %add3A_20 in 1 : vector<1000x64xf32>, vector<1000x64xf32> -> vector<1000x128xf32>
    %get3A_24 = arith.constant 0 : index
    %get3A_25 = arith.constant 0 : index
    %get3A_26 = vector.load %arg5[%get3A_24, %get3A_25] : memref<1000x128xf32, #tpu.memory_space<vmem>>, vector<1000x128xf32>
    %add3A_27 = arith.addf %concatenate3A, %get3A_26 : vector<1000x128xf32>
    %get3A_28 = arith.constant 0 : index
    %get3A_29 = vector.load %arg7[%get3A_28] : memref<128xf32, #tpu.memory_space<vmem>>, vector<128xf32>
    %get3A_30 = arith.constant 0 : index
    %get3A_31 = vector.load %arg8[%get3A_30] : memref<128xf32, #tpu.memory_space<vmem>>, vector<128xf32>
    %reduce_sum3A = arith.constant dense<0.000000e+00> : vector<1000xf32>
    %reduce_sum3A_32 = vector.multi_reduction <add>, %add3A_27, %reduce_sum3A [1] : vector<1000x128xf32> to vector<1000xf32>
    %broadcast_in_dim3A = vector.shape_cast %reduce_sum3A_32 : vector<1000xf32> to vector<1000x1xf32>
    %div3A = arith.constant 1.280000e+02 : f32
    %div3A_33 = vector.broadcast %div3A : f32 to vector<1000x1xf32>
    %div3A_34 = arith.divf %broadcast_in_dim3A, %div3A_33 : vector<1000x1xf32>
    %sub3A = vector.broadcast %div3A_34 : vector<1000x1xf32> to vector<1000x128xf32>
    %sub3A_35 = arith.subf %add3A_27, %sub3A : vector<1000x128xf32>
    %integer_pow3A = arith.mulf %sub3A_35, %sub3A_35 : vector<1000x128xf32>
    %reduce_sum3A_36 = arith.constant dense<0.000000e+00> : vector<1000xf32>
    %reduce_sum3A_37 = vector.multi_reduction <add>, %integer_pow3A, %reduce_sum3A_36 [1] : vector<1000x128xf32> to vector<1000xf32>
    %broadcast_in_dim3A_38 = vector.shape_cast %reduce_sum3A_37 : vector<1000xf32> to vector<1000x1xf32>
    %div3A_39 = arith.constant 1.280000e+02 : f32
    %div3A_40 = vector.broadcast %div3A_39 : f32 to vector<1000x1xf32>
    %div3A_41 = arith.divf %broadcast_in_dim3A_38, %div3A_40 : vector<1000x1xf32>
    %sub3A_42 = vector.broadcast %div3A_34 : vector<1000x1xf32> to vector<1000x128xf32>
    %sub3A_43 = arith.subf %add3A_27, %sub3A_42 : vector<1000x128xf32>
    %add3A_44 = arith.constant 9.99999974E-6 : f32
    %add3A_45 = vector.broadcast %add3A_44 : f32 to vector<1000x1xf32>
    %add3A_46 = arith.addf %div3A_41, %add3A_45 : vector<1000x1xf32>
    %sqrt3A = math.sqrt %add3A_46 : vector<1000x1xf32>
    %div3A_47 = vector.broadcast %sqrt3A : vector<1000x1xf32> to vector<1000x128xf32>
    %div3A_48 = arith.divf %sub3A_43, %div3A_47 : vector<1000x128xf32>
    %broadcast_in_dim3A_49 = vector.shape_cast %get3A_29 : vector<128xf32> to vector<1x128xf32>
    %mul3A_50 = vector.broadcast %broadcast_in_dim3A_49 : vector<1x128xf32> to vector<1000x128xf32>
    %mul3A_51 = arith.mulf %div3A_48, %mul3A_50 : vector<1000x128xf32>
    %broadcast_in_dim3A_52 = vector.shape_cast %get3A_31 : vector<128xf32> to vector<1x128xf32>
    %add3A_53 = vector.broadcast %broadcast_in_dim3A_52 : vector<1x128xf32> to vector<1000x128xf32>
    %add3A_54 = arith.addf %mul3A_51, %add3A_53 : vector<1000x128xf32>
    %swap3A = arith.constant 0 : index
    %swap3A_55 = arith.constant 0 : index
    %swap3A_56 = vector.load %arg9[%swap3A, %swap3A_55] : memref<1000x128xf32, #tpu.memory_space<vmem>>, vector<1000x128xf32>
    tpu.vector_store %arg9[%swap3A, %swap3A_55], %add3A_54 {strides = array<i32>} : memref<1000x128xf32, #tpu.memory_space<vmem>>, vector<1000x128xf32>,
    return
  }
  func.func @transform_0(%arg0: i32) -> (i32, i32, i32) {
    %c0_i32 = arith.constant 0 : i32
    %c0_i32_0 = arith.constant 0 : i32
    %c0_i32_1 = arith.constant 0 : i32
    return %c0_i32, %arg0, %c0_i32_0 : i32, i32, i32
  }
  func.func @transform_1(%arg0: i32) -> (i32, i32) {
    %c0_i32 = arith.constant 0 : i32
    %c0_i32_0 = arith.constant 0 : i32
    return %arg0, %c0_i32 : i32, i32
  }
  func.func @transform_2(%arg0: i32) -> (i32, i32) {
    %c0_i32 = arith.constant 0 : i32
    %c0_i32_0 = arith.constant 0 : i32
    return %arg0, %c0_i32 : i32, i32
  }
  func.func @transform_3(%arg0: i32) -> (i32, i32) {
    %c0_i32 = arith.constant 0 : i32
    %c0_i32_0 = arith.constant 0 : i32
    return %arg0, %c0_i32 : i32, i32
  }
  func.func @transform_4(%arg0: i32) -> (i32, i32) {
    %c0_i32 = arith.constant 0 : i32
    %c0_i32_0 = arith.constant 0 : i32
    return %arg0, %c0_i32 : i32, i32
  }
  func.func @transform_5(%arg0: i32) -> (i32, i32) {
    %c0_i32 = arith.constant 0 : i32
    %c0_i32_0 = arith.constant 0 : i32
    %c0_i32_1 = arith.constant 0 : i32
    return %c0_i32, %c0_i32_0 : i32, i32
  }
  func.func @transform_6(%arg0: i32) -> i32 {
    %c0_i32 = arith.constant 0 : i32
    %c0_i32_0 = arith.constant 0 : i32
    return %c0_i32 : i32
  }
  func.func @transform_7(%arg0: i32) -> i32 {
    %c0_i32 = arith.constant 0 : i32
    %c0_i32_0 = arith.constant 0 : i32
    return %c0_i32 : i32
  }
  func.func @transform_8(%arg0: i32) -> (i32, i32) {
    %c0_i32 = arith.constant 0 : i32
    %c0_i32_0 = arith.constant 0 : i32
    return %arg0, %c0_i32 : i32, i32
  }
}

</mosaic_0001>

<sc_bundles>
// kernel: kernel.11.cloned.1.call-start
scs
__scs_entry_jumppad:
0x0: {  	(pc) =	sbr.rel $0x88, $3  }
0x1: {  	(tag) =	ssettag $0x0;
	lr =	simm.s32 $0x1  }
0x2: {  	[smem:$0x3F89] =	sst lr;
	_ =	strace $0xD0000000  }
0x3: {  	_ = 	snop  }
0x4: {  	_ = 	snop  }
0x5: {  	_ = 	snop  }
0x6: {  	_ = 	snop  }
0x7: {  	_ = 	snop  }
__scs_overlays_trampoline_lowered:
0x8: {  	[smem:$0x3F98] =	sst s0  }
0x9: {  	[smem:$0x3F99] =	sst s1  }
0xa: {  	[smem:$0x3F9A] =	sst s2  }
0xb: {  	[smem:$0x3F9B] =	sst s3  }
0xc: {  	[smem:$0x3F9C] =	sst s4  }
0xd: {  	[smem:$0x3F9D] =	sst s5  }
0xe: {  	[smem:$0x3F9E] =	sst s6  }
0xf: {  	[smem:$0x3F9F] =	sst s7  }
0x10: {  	[smem:$0x3FA0] =	sst s8  }
0x11: {  	[smem:$0x3FA1] =	sst s9;
	s0 =	simm.s32 @!p0 $0x0  }
0x12: {  	s1 =	sld [smem:$0x3F87];
	s0 =	simm.s32 @p0 $0x1  }
0x13: {  	[smem:$0x3FA2] =	sst s0;
	s0 =	simm.s32 @!p1 $0x0  }
0x14: {  	s2 =	sld [smem:$0x3F86];
	s0 =	simm.s32 @p1 $0x1  }
0x15: {  	[smem:$0x3FA3] =	sst s0;
	s0 =	simm.s32 @!p2 $0x0  }
0x16: {  	s3 =	sld [smem:$0x3FDB];
	s0 =	simm.s32 @p2 $0x1  }
0x17: {  	s4 =	simm.s32 $0x1BF5;
	[smem:$0x3FA5] =	sst s0  }
0x18: {  	s0 =	sld [smem:$0x3F88];
	_ =	swait.ge [sflag:s4], $0x0  }
0x19: {  	s7 =	sld [smem:$0x3F89]  }
0x1a: {  	s8 =	sadd.s32 $0xFFFFE003, lr  }
0x1b: {  	s9 =	sadd.s32 $0xFFFFFEF7, lr;
	s5 =	simm.s32 $0xFFFFFFFF;
	p2 =	slt.u32 s8, $0xFFFFF086  }
0x1c: {  	p1 =	slt.u32 s9, $0xF7A;
	s5 =	simm.s32 @!p2 $0x0  }
0x1d: {  	s5 =	simm.s32 @p1 $0x1;
	p0 =	seq.s32 s7, s2  }
0x1e: {  	s7 =	smul.u32 @!p0 $0xF7A, s2;
	p2 =	seq.s32 @!p0 s5, $0x0  }
0x1f: {  	s9 =	smul.u32 $0xF7A, s1;
	s8 =	simm.s32 @!p0 $0x1BF5;
	p2 =	por !p2, p0  }
0x20: {  	[sflag:s8] =	ssyncset.s32 @!p0 $0xFFFFF086;
	s6 =	sadd.s32 @!p0 s3, s7;
	s7 =	simm.s32 @!p0 $0x108  }
0x21: {  	s3 =	sadd.s32 s3, s9;
	s6 =	sadd.s32 @!p0 $0x88, s6;
	s7 =	simm.s32 @p2 $0x1082  }
0x22: {  	[simem:s7], [sflag:s8] =	dma.local @!p0 [hbm:s6], $0xF7A  }
0x23: {  	s9 =	sor.u32 $0xD0000000, s2;
	s6 =	simm.s32 $0x108;
	_ =	swait.ge @!p0 [sflag:s8], $0x0  }
0x24: {  	s3 =	sadd.s32 $0x88, s3;
	s6 =	simm.s32 @!p1 $0x1082;
	[sflag:s4] =	ssyncset.s32 $0xFFFFF086  }
0x25: {  	[simem:s6], [sflag:s4] =	dma.local [hbm:s3], $0xF7A  }
0x26: {  	[smem:$0x3F89] =	sst s1;
	(tag) =	ssettag s2;
	_ =	strace s9  }
0x27: {  	s1 =	sld [smem:$0x3F99]  }
0x28: {  	s2 =	sld [smem:$0x3F9A]  }
0x29: {  	s4 =	sld [smem:$0x3F9C]  }
0x2a: {  	p0 =	seq.s32 s5, $0x0;
	s5 =	sld [smem:$0x3F9D]  }
0x2b: {  	s6 =	sld [smem:$0x3F9E]  }
0x2c: {  	s7 =	sld [smem:$0x3F9F]  }
0x2d: {  	s3 =	simm.s32 $0x108;
	s8 =	sld [smem:$0x3FA0]  }
0x2e: {  	s3 =	simm.s32 @!p0 $0x1082;
	s9 =	sld [smem:$0x3FA1]  }
0x2f: {  	lr =	sadd.s32 s0, s3;
	s0 =	sld [smem:$0x3F98]  }
0x30: {  	s3 =	sld [smem:$0x3F9B]  }
0x31: {  	[smem:$0x3FA4] =	sst s10  }
0x32: {  	s10 =	sld [smem:$0x3FA2];
	_ =	sdelay $0x3  }
0x33: {  	p0 =	seq.s32 s10, $0x1;
	s10 =	sld [smem:$0x3FA4];
	_ =	sdelay $0x3  }
0x34: {  	[smem:$0x3FA4] =	sst s10  }
0x35: {  	s10 =	sld [smem:$0x3FA3];
	_ =	sdelay $0x3  }
0x36: {  	p1 =	seq.s32 s10, $0x1;
	s10 =	sld [smem:$0x3FA4];
	_ =	sdelay $0x3  }
0x37: {  	[smem:$0x3FA4] =	sst s10  }
0x38: {  	s10 =	sld [smem:$0x3FA5]  }
0x39: {  	_ = 	snop;
	(pc) =	sbr.ind lr, $3  }
0x3a: {  	_ = 	snop  }
0x3b: {  	_ = 	snop  }
0x3c: {  	p2 =	seq.s32 s10, $0x1;
	s10 =	sld [smem:$0x3FA4]  }
0x3d: {  	_ =	shalt  }
0x3e: {  	_ =	shalt  }
0x3f: {  	_ =	shalt  }
0x40: {  	_ =	shalt  }
0x41: {  	_ =	shalt  }
0x42: {  	_ =	shalt  }
0x43: {  	_ =	shalt  }
0x44: {  	_ =	shalt  }
0x45: {  	_ =	shalt  }
0x46: {  	_ =	shalt  }
0x47: {  	_ =	shalt  }
0x48: {  	_ =	shalt  }
0x49: {  	_ =	shalt  }
0x4a: {  	_ =	shalt  }
0x4b: {  	_ =	shalt  }
0x4c: {  	_ =	shalt  }
0x4d: {  	_ =	shalt  }
0x4e: {  	_ =	shalt  }
0x4f: {  	_ =	shalt  }
0x50: {  	_ =	shalt  }
0x51: {  	_ =	shalt  }
0x52: {  	_ =	shalt  }
0x53: {  	_ =	shalt  }
0x54: {  	_ =	shalt  }
0x55: {  	_ =	shalt  }
0x56: {  	_ =	shalt  }
0x57: {  	_ =	shalt  }
0x58: {  	_ =	shalt  }
0x59: {  	_ =	shalt  }
0x5a: {  	_ =	shalt  }
0x5b: {  	_ =	shalt  }
0x5c: {  	_ =	shalt  }
0x5d: {  	_ =	shalt  }
0x5e: {  	_ =	shalt  }
0x5f: {  	_ =	shalt  }
0x60: {  	_ =	shalt  }
0x61: {  	_ =	shalt  }
0x62: {  	_ =	shalt  }
0x63: {  	_ =	shalt  }
0x64: {  	_ =	shalt  }
0x65: {  	_ =	shalt  }
0x66: {  	_ =	shalt  }
0x67: {  	_ =	shalt  }
0x68: {  	_ =	shalt  }
0x69: {  	_ =	shalt  }
0x6a: {  	_ =	shalt  }
0x6b: {  	_ =	shalt  }
0x6c: {  	_ =	shalt  }
0x6d: {  	_ =	shalt  }
0x6e: {  	_ =	shalt  }
0x6f: {  	_ =	shalt  }
0x70: {  	_ =	shalt  }
0x71: {  	_ =	shalt  }
0x72: {  	_ =	shalt  }
0x73: {  	_ =	shalt  }
0x74: {  	_ =	shalt  }
0x75: {  	_ =	shalt  }
0x76: {  	_ =	shalt  }
0x77: {  	_ =	shalt  }
0x78: {  	_ =	shalt  }
0x79: {  	_ =	shalt  }
0x7a: {  	_ =	shalt  }
0x7b: {  	_ =	shalt  }
0x7c: {  	_ =	shalt  }
0x7d: {  	_ =	shalt  }
0x7e: {  	_ =	shalt  }
0x7f: {  	_ =	shalt  }
0x80: {  	_ =	shalt  }
0x81: {  	_ =	shalt  }
0x82: {  	_ =	shalt  }
0x83: {  	_ =	shalt  }
0x84: {  	_ =	shalt  }
0x85: {  	_ =	shalt  }
0x86: {  	_ =	shalt  }
0x87: {  	_ =	shalt  }
.Lfunc_end0:
.L_simem_size_0:
called_computation.1_lowered:
.L_overlay_start_0:
0x88: {  	s2 =	sld [smem:$0x3FD9]  }
0x89: {  	s3 =	sld [smem:$0x3FFE];
	_ =	sdelay $0x1  }
0x8a: {  	s1 =	srdreg.scid  }
0x8b: {  	s0 =	sand.u32 $0x1, s1  }
0x8c: {  	s14 =	sshll.u32 s0, $0xA;
	s2 =	sadd.s32 s3, s2  }
0x8d: {  	s2 =	sadd.s32 s2, s14  }
0x8e: {  	[smem:$0x3FB0] =	sst s2  }
0x8f: {  	_ = 	snop  }
0x90: {  	s2 =	sld [smem:$0x3FD0];
	_ =	sdelay $0x2  }
0x91: {  	s15 =	simm.s32 $0xA;
	s4 =	simm.s32 $0x10  }
0x92: {  	[smem:s4], [sflag:s15] =	dma.local [hbm:s2], $0x1  }
0x93: {  	_ =	swait.eq [sflag:s15], $0x1  }
0x94: {  	s16 =	sld [smem:$0x10];
	[sflag:s15] =	ssyncset.done $0x0  }
0x95: {  	s17 =	sld [smem:$0x11];
	[sflag:s15] =	ssyncadd.s32 $0xFFFFFFFF  }
0x96: {  	s18 =	sld [smem:$0x12];
	(tm) =	ssettm $0x1  }
0x97: {  	s5 =	sld [smem:$0x3FFB];
	_ =	sdelay $0x3  }
0x98: {  	_ =	strace s5  }
0x99: {  	s5 =	sld [smem:$0x3FFC];
	_ =	sdelay $0x3  }
0x9a: {  	_ =	strace s5  }
0x9b: {  	s5 =	sld [smem:$0x3FFD];
	_ =	sdelay $0x3  }
0x9c: {  	_ =	strace s5  }
0x9d: {  	_ =	strace $0x8FFFFFFF  }
0x9e: {  	s19 =	sld [smem:$0x3FDB];
	_ =	sdelay $0x1  }
0x9f: {  	s6 =	simm.s32 $_scs_section_size  }
0xa0: {  	s7 =	simm.s32 $_size__tile_overlayer_lowered;
	s8 =	simm.s32 $_tile_overlayer_lowered  }
0xa1: {  	s22 =	simm.s32 $0x1BFF;
	s21 =	sshll.u32 s8, $0x1;
	s5 =	sadd.s32 s6, s19  }
0xa2: {  	s9 =	simm.s32 $0x0;
	s20 =	sshll.u32 s7, $0x1;
	s7 =	sadd.s32 s21, s5  }
0xa3: {  	[timem:s9], [sflag:s22] =	dma.local [hbm:s7], s20  }
0xa4: {  	_ =	swait.ge [sflag:s22], s20  }
0xa5: {  	s6 =	ssub.s32 $0x0, s20;
	[sflag:s22] =	ssyncset.done $0x0  }
0xa6: {  	[sflag:s22] =	ssyncadd.s32 s6;
	_ =	sdelay $0x1  }
0xa7: {  	s23 =	simm.s32 $0x1B8B  }
0xa8: {  	_ =	swait.ge [sflag:s23], $0x1  }
0xa9: {  	[sflag:s23] =	ssyncset.done $0x0  }
0xaa: {  	s25 =	simm.s32 $0x1B8E;
	s24 =	sld [smem:$0x3FFE];
	[sflag:s23] =	ssyncadd.s32 $0xFFFFFFFF  }
0xab: {  	s26 =	simm.s32 $execute0_lowered;
	[smem:$0x3FD2] =	sst s25  }
0xac: {  	s7 =	sshll.u32 s26, $0x1;
	_ =	strace $0x80000049;
	[dreg:$0x1] =	wrdreg $0xFFFFFFFF  }
0xad: {  	s28 =	simm.s32 $_size_execute0_lowered;
	s5 =	sadd.s32 s5, s7;
	[dreg:$0x0] =	wrdreg $0x0  }
0xae: {  	s7 =	sshll.u32 s28, $0x1;
	[dreg:$0x2] =	wrdreg s5  }
0xaf: {  	[dreg:$0x3] =	wrdreg s7  }
0xb0: {  	[dreg:$0x4] =	wrdreg $0xC0  }
0xb1: {  	_ =	task [dreg:s9], $0x5FFFF  }
0xb2: {  	[dreg:$0x1] =	wrdreg $0xFFFFFFFF  }
0xb3: {  	[dreg:$0x0] =	wrdreg $0x60  }
0xb4: {  	[dreg:$0x2] =	wrdreg s16  }
0xb5: {  	[dreg:$0x3] =	wrdreg s17  }
0xb6: {  	[dreg:$0x4] =	wrdreg s18  }
0xb7: {  	[dreg:$0x5] =	wrdreg s24  }
0xb8: {  	[dreg:$0x6] =	wrdreg $0x12E200  }
0xb9: {  	[dreg:$0x7] =	wrdreg $0x9  }
0xba: {  	_ =	task.clear_ibuf [dreg:s9], $0x8FFFF;
	_ =	strace $0x90000049  }
0xbb: {  	s29 =	simm.s32 $0x9;
	_ =	strace $0x8000004B  }
0xbc: {  	_ =	swait.ge [sflag:s29], $0x1  }
0xbd: {  	[sflag:s29] =	ssyncadd.s32 $0xFFFFFFFF  }
0xbe: {  	_ =	strace $0x9000004B  }
0xbf: {  	_ =	sfence  }
0xc0: {  	s30 =	sld [smem:$0x0];
	_ =	sdelay $0x2  }
0xc1: {  	s31 =	sshll.u32 s1, $0xD;
	s1 =	sshrl.u32 s1, $0x2  }
0xc2: {  	s3 =	sand.u32 $0x4000, s31;
	s1 =	sadd.s32 s1, s30  }
0xc3: {  	s0 =	sor.u32 s3, s0;
	s1 =	sshll.u32 s1, $0x11  }
0xc4: {  	s0 =	sor.u32 s1, s0  }
0xc5: {  	s0 =	sadd.s32 $0x8F2B, s0  }
0xc6: {  	[sflag:s0] =	ssyncadd.remote.s32 $0x1  }
0xc7: {  	_ =	sfence.sel $0xFFFF  }
0xc8: {  	[dreg:$0x0] =	wrdreg $0xFFFFFFFF;
	(pc) =	sbr.abs _section_cstart, $3  }
0xc9: {  	[dreg:$0x1] =	wrdreg $0xFFFFFFFF  }
0xca: {  	_ =	task.clear_ibuf [dreg:s9], $0x2FFFF;
	_ =	strace $0x9FFFFFFF  }
0xcb: {  	(tm) =	ssettm $0x7FFFFFFF  }
tec
execute0_lowered:
.L_overlay_start_1:
0x0: {  	(tag) =	ssettag $0x1  }
0x1: {  	s1 =	rddreg [dreg:$0x0]  }
0x2: {  	s7 =	rddreg [dreg:$0x1]  }
0x3: {  	s8 =	rddreg [dreg:$0x2]  }
0x4: {  	s5 =	rddreg [dreg:$0x3]  }
0x5: {  	s2 =	rddreg [dreg:$0x4]  }
0x6: {  	s3 =	srdreg.scid;
	s0 =	rddreg [dreg:$0x5]  }
0x7: {  	s4 =	simm.s32 $0x0;
	s15 =	simm.s32 $0x80;
	s16 =	simm.s32 $0x4E20  }
0x8: {  	s17 =	simm.s32 $0x6E20;
	s18 =	simm.s32 $0x1;
	s19 =	simm.s32 $0x2  }
0x9: {  	s20 =	simm.s32 $0x2680;
	s21 =	simm.s32 $0x4D10;
	s22 =	simm.s32 $0x4D90  }
0xa: {  	s23 =	simm.s32 $0x10;
	s24 =	simm.s32 $0x2700;
	s25 =	simm.s32 $0x4E10  }
0xb: {  	s6 =	sand.u32 $0x1, s3;
	s3 =	stileid.u32;
	[smem:$0x7FF] =	sst s4  }
0xc: {  	s11 =	sadd.s32 $0x7C400, s5;
	s9 =	sshll.u32 s6, $0x4;
	s10 =	smul.u32 $0x27000, s3  }
0xd: {  	_ =	strace $0x8000004A;
	s30 =	ssub.s32 $0x2, s6;
	s12 =	smul.u32 $0x9C00, s3  }
0xe: {  	s14 =	smul.u32 $0x9C400, s6;
	s6 =	sadd.s32 $0x92400, s2;
	s9 =	sor.u32 s3, s9  }
0xf: {  	p0 =	seq.s32 s3, $0xF;
	s13 =	sshrl.u32 s30, $0x1;
	s9 =	smul.u32 $0x4E2, s9  }
0x10: {  	s10 =	sshrl.u32 s10, $0x2;
	s13 =	ssub.s32 s30, s13;
	s31 =	sadd.s32 s12, s14  }
0x11: {  	s14 =	sshrl.u32 s14, $0x3;
	s5 =	sadd.s32 s10, s2;
	s10 =	sshrl.u32 s31, $0x3  }
0x12: {  	s14 =	sadd.s32 s11, s14;
	s7 =	sadd.s32 s7, s9;
	s8 =	sadd.s32 s8, s9  }
0x13: {  	s9 =	sadd.s32 s12, s2;
	s10 =	sadd.s32 s11, s10;
	s11 =	sadd.s32 $0x12480, s14  }
0x14: {  	v0 =	vimm.f32 $0.0e+00;
	s12 =	smax.u32 s13, $0x1;
	s13 =	simm.s32 $0x3;
	s14 =	simm.s32 $0x2710  }
.LBB2_1:
0x15: {  	s28 =	simm.s32 $0x100;
	s26 =	simm.s32 $0x0  }
.LBB2_2:
0x16: {  	p1 =	sne.s32 s28, $0x27F00;
	[tilespmem:s26+$0x8E50] =	vst v0;
	s29 =	smov.u32 s28;
	s28 =	sadd.s32 $0x100, s28  }
.Ltmp0:
0x17: {  	[tilespmem:s26+$0x8E40] =	vst v0;
	(pc) =	sbr.rel @p1 .LBB2_2-.Ltmp0, $3  }
0x18: {  	[tilespmem:s26+$0x8E20] =	vst v0  }
0x19: {  	[tilespmem:s26+$0x8E30] =	vst v0;
	_ =	sdelay $0x1  }
0x1a: {  	s26 =	sshra.s32 s29, $0x2  }
0x1b: {  	[tilespmem:s26+$0x8E50] =	vst v0  }
0x1c: {  	[tilespmem:s26+$0x8E40] =	vst v0  }
0x1d: {  	[tilespmem:s26+$0x8E20] =	vst v0  }
0x1e: {  	[tilespmem:s26+$0x8E30] =	vst v0;
	s26 =	simm.s32 @p0 $0x8E20  }
0x1f: {  	[spmem:s6] =	stream.linear.scatter @p0 [tilespmem:s26], [sflag:$0x3], $0xA000, $0x38;
	[tilespmem:$0x1CA60] =	vst v63  }
0x20: {  	s26 =	simm.s32 @p0 $0x3  }
0x21: {  	_ =	swait.ge @p0 [sflag:s26], $0xA000  }
0x22: {  	[sflag:s26] =	ssyncset.done @p0 $0x0  }
0x23: {  	[sflag:s26] =	ssyncadd.s32 @p0 $0xFFFF6000;
	s26 =	simm.s32 @!p0 $0x8E20  }
0x24: {  	[spmem:s5] =	stream.linear.scatter @!p0 [tilespmem:s26], [sflag:$0x3], $0x9C00, $0x38;
	[tilespmem:$0x1CA60] =	vst v63  }
0x25: {  	s26 =	simm.s32 @!p0 $0x3  }
0x26: {  	_ =	swait.ge @!p0 [sflag:s26], $0x9C00  }
0x27: {  	[sflag:s26] =	ssyncset.done @!p0 $0x0  }
0x28: {  	s31 =	simm.s32 $0x0;
	[sflag:s26] =	ssyncadd.s32 @!p0 $0xFFFF6400  }
0x29: {  	[tilespmem:s31], [sflag:$0x3] =	stream.linear.gather [hbm4b:s7+s31], $0x2710, $0x38;
	[tilespmem:$0x1CA60] =	vst v63  }
0x2a: {  	_ =	swait.ge [sflag:s13], $0x2710  }
0x2b: {  	[sflag:s13] =	ssyncset.done $0x0  }
0x2c: {  	[sflag:s13] =	ssyncadd.s32 $0xFFFFD8F0  }
0x2d: {  	[tilespmem:s14], [sflag:$0x3] =	stream.linear.gather [hbm4b:s8+s31], $0x2710, $0x38;
	[tilespmem:$0x1CA60] =	vst v63  }
0x2e: {  	_ =	swait.ge [sflag:s13], $0x2710  }
0x2f: {  	[sflag:s13] =	ssyncset.done $0x0  }
0x30: {  	s28 =	simm.s32 $0x40;
	s26 =	simm.s32 $0x0;
	[sflag:s13] =	ssyncadd.s32 $0xFFFFD8F0  }
.LBB2_4:
0x31: {  	p1 =	sne.s32 s28, $0x9C00;
	v1 =	vld [tilespmem:s26+$0x0];
	_ =	sdelay $0x1  }
.Ltmp1:
0x32: {  	(pc) =	sbr.rel @p1 .LBB2_4-.Ltmp1, $3  }
0x33: {  	_ =	sdelay $0x1  }
0x34: {  	v1 =	vshll.u32 v1, $0x1  }
0x35: {  	[tilespmem:s26+$0x0] =	vst v1;
	s26 =	sshra.s32 s28, $0x2;
	s28 =	sadd.s32 $0x40, s28  }
0x36: {  	v1 =	vld [tilespmem:s26+$0x0];
	_ =	sdelay $0x4  }
0x37: {  	v1 =	vshll.u32 v1, $0x1  }
0x38: {  	[tilespmem:s26+$0x0] =	vst v1  }
0x39: {  	s30 =	simm.s32 $0x0;
	[bflag:$0x0] =	sbarrier.arrive $0xFFFF  }
0x3a: {  	[tilespmem:s16], [sflag:$0x1] =	stream.indirect.gather [hbm4b:s1+s15], $0x40, s30, s15, $0xb8;
	[tilespmem:$0x1CA60] =	vst v63  }
0x3b: {  	s31 =	simm.s32 $0x80  }
0x3c: {  	[tilespmem:s17], [sflag:$0x2] =	stream.indirect.gather [hbm4b:s1+s15], $0x40, s31, s15, $0xb8;
	[tilespmem:$0x1CA60] =	vst v63  }
0x3d: {  	_ =	swait.ge [sflag:s18], $0x2000  }
0x3e: {  	[sflag:s18] =	ssyncset.done $0x0  }
0x3f: {  	s29 =	simm.s32 $0x2710;
	[sflag:s18] =	ssyncadd.s32 $0xFFFFE000  }
0x40: {  	[spmem:s2] =	stream.indirect.scatter.add.f32 [tilespmem:s16], [sflag:$0x3], $0x40, s29, s15, $0xb8;
	[tilespmem:$0x1CA60] =	vst v63  }
0x41: {  	_ =	swait.ge [sflag:s13], $0x2000  }
0x42: {  	[sflag:s13] =	ssyncset.done $0x0  }
0x43: {  	s30 =	simm.s32 $0x100;
	[sflag:s13] =	ssyncadd.s32 $0xFFFFE000  }
0x44: {  	[tilespmem:s16], [sflag:$0x1] =	stream.indirect.gather [hbm4b:s1+s15], $0x40, s30, s15, $0xb8;
	[tilespmem:$0x1CA60] =	vst v63  }
0x45: {  	_ =	swait.ge [sflag:s19], $0x2000  }
0x46: {  	[sflag:s19] =	ssyncset.done $0x0  }
0x47: {  	s31 =	simm.s32 $0x2790;
	[sflag:s19] =	ssyncadd.s32 $0xFFFFE000  }
0x48: {  	[spmem:s2] =	stream.indirect.scatter.add.f32 [tilespmem:s17], [sflag:$0x3], $0x40, s31, s15, $0xb8;
	[tilespmem:$0x1CA60] =	vst v63  }
0x49: {  	_ =	swait.ge [sflag:s13], $0x2000  }
0x4a: {  	s28 =	simm.s32 $0x800;
	s26 =	simm.s32 $0x100;
	[sflag:s13] =	ssyncset.done $0x0  }
.LBB2_6:
0x4b: {  	s29 =	sadd.s32 $0x80, s26  }
0x4c: {  	[sflag:s13] =	ssyncadd.s32 $0xFFFFE000;
	s30 =	smov.u32 s28;
	s31 =	sadd.s32 $0x400, s28  }
0x4d: {  	[tilespmem:s17], [sflag:$0x2] =	stream.indirect.gather [hbm4b:s1+s15], $0x40, s29, s15, $0xb8;
	[tilespmem:$0x1CA60] =	vst v63  }
0x4e: {  	p1 =	sne.s32 s28, $0x9400;
	_ =	swait.ge [sflag:s18], $0x2000  }
0x4f: {  	[sflag:s18] =	ssyncset.done $0x0  }
0x50: {  	s28 =	sadd.s32 $0x2710, s26;
	[sflag:s18] =	ssyncadd.s32 $0xFFFFE000  }
0x51: {  	[spmem:s2] =	stream.indirect.scatter.add.f32 [tilespmem:s16], [sflag:$0x3], $0x40, s28, s15, $0xb8;
	[tilespmem:$0x1CA60] =	vst v63  }
0x52: {  	_ =	swait.ge [sflag:s13], $0x2000  }
0x53: {  	[sflag:s13] =	ssyncset.done $0x0  }
0x54: {  	s28 =	sadd.s32 $0x100, s26;
	[sflag:s13] =	ssyncadd.s32 $0xFFFFE000  }
0x55: {  	[tilespmem:s16], [sflag:$0x1] =	stream.indirect.gather [hbm4b:s1+s15], $0x40, s28, s15, $0xb8;
	[tilespmem:$0x1CA60] =	vst v63  }
0x56: {  	_ =	swait.ge [sflag:s19], $0x2000  }
.Ltmp2:
0x57: {  	[sflag:s19] =	ssyncset.done $0x0;
	(pc) =	sbr.rel @p1 .LBB2_6-.Ltmp2, $4  }
0x58: {  	s26 =	sadd.s32 $0x2790, s26;
	[sflag:s19] =	ssyncadd.s32 $0xFFFFE000  }
0x59: {  	[spmem:s2] =	stream.indirect.scatter.add.f32 [tilespmem:s17], [sflag:$0x3], $0x40, s26, s15, $0xb8;
	[tilespmem:$0x1CA60] =	vst v63  }
0x5a: {  	_ =	swait.ge [sflag:s13], $0x2000  }
0x5b: {  	s28 =	smov.u32 s31;
	s26 =	sshra.s32 s30, $0x2;
	[sflag:s13] =	ssyncset.done $0x0  }
0x5c: {  	s28 =	sadd.s32 $0x80, s26;
	[sflag:s13] =	ssyncadd.s32 $0xFFFFE000  }
0x5d: {  	[tilespmem:s17], [sflag:$0x2] =	stream.indirect.gather [hbm4b:s1+s15], $0x40, s28, s15, $0xb8;
	[tilespmem:$0x1CA60] =	vst v63  }
0x5e: {  	_ =	swait.ge [sflag:s18], $0x2000  }
0x5f: {  	[sflag:s18] =	ssyncset.done $0x0  }
0x60: {  	s29 =	sadd.s32 $0x2710, s26;
	[sflag:s18] =	ssyncadd.s32 $0xFFFFE000  }
0x61: {  	[spmem:s2] =	stream.indirect.scatter.add.f32 [tilespmem:s16], [sflag:$0x3], $0x40, s29, s15, $0xb8;
	[tilespmem:$0x1CA60] =	vst v63  }
0x62: {  	_ =	swait.ge [sflag:s13], $0x2000  }
0x63: {  	[sflag:s13] =	ssyncset.done $0x0  }
0x64: {  	s30 =	sadd.s32 $0x100, s26;
	[sflag:s13] =	ssyncadd.s32 $0xFFFFE000  }
0x65: {  	[tilespmem:s16], [sflag:$0x1] =	stream.indirect.gather [hbm4b:s1+s15], $0x40, s30, s15, $0xb8;
	[tilespmem:$0x1CA60] =	vst v63  }
0x66: {  	_ =	swait.ge [sflag:s19], $0x2000  }
0x67: {  	[sflag:s19] =	ssyncset.done $0x0  }
0x68: {  	s31 =	sadd.s32 $0x2790, s26;
	[sflag:s19] =	ssyncadd.s32 $0xFFFFE000  }
0x69: {  	[spmem:s2] =	stream.indirect.scatter.add.f32 [tilespmem:s17], [sflag:$0x3], $0x40, s31, s15, $0xb8;
	[tilespmem:$0x1CA60] =	vst v63  }
0x6a: {  	_ =	swait.ge [sflag:s13], $0x2000  }
0x6b: {  	[sflag:s13] =	ssyncset.done $0x0  }
0x6c: {  	[sflag:s13] =	ssyncadd.s32 $0xFFFFE000  }
0x6d: {  	[tilespmem:s17], [sflag:$0x2] =	stream.indirect.gather [hbm4b:s1+s15], $0x40, s20, s15, $0xb8;
	[tilespmem:$0x1CA60] =	vst v63  }
0x6e: {  	_ =	swait.ge [sflag:s18], $0x2000  }
0x6f: {  	[sflag:s18] =	ssyncset.done $0x0  }
0x70: {  	[sflag:s18] =	ssyncadd.s32 $0xFFFFE000  }
0x71: {  	[spmem:s2] =	stream.indirect.scatter.add.f32 [tilespmem:s16], [sflag:$0x3], $0x40, s21, s15, $0xb8;
	[tilespmem:$0x1CA60] =	vst v63  }
0x72: {  	_ =	swait.ge [sflag:s13], $0x2000  }
0x73: {  	[sflag:s13] =	ssyncset.done $0x0  }
0x74: {  	[sflag:s13] =	ssyncadd.s32 $0xFFFFE000  }
0x75: {  	_ =	swait.ge [sflag:s19], $0x2000  }
0x76: {  	[sflag:s19] =	ssyncset.done $0x0  }
0x77: {  	[sflag:s19] =	ssyncadd.s32 $0xFFFFE000  }
0x78: {  	[spmem:s2] =	stream.indirect.scatter.add.f32 [tilespmem:s17], [sflag:$0x3], $0x40, s22, s15, $0xb8;
	[tilespmem:$0x1CA60] =	vst v63  }
0x79: {  	_ =	swait.ge [sflag:s13], $0x2000  }
0x7a: {  	[sflag:s13] =	ssyncset.done $0x0  }
0x7b: {  	[sflag:s13] =	ssyncadd.s32 $0xFFFFE000  }
0x7c: {  	[tilespmem:s16], [sflag:$0x1] =	stream.indirect.gather [hbm4b:s1+s23], $0x40, s24, s23, $0xb8;
	[tilespmem:$0x1CA60] =	vst v63  }
0x7d: {  	_ =	swait.ge [sflag:s18], $0x400  }
0x7e: {  	[sflag:s18] =	ssyncset.done $0x0  }
0x7f: {  	[sflag:s18] =	ssyncadd.s32 $0xFFFFFC00  }
0x80: {  	[spmem:s2] =	stream.indirect.scatter.add.f32 [tilespmem:s16], [sflag:$0x3], $0x40, s25, s23, $0xb8;
	[tilespmem:$0x1CA60] =	vst v63  }
0x81: {  	_ =	swait.ge [sflag:s13], $0x400  }
0x82: {  	[sflag:s13] =	ssyncset.done $0x0  }
0x83: {  	[sflag:s13] =	ssyncadd.s32 $0xFFFFFC00  }
0x84: {  	s26 =	simm.s32 @p0 $0x8E20;
	s28 =	simm.s32 @p0 $0x3;
	[bflag:$0x0] =	sbarrier.arrive $0xFFFF  }
0x85: {  	[tilespmem:s26], [sflag:$0x3] =	stream.linear.gather @p0 [spmem:s6], $0xA000, $0x38;
	[tilespmem:$0x1CA60] =	vst v63  }
0x86: {  	_ =	swait.ge @p0 [sflag:s28], $0xA000  }
0x87: {  	[sflag:s28] =	ssyncset.done @p0 $0x0  }
0x88: {  	s29 =	simm.s32 @p0 $0x0;
	[sflag:s28] =	ssyncadd.s32 @p0 $0xFFFF6000  }
0x89: {  	[hbm4b:s11+s29] =	stream.linear.scatter @p0 [tilespmem:s26], [sflag:$0x3], $0xA000, $0x38;
	[tilespmem:$0x1CA60] =	vst v63  }
0x8a: {  	_ =	swait.ge @p0 [sflag:s28], $0xA000  }
0x8b: {  	[sflag:s28] =	ssyncset.done @p0 $0x0  }
0x8c: {  	s26 =	simm.s32 @!p0 $0x8E20;
	[sflag:s28] =	ssyncadd.s32 @p0 $0xFFFF6000;
	s28 =	simm.s32 @!p0 $0x3  }
0x8d: {  	[tilespmem:s26], [sflag:$0x3] =	stream.linear.gather @!p0 [spmem:s9], $0x9C00, $0x38;
	[tilespmem:$0x1CA60] =	vst v63  }
0x8e: {  	s4 =	sadd.s32 $0x1, s4;
	_ =	swait.ge @!p0 [sflag:s28], $0x9C00  }
0x8f: {  	p1 =	sne.s32 s4, s12;
	[sflag:s28] =	ssyncset.done @!p0 $0x0  }
.Ltmp3:
0x90: {  	s29 =	simm.s32 @!p0 $0x0;
	[sflag:s28] =	ssyncadd.s32 @!p0 $0xFFFF6400;
	(pc) =	sbr.rel @p1 .LBB2_1-.Ltmp3, $4  }
0x91: {  	[hbm4b:s10+s29] =	stream.linear.scatter @!p0 [tilespmem:s26], [sflag:$0x3], $0x9C00, $0x38;
	[tilespmem:$0x1CA60] =	vst v63  }
0x92: {  	_ =	swait.ge @!p0 [sflag:s28], $0x9C00  }
0x93: {  	[sflag:s28] =	ssyncset.done @!p0 $0x0  }
0x94: {  	[sflag:s28] =	ssyncadd.s32 @!p0 $0xFFFF6400  }
0x95: {  	_ =	sfence.sel $0x180000  }
0x96: {  	[bflag:$0x0] =	sbarrier.arrive $0xFFFF  }
0x97: {  	p0 =	sne.s32 s3, $0x0;
	_ =	strace $0x9000004A  }
0x98: {  	s0 =	sadd.s32 @!p0 $0x100000, s0;
	[bflag:$0x2] =	sbarrier.arrive $0xFFFF  }
0x99: {  	[sflag:s0] =	ssyncadd.tile.s32 @!p0 $0x1;
	_ =	shalt  }
.Lfunc_end2:
_tile_overlayer_lowered:
.L_overlay_start_2:
0x9a: {  	(tag) =	ssettag $0x2  }
0x9b: {  	s0 =	rddreg [dreg:$0x0];
	s2 =	stileid.u32  }
0x9c: {  	s1 =	rddreg [dreg:$0x1];
	p0 =	sne.s32 s2, $0x0  }
0x9d: {  	s3 =	rddreg [dreg:$0x2];
	[bflag:$0x3] =	sbarrier.arrive $0xFFFF;
	s2 =	simm.s32 @!p0 $0x1C03  }
0x9e: {  	[timem:s3], [sflag:s2] =	dma.local @!p0 [hbm:s0], s1  }
0x9f: {  	s0 =	simm.s32 @!p0 $0x3  }
0xa0: {  	_ =	swait.ge @!p0 [sflag:s0], s1  }
0xa1: {  	s1 =	ssub.s32 @!p0 $0x0, s1;
	[sflag:s0] =	ssyncset.done @!p0 $0x0  }
0xa2: {  	[sflag:s0] =	ssyncadd.s32 @!p0 s1  }
0xa3: {  	[bflag:$0x3] =	sbarrier.arrive $0xFFFF  }
0xa4: {  	_ =	shalt  }

// kernel: kernel.8.cloned.1.call-start
scs
__scs_entry_jumppad:
0x0: {  	(pc) =	sbr.rel $0x88, $3  }
0x1: {  	(tag) =	ssettag $0x0;
	lr =	simm.s32 $0x1  }
0x2: {  	[smem:$0x3F89] =	sst lr;
	_ =	strace $0xD0000000  }
0x3: {  	_ = 	snop  }
0x4: {  	_ = 	snop  }
0x5: {  	_ = 	snop  }
0x6: {  	_ = 	snop  }
0x7: {  	_ = 	snop  }
__scs_overlays_trampoline_lowered:
0x8: {  	[smem:$0x3F98] =	sst s0  }
0x9: {  	[smem:$0x3F99] =	sst s1  }
0xa: {  	[smem:$0x3F9A] =	sst s2  }
0xb: {  	[smem:$0x3F9B] =	sst s3  }
0xc: {  	[smem:$0x3F9C] =	sst s4  }
0xd: {  	[smem:$0x3F9D] =	sst s5  }
0xe: {  	[smem:$0x3F9E] =	sst s6  }
0xf: {  	[smem:$0x3F9F] =	sst s7  }
0x10: {  	[smem:$0x3FA0] =	sst s8  }
0x11: {  	[smem:$0x3FA1] =	sst s9;
	s0 =	simm.s32 @!p0 $0x0  }
0x12: {  	s1 =	sld [smem:$0x3F87];
	s0 =	simm.s32 @p0 $0x1  }
0x13: {  	[smem:$0x3FA2] =	sst s0;
	s0 =	simm.s32 @!p1 $0x0  }
0x14: {  	s2 =	sld [smem:$0x3F86];
	s0 =	simm.s32 @p1 $0x1  }
0x15: {  	[smem:$0x3FA3] =	sst s0;
	s0 =	simm.s32 @!p2 $0x0  }
0x16: {  	s3 =	sld [smem:$0x3FDB];
	s0 =	simm.s32 @p2 $0x1  }
0x17: {  	s4 =	simm.s32 $0x1BF5;
	[smem:$0x3FA5] =	sst s0  }
0x18: {  	s0 =	sld [smem:$0x3F88];
	_ =	swait.ge [sflag:s4], $0x0  }
0x19: {  	s7 =	sld [smem:$0x3F89]  }
0x1a: {  	s8 =	sadd.s32 $0xFFFFE003, lr  }
0x1b: {  	s9 =	sadd.s32 $0xFFFFFEF7, lr;
	s5 =	simm.s32 $0xFFFFFFFF;
	p2 =	slt.u32 s8, $0xFFFFF086  }
0x1c: {  	p1 =	slt.u32 s9, $0xF7A;
	s5 =	simm.s32 @!p2 $0x0  }
0x1d: {  	s5 =	simm.s32 @p1 $0x1;
	p0 =	seq.s32 s7, s2  }
0x1e: {  	s7 =	smul.u32 @!p0 $0xF7A, s2;
	p2 =	seq.s32 @!p0 s5, $0x0  }
0x1f: {  	s9 =	smul.u32 $0xF7A, s1;
	s8 =	simm.s32 @!p0 $0x1BF5;
	p2 =	por !p2, p0  }
0x20: {  	[sflag:s8] =	ssyncset.s32 @!p0 $0xFFFFF086;
	s6 =	sadd.s32 @!p0 s3, s7;
	s7 =	simm.s32 @!p0 $0x108  }
0x21: {  	s3 =	sadd.s32 s3, s9;
	s6 =	sadd.s32 @!p0 $0x88, s6;
	s7 =	simm.s32 @p2 $0x1082  }
0x22: {  	[simem:s7], [sflag:s8] =	dma.local @!p0 [hbm:s6], $0xF7A  }
0x23: {  	s9 =	sor.u32 $0xD0000000, s2;
	s6 =	simm.s32 $0x108;
	_ =	swait.ge @!p0 [sflag:s8], $0x0  }
0x24: {  	s3 =	sadd.s32 $0x88, s3;
	s6 =	simm.s32 @!p1 $0x1082;
	[sflag:s4] =	ssyncset.s32 $0xFFFFF086  }
0x25: {  	[simem:s6], [sflag:s4] =	dma.local [hbm:s3], $0xF7A  }
0x26: {  	[smem:$0x3F89] =	sst s1;
	(tag) =	ssettag s2;
	_ =	strace s9  }
0x27: {  	s1 =	sld [smem:$0x3F99]  }
0x28: {  	s2 =	sld [smem:$0x3F9A]  }
0x29: {  	s4 =	sld [smem:$0x3F9C]  }
0x2a: {  	p0 =	seq.s32 s5, $0x0;
	s5 =	sld [smem:$0x3F9D]  }
0x2b: {  	s6 =	sld [smem:$0x3F9E]  }
0x2c: {  	s7 =	sld [smem:$0x3F9F]  }
0x2d: {  	s3 =	simm.s32 $0x108;
	s8 =	sld [smem:$0x3FA0]  }
0x2e: {  	s3 =	simm.s32 @!p0 $0x1082;
	s9 =	sld [smem:$0x3FA1]  }
0x2f: {  	lr =	sadd.s32 s0, s3;
	s0 =	sld [smem:$0x3F98]  }
0x30: {  	s3 =	sld [smem:$0x3F9B]  }
0x31: {  	[smem:$0x3FA4] =	sst s10  }
0x32: {  	s10 =	sld [smem:$0x3FA2];
	_ =	sdelay $0x3  }
0x33: {  	p0 =	seq.s32 s10, $0x1;
	s10 =	sld [smem:$0x3FA4];
	_ =	sdelay $0x3  }
0x34: {  	[smem:$0x3FA4] =	sst s10  }
0x35: {  	s10 =	sld [smem:$0x3FA3];
	_ =	sdelay $0x3  }
0x36: {  	p1 =	seq.s32 s10, $0x1;
	s10 =	sld [smem:$0x3FA4];
	_ =	sdelay $0x3  }
0x37: {  	[smem:$0x3FA4] =	sst s10  }
0x38: {  	s10 =	sld [smem:$0x3FA5]  }
0x39: {  	_ = 	snop;
	(pc) =	sbr.ind lr, $3  }
0x3a: {  	_ = 	snop  }
0x3b: {  	_ = 	snop  }
0x3c: {  	p2 =	seq.s32 s10, $0x1;
	s10 =	sld [smem:$0x3FA4]  }
0x3d: {  	_ =	shalt  }
0x3e: {  	_ =	shalt  }
0x3f: {  	_ =	shalt  }
0x40: {  	_ =	shalt  }
0x41: {  	_ =	shalt  }
0x42: {  	_ =	shalt  }
0x43: {  	_ =	shalt  }
0x44: {  	_ =	shalt  }
0x45: {  	_ =	shalt  }
0x46: {  	_ =	shalt  }
0x47: {  	_ =	shalt  }
0x48: {  	_ =	shalt  }
0x49: {  	_ =	shalt  }
0x4a: {  	_ =	shalt  }
0x4b: {  	_ =	shalt  }
0x4c: {  	_ =	shalt  }
0x4d: {  	_ =	shalt  }
0x4e: {  	_ =	shalt  }
0x4f: {  	_ =	shalt  }
0x50: {  	_ =	shalt  }
0x51: {  	_ =	shalt  }
0x52: {  	_ =	shalt  }
0x53: {  	_ =	shalt  }
0x54: {  	_ =	shalt  }
0x55: {  	_ =	shalt  }
0x56: {  	_ =	shalt  }
0x57: {  	_ =	shalt  }
0x58: {  	_ =	shalt  }
0x59: {  	_ =	shalt  }
0x5a: {  	_ =	shalt  }
0x5b: {  	_ =	shalt  }
0x5c: {  	_ =	shalt  }
0x5d: {  	_ =	shalt  }
0x5e: {  	_ =	shalt  }
0x5f: {  	_ =	shalt  }
0x60: {  	_ =	shalt  }
0x61: {  	_ =	shalt  }
0x62: {  	_ =	shalt  }
0x63: {  	_ =	shalt  }
0x64: {  	_ =	shalt  }
0x65: {  	_ =	shalt  }
0x66: {  	_ =	shalt  }
0x67: {  	_ =	shalt  }
0x68: {  	_ =	shalt  }
0x69: {  	_ =	shalt  }
0x6a: {  	_ =	shalt  }
0x6b: {  	_ =	shalt  }
0x6c: {  	_ =	shalt  }
0x6d: {  	_ =	shalt  }
0x6e: {  	_ =	shalt  }
0x6f: {  	_ =	shalt  }
0x70: {  	_ =	shalt  }
0x71: {  	_ =	shalt  }
0x72: {  	_ =	shalt  }
0x73: {  	_ =	shalt  }
0x74: {  	_ =	shalt  }
0x75: {  	_ =	shalt  }
0x76: {  	_ =	shalt  }
0x77: {  	_ =	shalt  }
0x78: {  	_ =	shalt  }
0x79: {  	_ =	shalt  }
0x7a: {  	_ =	shalt  }
0x7b: {  	_ =	shalt  }
0x7c: {  	_ =	shalt  }
0x7d: {  	_ =	shalt  }
0x7e: {  	_ =	shalt  }
0x7f: {  	_ =	shalt  }
0x80: {  	_ =	shalt  }
0x81: {  	_ =	shalt  }
0x82: {  	_ =	shalt  }
0x83: {  	_ =	shalt  }
0x84: {  	_ =	shalt  }
0x85: {  	_ =	shalt  }
0x86: {  	_ =	shalt  }
0x87: {  	_ =	shalt  }
.Lfunc_end0:
.L_simem_size_0:
called_computation_lowered:
.L_overlay_start_0:
0x88: {  	s2 =	sld [smem:$0x3FD9]  }
0x89: {  	s3 =	sld [smem:$0x3FFE];
	_ =	sdelay $0x1  }
0x8a: {  	s1 =	srdreg.scid  }
0x8b: {  	s0 =	sand.u32 $0x1, s1  }
0x8c: {  	s14 =	sshll.u32 s0, $0xA;
	s2 =	sadd.s32 s3, s2  }
0x8d: {  	s2 =	sadd.s32 s2, s14  }
0x8e: {  	[smem:$0x3FB0] =	sst s2  }
0x8f: {  	_ = 	snop  }
0x90: {  	s2 =	sld [smem:$0x3FD0];
	_ =	sdelay $0x2  }
0x91: {  	s15 =	simm.s32 $0xA;
	s4 =	simm.s32 $0x10  }
0x92: {  	[smem:s4], [sflag:s15] =	dma.local [hbm:s2], $0x1  }
0x93: {  	_ =	swait.eq [sflag:s15], $0x1  }
0x94: {  	s16 =	sld [smem:$0x10];
	[sflag:s15] =	ssyncset.done $0x0  }
0x95: {  	s17 =	sld [smem:$0x11];
	[sflag:s15] =	ssyncadd.s32 $0xFFFFFFFF  }
0x96: {  	s18 =	sld [smem:$0x12];
	(tm) =	ssettm $0x1  }
0x97: {  	s5 =	sld [smem:$0x3FFB];
	_ =	sdelay $0x3  }
0x98: {  	_ =	strace s5  }
0x99: {  	s5 =	sld [smem:$0x3FFC];
	_ =	sdelay $0x3  }
0x9a: {  	_ =	strace s5  }
0x9b: {  	s5 =	sld [smem:$0x3FFD];
	_ =	sdelay $0x3  }
0x9c: {  	_ =	strace s5  }
0x9d: {  	_ =	strace $0x8FFFFFFF  }
0x9e: {  	s19 =	sld [smem:$0x3FDB];
	_ =	sdelay $0x1  }
0x9f: {  	s6 =	simm.s32 $_scs_section_size  }
0xa0: {  	s7 =	simm.s32 $_size__tile_overlayer_lowered;
	s8 =	simm.s32 $_tile_overlayer_lowered  }
0xa1: {  	s22 =	simm.s32 $0x1BFF;
	s21 =	sshll.u32 s8, $0x1;
	s5 =	sadd.s32 s6, s19  }
0xa2: {  	s9 =	simm.s32 $0x0;
	s20 =	sshll.u32 s7, $0x1;
	s7 =	sadd.s32 s21, s5  }
0xa3: {  	[timem:s9], [sflag:s22] =	dma.local [hbm:s7], s20  }
0xa4: {  	_ =	swait.ge [sflag:s22], s20  }
0xa5: {  	s6 =	ssub.s32 $0x0, s20;
	[sflag:s22] =	ssyncset.done $0x0  }
0xa6: {  	[sflag:s22] =	ssyncadd.s32 s6;
	_ =	sdelay $0x1  }
0xa7: {  	s23 =	simm.s32 $0x1B8B  }
0xa8: {  	_ =	swait.ge [sflag:s23], $0x1  }
0xa9: {  	[sflag:s23] =	ssyncset.done $0x0  }
0xaa: {  	s25 =	simm.s32 $0x1B8E;
	s24 =	sld [smem:$0x3FFE];
	[sflag:s23] =	ssyncadd.s32 $0xFFFFFFFF  }
0xab: {  	s26 =	simm.s32 $execute0_lowered;
	[smem:$0x3FD2] =	sst s25  }
0xac: {  	s7 =	sshll.u32 s26, $0x1;
	_ =	strace $0x80000046;
	[dreg:$0x1] =	wrdreg $0xFFFFFFFF  }
0xad: {  	s28 =	simm.s32 $_size_execute0_lowered;
	s5 =	sadd.s32 s5, s7;
	[dreg:$0x0] =	wrdreg $0x0  }
0xae: {  	s7 =	sshll.u32 s28, $0x1;
	[dreg:$0x2] =	wrdreg s5  }
0xaf: {  	[dreg:$0x3] =	wrdreg s7  }
0xb0: {  	[dreg:$0x4] =	wrdreg $0xC0  }
0xb1: {  	_ =	task [dreg:s9], $0x5FFFF  }
0xb2: {  	[dreg:$0x1] =	wrdreg $0xFFFFFFFF  }
0xb3: {  	[dreg:$0x0] =	wrdreg $0x60  }
0xb4: {  	[dreg:$0x2] =	wrdreg s16  }
0xb5: {  	[dreg:$0x3] =	wrdreg s17  }
0xb6: {  	[dreg:$0x4] =	wrdreg s18  }
0xb7: {  	[dreg:$0x5] =	wrdreg s24  }
0xb8: {  	[dreg:$0x6] =	wrdreg $0x131200  }
0xb9: {  	[dreg:$0x7] =	wrdreg $0x1CD600  }
0xba: {  	[dreg:$0x8] =	wrdreg $0x9  }
0xbb: {  	_ =	task.clear_ibuf [dreg:s9], $0x9FFFF;
	_ =	strace $0x90000046  }
0xbc: {  	s29 =	simm.s32 $0x9;
	_ =	strace $0x80000048  }
0xbd: {  	_ =	swait.ge [sflag:s29], $0x1  }
0xbe: {  	[sflag:s29] =	ssyncadd.s32 $0xFFFFFFFF  }
0xbf: {  	_ =	strace $0x90000048  }
0xc0: {  	_ =	sfence  }
0xc1: {  	s30 =	sld [smem:$0x0];
	_ =	sdelay $0x2  }
0xc2: {  	s31 =	sshll.u32 s1, $0xD;
	s1 =	sshrl.u32 s1, $0x2  }
0xc3: {  	s3 =	sand.u32 $0x4000, s31;
	s1 =	sadd.s32 s1, s30  }
0xc4: {  	s0 =	sor.u32 s3, s0;
	s1 =	sshll.u32 s1, $0x11  }
0xc5: {  	s0 =	sor.u32 s1, s0  }
0xc6: {  	s0 =	sadd.s32 $0x8F2B, s0  }
0xc7: {  	[sflag:s0] =	ssyncadd.remote.s32 $0x1  }
0xc8: {  	_ =	sfence.sel $0xFFFF  }
0xc9: {  	[dreg:$0x0] =	wrdreg $0xFFFFFFFF;
	(pc) =	sbr.abs _section_cstart, $3  }
0xca: {  	[dreg:$0x1] =	wrdreg $0xFFFFFFFF  }
0xcb: {  	_ =	task.clear_ibuf [dreg:s9], $0x2FFFF;
	_ =	strace $0x9FFFFFFF  }
0xcc: {  	(tm) =	ssettm $0x7FFFFFFF  }
0xcd: {  	_ =	shalt  }
tec
execute0_lowered:
.L_overlay_start_1:
0x0: {  	(tag) =	ssettag $0x1  }
0x1: {  	s1 =	rddreg [dreg:$0x0]  }
0x2: {  	s0 =	rddreg [dreg:$0x1]  }
0x3: {  	s5 =	rddreg [dreg:$0x2]  }
0x4: {  	s6 =	rddreg [dreg:$0x3]  }
0x5: {  	s2 =	rddreg [dreg:$0x4]  }
0x6: {  	s3 =	rddreg [dreg:$0x5]  }
0x7: {  	s4 =	simm.s32 $0x0;
	s7 =	srdreg.scid;
	s21 =	stileid.u32  }
0x8: {  	s29 =	simm.s32 $0x4D10;
	s30 =	simm.s32 $0x4D90;
	s8 =	smul.u32 $0x27000, s21  }
0x9: {  	s31 =	simm.s32 $0x10;
	[smem:$0x7FF] =	sst s4;
	s12 =	smul.u32 $0x9C0, s21  }
0xa: {  	s16 =	sadd.s32 $0x55200, s6;
	s11 =	sand.u32 $0x1, s7;
	s14 =	smul.u32 $0x9C00, s21  }
0xb: {  	s17 =	sadd.s32 $0x7C400, s6;
	s19 =	smul.u32 $0x270, s21;
	p0 =	seq.s32 s21, $0xF  }
0xc: {  	_ =	strace $0x80000047;
	s7 =	ssub.s32 $0x2, s11;
	s9 =	sshll.u32 s11, $0x4  }
0xd: {  	s15 =	smul.u32 $0x9C400, s11;
	s10 =	sshrl.u32 s7, $0x1;
	s9 =	sor.u32 s21, s9  }
0xe: {  	s12 =	sshrl.u32 s12, $0x2;
	s21 =	simm.s32 $0x80;
	s18 =	ssub.s32 s7, s10  }
0xf: {  	s13 =	smul.u32 $0x4E2, s9;
	s10 =	sshrl.u32 s8, $0x2;
	s20 =	sadd.s32 s12, s3  }
0x10: {  	s8 =	sadd.s32 $0x92400, s2;
	s9 =	sadd.s32 $0x2490, s3;
	s22 =	sadd.s32 s14, s15  }
0x11: {  	s12 =	sadd.s32 s14, s2;
	s14 =	sadd.s32 s19, s3;
	s24 =	sshrl.u32 s15, $0x3  }
0x12: {  	s6 =	sadd.s32 s10, s2;
	[dreg:$0x8] =	wrdreg s20;
	s20 =	smul.u32 $0x2710, s11  }
0x13: {  	s26 =	sadd.s32 s16, s24;
	s18 =	smax.u32 s18, $0x1;
	s24 =	simm.s32 $0x1  }
0x14: {  	[dreg:$0x7] =	wrdreg s6;
	s10 =	sadd.s32 s0, s13;
	s11 =	sadd.s32 s5, s13  }
0x15: {  	s0 =	sshrl.u32 s22, $0x3;
	s22 =	simm.s32 $0x4E20;
	s5 =	simm.s32 $0x4E10  }
0x16: {  	s13 =	sadd.s32 s16, s0;
	s23 =	sadd.s32 s19, s20;
	s25 =	sshrl.u32 s20, $0x3  }
0x17: {  	s16 =	sadd.s32 $0x12480, s26;
	s19 =	simm.s32 $0x3;
	s26 =	simm.s32 $0x2  }
0x18: {  	s0 =	sshrl.u32 s23, $0x3;
	s28 =	sadd.s32 s17, s25;
	s23 =	simm.s32 $0x6E20  }
0x19: {  	v0 =	vimm.f32 $0.0e+00;
	v1 =	vimm.f32 $1.000000000e+00;
	s25 =	simm.s32 $0x12E20;
	s15 =	sadd.s32 s17, s0;
	s17 =	sadd.s32 $0x492, s28  }
.LBB2_1:
0x1a: {  	s28 =	simm.s32 $0x100;
	s20 =	simm.s32 $0x0  }
.LBB2_2:
0x1b: {  	p1 =	sne.s32 s28, $0x27F00;
	[tilespmem:s20+$0x8E50] =	vst v0;
	s0 =	smov.u32 s28;
	s28 =	sadd.s32 $0x100, s28  }
.Ltmp0:
0x1c: {  	[tilespmem:s20+$0x8E40] =	vst v0;
	(pc) =	sbr.rel @p1 .LBB2_2-.Ltmp0, $3  }
0x1d: {  	[tilespmem:s20+$0x8E20] =	vst v0  }
0x1e: {  	[tilespmem:s20+$0x8E30] =	vst v0;
	_ =	sdelay $0x1  }
0x1f: {  	s20 =	sshra.s32 s0, $0x2  }
0x20: {  	[tilespmem:s20+$0x8E50] =	vst v0  }
0x21: {  	[tilespmem:s20+$0x8E40] =	vst v0  }
0x22: {  	[tilespmem:s20+$0x8E20] =	vst v0  }
0x23: {  	[tilespmem:s20+$0x8E30] =	vst v0  }
0x24: {  	[tilespmem:$0x12EA0] =	vst v0  }
0x25: {  	[tilespmem:$0x12EB0] =	vst v0  }
0x26: {  	[tilespmem:$0x12EC0] =	vst v0  }
0x27: {  	[tilespmem:$0x12ED0] =	vst v0  }
0x28: {  	[tilespmem:$0x12EE0] =	vst v0  }
0x29: {  	[tilespmem:$0x12EF0] =	vst v0  }
0x2a: {  	[tilespmem:$0x12F00] =	vst v0  }
0x2b: {  	[tilespmem:$0x12F10] =	vst v0  }
0x2c: {  	[tilespmem:$0x12F20] =	vst v0  }
0x2d: {  	[tilespmem:$0x12F30] =	vst v0  }
0x2e: {  	[tilespmem:$0x12F40] =	vst v0  }
0x2f: {  	[tilespmem:$0x12F50] =	vst v0  }
0x30: {  	[tilespmem:$0x12F60] =	vst v0  }
0x31: {  	[tilespmem:$0x12F70] =	vst v0  }
0x32: {  	[tilespmem:$0x12F80] =	vst v0  }
0x33: {  	[tilespmem:$0x12F90] =	vst v0  }
0x34: {  	[tilespmem:$0x12FA0] =	vst v0  }
0x35: {  	[tilespmem:$0x12FB0] =	vst v0  }
0x36: {  	[tilespmem:$0x12FC0] =	vst v0  }
0x37: {  	[tilespmem:$0x12FD0] =	vst v0  }
0x38: {  	[tilespmem:$0x12FE0] =	vst v0  }
0x39: {  	[tilespmem:$0x12FF0] =	vst v0  }
0x3a: {  	[tilespmem:$0x13000] =	vst v0  }
0x3b: {  	[tilespmem:$0x13010] =	vst v0  }
0x3c: {  	[tilespmem:$0x13020] =	vst v0  }
0x3d: {  	[tilespmem:$0x13030] =	vst v0  }
0x3e: {  	[tilespmem:$0x13040] =	vst v0  }
0x3f: {  	[tilespmem:$0x13050] =	vst v0  }
0x40: {  	[tilespmem:$0x13060] =	vst v0  }
0x41: {  	[tilespmem:$0x13070] =	vst v0  }
0x42: {  	[tilespmem:$0x13080] =	vst v0  }
0x43: {  	[tilespmem:$0x13090] =	vst v0  }
0x44: {  	[tilespmem:$0x130A0] =	vst v0  }
0x45: {  	[tilespmem:$0x130B0] =	vst v0  }
0x46: {  	[tilespmem:$0x130C0] =	vst v0  }
0x47: {  	[tilespmem:$0x130D0] =	vst v0  }
0x48: {  	[tilespmem:$0x130E0] =	vst v0  }
0x49: {  	[tilespmem:$0x130F0] =	vst v0  }
0x4a: {  	[tilespmem:$0x13100] =	vst v0  }
0x4b: {  	[tilespmem:$0x13110] =	vst v0  }
0x4c: {  	[tilespmem:$0x12E20] =	vst v1  }
0x4d: {  	[tilespmem:$0x12E30] =	vst v1  }
0x4e: {  	[tilespmem:$0x12E40] =	vst v1  }
0x4f: {  	[tilespmem:$0x12E50] =	vst v1  }
0x50: {  	[tilespmem:$0x12E60] =	vst v1  }
0x51: {  	[tilespmem:$0x12E70] =	vst v1  }
0x52: {  	[tilespmem:$0x12E80] =	vst v1  }
0x53: {  	s0 =	simm.s32 @p0 $0x8E20;
	[tilespmem:$0x12E90] =	vst v1  }
0x54: {  	[spmem:s8] =	stream.linear.scatter @p0 [tilespmem:s0], [sflag:$0x3], $0xA000, $0x38;
	[tilespmem:$0x1CFD8] =	vst v63  }
0x55: {  	s0 =	simm.s32 @p0 $0x3  }
0x56: {  	_ =	swait.ge @p0 [sflag:s0], $0xA000  }
0x57: {  	[sflag:s0] =	ssyncset.done @p0 $0x0  }
0x58: {  	s20 =	simm.s32 @p0 $0x12EA0;
	[sflag:s0] =	ssyncadd.s32 @p0 $0xFFFF6000  }
0x59: {  	[spmem:s9] =	stream.linear.scatter @p0 [tilespmem:s20], [sflag:$0x3], $0x280, $0x38;
	[tilespmem:$0x1CFD8] =	vst v63  }
0x5a: {  	_ =	swait.ge @p0 [sflag:s0], $0x280  }
0x5b: {  	[sflag:s0] =	ssyncset.done @p0 $0x0  }
0x5c: {  	s6 =	rddreg [dreg:$0x7];
	[sflag:s0] =	ssyncadd.s32 @p0 $0xFFFFFD80;
	s0 =	simm.s32 @!p0 $0x8E20  }
0x5d: {  	[spmem:s6] =	stream.linear.scatter @!p0 [tilespmem:s0], [sflag:$0x3], $0x9C00, $0x38;
	[tilespmem:$0x1CFD8] =	vst v63  }
0x5e: {  	s0 =	simm.s32 @!p0 $0x3  }
0x5f: {  	_ =	swait.ge @!p0 [sflag:s0], $0x9C00  }
0x60: {  	[sflag:s0] =	ssyncset.done @!p0 $0x0  }
0x61: {  	s20 =	simm.s32 @!p0 $0x12EA0;
	s6 =	rddreg [dreg:$0x8];
	[sflag:s0] =	ssyncadd.s32 @!p0 $0xFFFF6400  }
0x62: {  	[spmem:s6] =	stream.linear.scatter @!p0 [tilespmem:s20], [sflag:$0x3], $0x270, $0x38;
	[tilespmem:$0x1CFD8] =	vst v63  }
0x63: {  	_ =	swait.ge @!p0 [sflag:s0], $0x270  }
0x64: {  	[sflag:s0] =	ssyncset.done @!p0 $0x0  }
0x65: {  	s7 =	simm.s32 $0x0;
	[sflag:s0] =	ssyncadd.s32 @!p0 $0xFFFFFD90  }
0x66: {  	[tilespmem:s7], [sflag:$0x3] =	stream.linear.gather [hbm4b:s10+s7], $0x2710, $0x38;
	[tilespmem:$0x1CFD8] =	vst v63  }
0x67: {  	_ =	swait.ge [sflag:s19], $0x2710  }
0x68: {  	[sflag:s19] =	ssyncset.done $0x0  }
0x69: {  	s20 =	simm.s32 $0x2710;
	[sflag:s19] =	ssyncadd.s32 $0xFFFFD8F0  }
0x6a: {  	[tilespmem:s20], [sflag:$0x3] =	stream.linear.gather [hbm4b:s11+s7], $0x2710, $0x38;
	[tilespmem:$0x1CFD8] =	vst v63  }
0x6b: {  	_ =	swait.ge [sflag:s19], $0x2710  }
0x6c: {  	[sflag:s19] =	ssyncset.done $0x0  }
0x6d: {  	s28 =	simm.s32 $0x40;
	s20 =	simm.s32 $0x0;
	[sflag:s19] =	ssyncadd.s32 $0xFFFFD8F0  }
.LBB2_4:
0x6e: {  	p1 =	sne.s32 s28, $0x9C00;
	v2 =	vld [tilespmem:s20+$0x0];
	_ =	sdelay $0x1  }
.Ltmp1:
0x6f: {  	(pc) =	sbr.rel @p1 .LBB2_4-.Ltmp1, $3  }
0x70: {  	_ =	sdelay $0x1  }
0x71: {  	v2 =	vshll.u32 v2, $0x1  }
0x72: {  	[tilespmem:s20+$0x0] =	vst v2;
	s20 =	sshra.s32 s28, $0x2;
	s28 =	sadd.s32 $0x40, s28  }
0x73: {  	v2 =	vld [tilespmem:s20+$0x0];
	_ =	sdelay $0x4  }
0x74: {  	v2 =	vshll.u32 v2, $0x1  }
0x75: {  	[tilespmem:s20+$0x0] =	vst v2  }
0x76: {  	s0 =	simm.s32 $0x0;
	[bflag:$0x0] =	sbarrier.arrive $0xFFFF  }
0x77: {  	[tilespmem:s22], [sflag:$0x1] =	stream.indirect.gather [hbm4b:s1+s21], $0x40, s0, s21, $0xb8;
	[tilespmem:$0x1CFD8] =	vst v63  }
0x78: {  	s20 =	simm.s32 $0x80  }
0x79: {  	[tilespmem:s23], [sflag:$0x2] =	stream.indirect.gather [hbm4b:s1+s21], $0x40, s20, s21, $0xb8;
	[tilespmem:$0x1CFD8] =	vst v63  }
0x7a: {  	_ =	swait.ge [sflag:s24], $0x2000  }
0x7b: {  	[sflag:s24] =	ssyncset.done $0x0  }
0x7c: {  	s6 =	simm.s32 $0x2710;
	[sflag:s24] =	ssyncadd.s32 $0xFFFFE000  }
0x7d: {  	[spmem:s2] =	stream.indirect.scatter.add.f32 [tilespmem:s22], [sflag:$0x3], $0x40, s6, s21, $0xb8;
	[tilespmem:$0x1CFD8] =	vst v63  }
0x7e: {  	_ =	swait.ge [sflag:s19], $0x2000  }
0x7f: {  	[sflag:s19] =	ssyncset.done $0x0  }
0x80: {  	[sflag:s19] =	ssyncadd.s32 $0xFFFFE000  }
0x81: {  	[spmem:s3] =	stream.indirect.scatter.add.f32 [tilespmem:s25], [sflag:$0x3], $0x1, s6, s21, $0xb8;
	[tilespmem:$0x1CFD8] =	vst v63  }
0x82: {  	_ =	swait.ge [sflag:s19], $0x80  }
0x83: {  	[sflag:s19] =	ssyncset.done $0x0  }
0x84: {  	s7 =	simm.s32 $0x100;
	[sflag:s19] =	ssyncadd.s32 $0xFFFFFF80  }
0x85: {  	[tilespmem:s22], [sflag:$0x1] =	stream.indirect.gather [hbm4b:s1+s21], $0x40, s7, s21, $0xb8;
	[tilespmem:$0x1CFD8] =	vst v63  }
0x86: {  	_ =	swait.ge [sflag:s26], $0x2000  }
0x87: {  	[sflag:s26] =	ssyncset.done $0x0  }
0x88: {  	s20 =	simm.s32 $0x2790;
	[sflag:s26] =	ssyncadd.s32 $0xFFFFE000  }
0x89: {  	[spmem:s2] =	stream.indirect.scatter.add.f32 [tilespmem:s23], [sflag:$0x3], $0x40, s20, s21, $0xb8;
	[tilespmem:$0x1CFD8] =	vst v63  }
0x8a: {  	_ =	swait.ge [sflag:s19], $0x2000  }
0x8b: {  	[sflag:s19] =	ssyncset.done $0x0  }
0x8c: {  	[sflag:s19] =	ssyncadd.s32 $0xFFFFE000  }
0x8d: {  	[spmem:s3] =	stream.indirect.scatter.add.f32 [tilespmem:s25], [sflag:$0x3], $0x1, s20, s21, $0xb8;
	[tilespmem:$0x1CFD8] =	vst v63  }
0x8e: {  	_ =	swait.ge [sflag:s19], $0x80  }
0x8f: {  	s28 =	simm.s32 $0x800;
	s20 =	simm.s32 $0x100;
	[sflag:s19] =	ssyncset.done $0x0  }
.LBB2_6:
0x90: {  	s0 =	sadd.s32 $0x80, s20  }
0x91: {  	[sflag:s19] =	ssyncadd.s32 $0xFFFFFF80;
	s6 =	smov.u32 s28;
	s7 =	sadd.s32 $0x400, s28  }
0x92: {  	[tilespmem:s23], [sflag:$0x2] =	stream.indirect.gather [hbm4b:s1+s21], $0x40, s0, s21, $0xb8;
	[tilespmem:$0x1CFD8] =	vst v63  }
0x93: {  	p1 =	sne.s32 s28, $0x9400;
	_ =	swait.ge [sflag:s24], $0x2000  }
0x94: {  	[sflag:s24] =	ssyncset.done $0x0  }
0x95: {  	s0 =	sadd.s32 $0x2710, s20;
	[sflag:s24] =	ssyncadd.s32 $0xFFFFE000  }
0x96: {  	[spmem:s2] =	stream.indirect.scatter.add.f32 [tilespmem:s22], [sflag:$0x3], $0x40, s0, s21, $0xb8;
	[tilespmem:$0x1CFD8] =	vst v63  }
0x97: {  	_ =	swait.ge [sflag:s19], $0x2000  }
0x98: {  	[sflag:s19] =	ssyncset.done $0x0  }
0x99: {  	[sflag:s19] =	ssyncadd.s32 $0xFFFFE000  }
0x9a: {  	[spmem:s3] =	stream.indirect.scatter.add.f32 [tilespmem:s25], [sflag:$0x3], $0x1, s0, s21, $0xb8;
	[tilespmem:$0x1CFD8] =	vst v63  }
0x9b: {  	_ =	swait.ge [sflag:s19], $0x80  }
0x9c: {  	[sflag:s19] =	ssyncset.done $0x0  }
0x9d: {  	s0 =	sadd.s32 $0x100, s20;
	[sflag:s19] =	ssyncadd.s32 $0xFFFFFF80  }
0x9e: {  	[tilespmem:s22], [sflag:$0x1] =	stream.indirect.gather [hbm4b:s1+s21], $0x40, s0, s21, $0xb8;
	[tilespmem:$0x1CFD8] =	vst v63  }
0x9f: {  	_ =	swait.ge [sflag:s26], $0x2000  }
0xa0: {  	[sflag:s26] =	ssyncset.done $0x0  }
0xa1: {  	s0 =	sadd.s32 $0x2790, s20;
	[sflag:s26] =	ssyncadd.s32 $0xFFFFE000  }
0xa2: {  	[spmem:s2] =	stream.indirect.scatter.add.f32 [tilespmem:s23], [sflag:$0x3], $0x40, s0, s21, $0xb8;
	[tilespmem:$0x1CFD8] =	vst v63  }
0xa3: {  	_ =	swait.ge [sflag:s19], $0x2000  }
.Ltmp2:
0xa4: {  	[sflag:s19] =	ssyncset.done $0x0;
	(pc) =	sbr.rel @p1 .LBB2_6-.Ltmp2, $4  }
0xa5: {  	[sflag:s19] =	ssyncadd.s32 $0xFFFFE000  }
0xa6: {  	[spmem:s3] =	stream.indirect.scatter.add.f32 [tilespmem:s25], [sflag:$0x3], $0x1, s0, s21, $0xb8;
	[tilespmem:$0x1CFD8] =	vst v63  }
0xa7: {  	_ =	swait.ge [sflag:s19], $0x80  }
0xa8: {  	s28 =	smov.u32 s7;
	s20 =	sshra.s32 s6, $0x2;
	[sflag:s19] =	ssyncset.done $0x0  }
0xa9: {  	s0 =	sadd.s32 $0x80, s20;
	[sflag:s19] =	ssyncadd.s32 $0xFFFFFF80  }
0xaa: {  	[tilespmem:s23], [sflag:$0x2] =	stream.indirect.gather [hbm4b:s1+s21], $0x40, s0, s21, $0xb8;
	[tilespmem:$0x1CFD8] =	vst v63  }
0xab: {  	_ =	swait.ge [sflag:s24], $0x2000  }
0xac: {  	[sflag:s24] =	ssyncset.done $0x0  }
0xad: {  	s28 =	sadd.s32 $0x2710, s20;
	[sflag:s24] =	ssyncadd.s32 $0xFFFFE000  }
0xae: {  	[spmem:s2] =	stream.indirect.scatter.add.f32 [tilespmem:s22], [sflag:$0x3], $0x40, s28, s21, $0xb8;
	[tilespmem:$0x1CFD8] =	vst v63  }
0xaf: {  	_ =	swait.ge [sflag:s19], $0x2000  }
0xb0: {  	[sflag:s19] =	ssyncset.done $0x0  }
0xb1: {  	[sflag:s19] =	ssyncadd.s32 $0xFFFFE000  }
0xb2: {  	[spmem:s3] =	stream.indirect.scatter.add.f32 [tilespmem:s25], [sflag:$0x3], $0x1, s28, s21, $0xb8;
	[tilespmem:$0x1CFD8] =	vst v63  }
0xb3: {  	_ =	swait.ge [sflag:s19], $0x80  }
0xb4: {  	[sflag:s19] =	ssyncset.done $0x0  }
0xb5: {  	s6 =	sadd.s32 $0x100, s20;
	[sflag:s19] =	ssyncadd.s32 $0xFFFFFF80  }
0xb6: {  	[tilespmem:s22], [sflag:$0x1] =	stream.indirect.gather [hbm4b:s1+s21], $0x40, s6, s21, $0xb8;
	[tilespmem:$0x1CFD8] =	vst v63  }
0xb7: {  	_ =	swait.ge [sflag:s26], $0x2000  }
0xb8: {  	[sflag:s26] =	ssyncset.done $0x0  }
0xb9: {  	s7 =	sadd.s32 $0x2790, s20;
	[sflag:s26] =	ssyncadd.s32 $0xFFFFE000  }
0xba: {  	[spmem:s2] =	stream.indirect.scatter.add.f32 [tilespmem:s23], [sflag:$0x3], $0x40, s7, s21, $0xb8;
	[tilespmem:$0x1CFD8] =	vst v63  }
0xbb: {  	_ =	swait.ge [sflag:s19], $0x2000  }
0xbc: {  	[sflag:s19] =	ssyncset.done $0x0  }
0xbd: {  	[sflag:s19] =	ssyncadd.s32 $0xFFFFE000  }
0xbe: {  	[spmem:s3] =	stream.indirect.scatter.add.f32 [tilespmem:s25], [sflag:$0x3], $0x1, s7, s21, $0xb8;
	[tilespmem:$0x1CFD8] =	vst v63  }
0xbf: {  	_ =	swait.ge [sflag:s19], $0x80  }
0xc0: {  	[sflag:s19] =	ssyncset.done $0x0  }
0xc1: {  	s20 =	simm.s32 $0x2680;
	[sflag:s19] =	ssyncadd.s32 $0xFFFFFF80  }
0xc2: {  	[tilespmem:s23], [sflag:$0x2] =	stream.indirect.gather [hbm4b:s1+s21], $0x40, s20, s21, $0xb8;
	[tilespmem:$0x1CFD8] =	vst v63  }
0xc3: {  	_ =	swait.ge [sflag:s24], $0x2000  }
0xc4: {  	[sflag:s24] =	ssyncset.done $0x0  }
0xc5: {  	[sflag:s24] =	ssyncadd.s32 $0xFFFFE000  }
0xc6: {  	[spmem:s2] =	stream.indirect.scatter.add.f32 [tilespmem:s22], [sflag:$0x3], $0x40, s29, s21, $0xb8;
	[tilespmem:$0x1CFD8] =	vst v63  }
0xc7: {  	_ =	swait.ge [sflag:s19], $0x2000  }
0xc8: {  	[sflag:s19] =	ssyncset.done $0x0  }
0xc9: {  	[sflag:s19] =	ssyncadd.s32 $0xFFFFE000  }
0xca: {  	[spmem:s3] =	stream.indirect.scatter.add.f32 [tilespmem:s25], [sflag:$0x3], $0x1, s29, s21, $0xb8;
	[tilespmem:$0x1CFD8] =	vst v63  }
0xcb: {  	_ =	swait.ge [sflag:s19], $0x80  }
0xcc: {  	[sflag:s19] =	ssyncset.done $0x0  }
0xcd: {  	[sflag:s19] =	ssyncadd.s32 $0xFFFFFF80  }
0xce: {  	_ =	swait.ge [sflag:s26], $0x2000  }
0xcf: {  	[sflag:s26] =	ssyncset.done $0x0  }
0xd0: {  	[sflag:s26] =	ssyncadd.s32 $0xFFFFE000  }
0xd1: {  	[spmem:s2] =	stream.indirect.scatter.add.f32 [tilespmem:s23], [sflag:$0x3], $0x40, s30, s21, $0xb8;
	[tilespmem:$0x1CFD8] =	vst v63  }
0xd2: {  	_ =	swait.ge [sflag:s19], $0x2000  }
0xd3: {  	[sflag:s19] =	ssyncset.done $0x0  }
0xd4: {  	[sflag:s19] =	ssyncadd.s32 $0xFFFFE000  }
0xd5: {  	[spmem:s3] =	stream.indirect.scatter.add.f32 [tilespmem:s25], [sflag:$0x3], $0x1, s30, s21, $0xb8;
	[tilespmem:$0x1CFD8] =	vst v63  }
0xd6: {  	_ =	swait.ge [sflag:s19], $0x80  }
0xd7: {  	[sflag:s19] =	ssyncset.done $0x0  }
0xd8: {  	s28 =	simm.s32 $0x2700;
	[sflag:s19] =	ssyncadd.s32 $0xFFFFFF80  }
0xd9: {  	[tilespmem:s22], [sflag:$0x1] =	stream.indirect.gather [hbm4b:s1+s31], $0x40, s28, s31, $0xb8;
	[tilespmem:$0x1CFD8] =	vst v63  }
0xda: {  	_ =	swait.ge [sflag:s24], $0x400  }
0xdb: {  	[sflag:s24] =	ssyncset.done $0x0  }
0xdc: {  	[sflag:s24] =	ssyncadd.s32 $0xFFFFFC00  }
0xdd: {  	[spmem:s2] =	stream.indirect.scatter.add.f32 [tilespmem:s22], [sflag:$0x3], $0x40, s5, s31, $0xb8;
	[tilespmem:$0x1CFD8] =	vst v63  }
0xde: {  	_ =	swait.ge [sflag:s19], $0x400  }
0xdf: {  	[sflag:s19] =	ssyncset.done $0x0  }
0xe0: {  	[sflag:s19] =	ssyncadd.s32 $0xFFFFFC00  }
0xe1: {  	[spmem:s3] =	stream.indirect.scatter.add.f32 [tilespmem:s25], [sflag:$0x3], $0x1, s5, s31, $0xb8;
	[tilespmem:$0x1CFD8] =	vst v63  }
0xe2: {  	_ =	swait.ge [sflag:s19], $0x10  }
0xe3: {  	[sflag:s19] =	ssyncset.done $0x0  }
0xe4: {  	[sflag:s19] =	ssyncadd.s32 $0xFFFFFFF0  }
0xe5: {  	s0 =	simm.s32 @p0 $0x8E20;
	s6 =	simm.s32 @p0 $0x3;
	[bflag:$0x0] =	sbarrier.arrive $0xFFFF  }
0xe6: {  	[tilespmem:s0], [sflag:$0x3] =	stream.linear.gather @p0 [spmem:s8], $0xA000, $0x38;
	[tilespmem:$0x1CFD8] =	vst v63  }
0xe7: {  	_ =	swait.ge @p0 [sflag:s6], $0xA000  }
0xe8: {  	[sflag:s6] =	ssyncset.done @p0 $0x0  }
0xe9: {  	s7 =	simm.s32 @p0 $0x0;
	[sflag:s6] =	ssyncadd.s32 @p0 $0xFFFF6000  }
0xea: {  	[hbm4b:s16+s7] =	stream.linear.scatter @p0 [tilespmem:s0], [sflag:$0x3], $0xA000, $0x38;
	[tilespmem:$0x1CFD8] =	vst v63  }
0xeb: {  	_ =	swait.ge @p0 [sflag:s6], $0xA000  }
0xec: {  	[sflag:s6] =	ssyncset.done @p0 $0x0  }
0xed: {  	s0 =	simm.s32 @p0 $0x12EA0;
	[sflag:s6] =	ssyncadd.s32 @p0 $0xFFFF6000  }
0xee: {  	[tilespmem:s0], [sflag:$0x3] =	stream.linear.gather @p0 [spmem:s9], $0x280, $0x38;
	[tilespmem:$0x1CFD8] =	vst v63  }
0xef: {  	_ =	swait.ge @p0 [sflag:s6], $0x280  }
0xf0: {  	[sflag:s6] =	ssyncset.done @p0 $0x0  }
0xf1: {  	[sflag:s6] =	ssyncadd.s32 @p0 $0xFFFFFD80  }
0xf2: {  	[hbm4b:s17+s7] =	stream.linear.scatter @p0 [tilespmem:s0], [sflag:$0x3], $0x280, $0x38;
	[tilespmem:$0x1CFD8] =	vst v63  }
0xf3: {  	_ =	swait.ge @p0 [sflag:s6], $0x280  }
0xf4: {  	[sflag:s6] =	ssyncset.done @p0 $0x0  }
0xf5: {  	s0 =	simm.s32 @!p0 $0x8E20;
	[sflag:s6] =	ssyncadd.s32 @p0 $0xFFFFFD80;
	s6 =	simm.s32 @!p0 $0x3  }
0xf6: {  	[tilespmem:s0], [sflag:$0x3] =	stream.linear.gather @!p0 [spmem:s12], $0x9C00, $0x38;
	[tilespmem:$0x1CFD8] =	vst v63  }
0xf7: {  	_ =	swait.ge @!p0 [sflag:s6], $0x9C00  }
0xf8: {  	[sflag:s6] =	ssyncset.done @!p0 $0x0  }
0xf9: {  	s7 =	simm.s32 @!p0 $0x0;
	[sflag:s6] =	ssyncadd.s32 @!p0 $0xFFFF6400  }
0xfa: {  	[hbm4b:s13+s7] =	stream.linear.scatter @!p0 [tilespmem:s0], [sflag:$0x3], $0x9C00, $0x38;
	[tilespmem:$0x1CFD8] =	vst v63  }
0xfb: {  	_ =	swait.ge @!p0 [sflag:s6], $0x9C00  }
0xfc: {  	[sflag:s6] =	ssyncset.done @!p0 $0x0  }
0xfd: {  	s0 =	simm.s32 @!p0 $0x12EA0;
	[sflag:s6] =	ssyncadd.s32 @!p0 $0xFFFF6400  }
0xfe: {  	[tilespmem:s0], [sflag:$0x3] =	stream.linear.gather @!p0 [spmem:s14], $0x270, $0x38;
	[tilespmem:$0x1CFD8] =	vst v63  }
0xff: {  	s4 =	sadd.s32 $0x1, s4;
	_ =	swait.ge @!p0 [sflag:s6], $0x270  }
0x100: {  	p1 =	sne.s32 s4, s18;
	[sflag:s6] =	ssyncset.done @!p0 $0x0  }
.Ltmp3:
0x101: {  	[sflag:s6] =	ssyncadd.s32 @!p0 $0xFFFFFD90;
	(pc) =	sbr.rel @p1 .LBB2_1-.Ltmp3, $4  }
0x102: {  	[hbm4b:s15+s7] =	stream.linear.scatter @!p0 [tilespmem:s0], [sflag:$0x3], $0x270, $0x38;
	[tilespmem:$0x1CFD8] =	vst v63  }
0x103: {  	_ =	swait.ge @!p0 [sflag:s6], $0x270  }
0x104: {  	[sflag:s6] =	ssyncset.done @!p0 $0x0  }
0x105: {  	[sflag:s6] =	ssyncadd.s32 @!p0 $0xFFFFFD90  }
0x106: {  	_ =	sfence.sel $0x180000  }
0x107: {  	[bflag:$0x0] =	sbarrier.arrive $0xFFFF  }
0x108: {  	_ =	strace $0x90000047  }
0x109: {  	s0 =	stileid.u32;
	[bflag:$0x2] =	sbarrier.arrive $0xFFFF  }
0x10a: {  	p0 =	sne.s32 s0, $0x0;
	s0 =	rddreg [dreg:$0x6]  }
0x10b: {  	s0 =	sadd.s32 @!p0 $0x100000, s0  }
0x10c: {  	[sflag:s0] =	ssyncadd.tile.s32 @!p0 $0x1;
	_ =	shalt  }
.Lfunc_end2:
_tile_overlayer_lowered:
.L_overlay_start_2:
0x10d: {  	(tag) =	ssettag $0x2  }
0x10e: {  	s0 =	rddreg [dreg:$0x0];
	s2 =	stileid.u32  }
0x10f: {  	s1 =	rddreg [dreg:$0x1];
	p0 =	sne.s32 s2, $0x0  }
0x110: {  	s3 =	rddreg [dreg:$0x2];
	[bflag:$0x3] =	sbarrier.arrive $0xFFFF;
	s2 =	simm.s32 @!p0 $0x1C03  }
0x111: {  	[timem:s3], [sflag:s2] =	dma.local @!p0 [hbm:s0], s1  }
0x112: {  	s0 =	simm.s32 @!p0 $0x3  }
0x113: {  	_ =	swait.ge @!p0 [sflag:s0], s1  }
0x114: {  	s1 =	ssub.s32 @!p0 $0x0, s1;
	[sflag:s0] =	ssyncset.done @!p0 $0x0  }
0x115: {  	[sflag:s0] =	ssyncadd.s32 @!p0 s1  }
0x116: {  	[bflag:$0x3] =	sbarrier.arrive $0xFFFF  }
0x117: {  	_ =	shalt  }

</sc_bundles>
